<compile_context>
chip_gen: v7x
topology: tpu7x:2x2x1
jax: 0.10.2.dev20260603
libtpu: 0.0.44.dev20260713+nightly
codegen_flags: <defaults>
</compile_context>

<pallas_src>
import dataclasses

import jax
import jax.numpy as jnp
from jax import lax
from jax.experimental import pallas as pl
from jax.experimental.pallas import tpu as pltpu
from jax.experimental.pallas import tpu_sc as plsc

_B = 16384
_D = 64
_NU = (25, 100, 400, 750, 1200)
_PAIRS = tuple((a, c) for a in range(5) for c in range(a + 1, 5))
_NW = 32
_CH = _B // _NW
_NGRP = _CH // 16
_AOFF = (0, 128, 256, 768, 1536)
_TOFF = 2816
_BOFF = 5632
_AUXN = 5760
_EPS2 = 1e-24


_NA8 = tuple(-(-n // 8) * 8 for n in _NU)
_NSTRIP = tuple(-(-n // 128) for n in _NU)


def _gram_body(e2_ref, t3_ref, t4_ref, t5_ref, t6_ref, wrow_ref,
               b_ref, *refs):
    g_refs = refs[0:10]
    aux_ref = refs[10]

    e2 = e2_ref[...]
    tT = [None, t3_ref[...], t4_ref[...], t5_ref[...], t6_ref[...]]
    aux_ref[...] = jnp.zeros((_AUXN,), jnp.float32)
    for p, (a, c) in enumerate(_PAIRS):
        if a == 0:
            prod = jax.lax.dot_general(
                e2, tT[c], (((1,), (0,)), ((), ())),
                preferred_element_type=jnp.float32)
        else:
            prod = jax.lax.dot_general(
                tT[a], tT[c], (((0,), (0,)), ((), ())),
                preferred_element_type=jnp.float32)
        na, na8 = _NU[a], _NA8[a]
        for j in range(_NSTRIP[c]):
            w = min(128, _NU[c] - 128 * j)
            g_refs[p][pl.ds(j * na8, na), pl.ds(0, w)] = (
                prod[:, 128 * j:128 * j + w])
    wrow = wrow_ref[...]
    wcol = jnp.transpose(wrow)
    aux_ref[pl.ds(_AOFF[0], _NU[0])] = jnp.sum(e2 * e2, axis=1)
    aux_ref[pl.ds(_TOFF + _AOFF[0], _NU[0])] = jnp.sum(e2 * wrow, axis=1)
    for k in range(1, 5):
        t = tT[k]
        aux_ref[pl.ds(_AOFF[k], _NU[k])] = jnp.sum(t * t, axis=0)
        aux_ref[pl.ds(_TOFF + _AOFF[k], _NU[k])] = jnp.sum(t * wcol, axis=0)
    aux_ref[pl.ds(_BOFF, 16)] = jnp.broadcast_to(b_ref[...], (16,))


def _gram_tc(e2, tTs, wrow, b):
    full = lambda shape: pl.BlockSpec(shape, lambda: (0,) * len(shape))
    out_shapes = tuple(
        jax.ShapeDtypeStruct((_NA8[a] * _NSTRIP[c], 128), jnp.float32)
        for a, c in _PAIRS
    ) + (jax.ShapeDtypeStruct((_AUXN,), jnp.float32),)
    ins = [e2] + tTs + [wrow, b]
    return pl.pallas_call(
        _gram_body,
        in_specs=[full(x.shape) for x in ins],
        out_specs=tuple(full(s.shape) for s in out_shapes),
        out_shape=out_shapes,
    )(*ins)


def _rsqrt(s):
    i = plsc.bitcast(s, jnp.int32)
    y = plsc.bitcast(jnp.int32(0x5F3759DF) - (i >> 1), jnp.float32)
    xh = s * 0.5
    for _ in range(2):
        y = y * (1.5 - xh * y * y)
    return y


def _sc_body(*refs):
    idx_h = refs[0:5]
    g_h = refs[5:15]
    aux_h = refs[15]
    out_h = refs[16]
    idx_v = refs[17:22]
    aux_v = refs[22]
    comb_v = refs[23:31]
    gath_v = refs[31:39]
    g01_v, g02_v = refs[39], refs[40]
    out_v = refs[41]
    sem_in, sem_aux, sem_fill = refs[42], refs[43], refs[44]
    sem_g = refs[45:47]

    wid = lax.axis_index("s") * 2 + lax.axis_index("c")
    base = wid * _CH

    idx_cps = [pltpu.async_copy(idx_h[k].at[pl.ds(base, _CH)], idx_v[k],
                                sem_in) for k in range(5)]
    fill_cps = [pltpu.async_copy(g_h[0], g01_v, sem_fill),
                pltpu.async_copy(g_h[1], g02_v, sem_fill)]
    aux_cps = [pltpu.async_copy(aux_h, aux_v, sem_aux)]
    for cp in idx_cps:
        cp.wait()

    @pl.loop(0, _NGRP)
    def _(t):
        sl = pl.ds(t * 16, 16)
        iv = [idx_v[k][sl] for k in range(5)]
        for p, (a, c) in enumerate(_PAIRS[2:]):
            cb = iv[c]
            if _NSTRIP[c] == 1:
                comb_v[p][sl] = (iv[a] << 7) + cb
            else:
                comb_v[p][sl] = (
                    (((cb >> 7) * _NA8[a] + iv[a]) << 7) + (cb & 127))

    g_cps = []
    for h in range(2):
        hsl = pl.ds(h * (_CH // 2), _CH // 2)
        g_cps.append([pltpu.async_copy(
            g_h[2 + p].at[comb_v[p].at[hsl]], gath_v[p].at[hsl], sem_g[h])
            for p in range(8)])

    for cp in aux_cps:
        cp.wait()
    for cp in fill_cps:
        cp.wait()
    bvec = aux_v[pl.ds(_BOFF, 16)]

    for h in range(2):
      for cp in g_cps[h]:
          cp.wait()

      @pl.loop(h * (_NGRP // 2), (h + 1) * (_NGRP // 2))
      def _(t):
            sl = pl.ds(t * 16, 16)
            iv = [idx_v[k][sl] for k in range(5)]
            nsq = [plsc.load_gather(aux_v, [iv[k] + _AOFF[k]])
                   for k in range(5)]
            tw = [plsc.load_gather(aux_v, [iv[k] + (_TOFF + _AOFF[k])])
                  for k in range(5)]
            g23 = plsc.load_gather(g01_v, [(iv[0] << 7) + iv[1]])
            g24 = plsc.load_gather(
                g02_v,
                [(((iv[2] >> 7) * _NA8[0] + iv[0]) << 7) + (iv[2] & 127)])
            g25, g26, g34, g35, g36, g45, g46, g56 = (
                gath_v[p][sl] for p in range(8))
            inv2 = _rsqrt(jnp.maximum(nsq[0], _EPS2))
            h2 = nsq[0] * inv2 * inv2
            s3 = h2 + 2.0 * (g23 * inv2) + nsq[1]
            inv3 = _rsqrt(jnp.maximum(s3, _EPS2))
            h3 = s3 * inv3 * inv3
            x5 = g25 * inv2 + g35
            x6 = g26 * inv2 + g36
            a4 = (g24 * inv2 + g34) * inv3
            s4 = h3 + 2.0 * a4 + nsq[2]
            inv4 = _rsqrt(jnp.maximum(s4, _EPS2))
            h4 = s4 * inv4 * inv4
            a5 = (x5 * inv3 + g45) * inv4
            s5 = h4 + 2.0 * a5 + nsq[3]
            inv5 = _rsqrt(jnp.maximum(s5, _EPS2))
            h5 = s5 * inv5 * inv5
            a6 = ((x6 * inv3 + g46) * inv4 + g56) * inv5
            s6 = h5 + 2.0 * a6 + nsq[4]
            inv6 = _rsqrt(jnp.maximum(s6, _EPS2))
            logit = ((((tw[0] * inv2 + tw[1]) * inv3 + tw[2]) * inv4 + tw[3])
                     * inv5 + tw[4]) * inv6 + bvec
            out_v[sl] = 1.0 / (1.0 + jnp.exp(-logit))

    pltpu.sync_copy(out_v, out_h.at[pl.ds(base, _CH)])


def _sc_call(idxs, g_flats, aux):
    mesh = plsc.VectorSubcoreMesh(core_axis_name="c", subcore_axis_name="s")
    scratch = (
        [pltpu.VMEM((_CH,), jnp.int32) for _ in range(5)]
        + [pltpu.VMEM((_AUXN,), jnp.float32)]
        + [pltpu.VMEM((_CH,), jnp.int32) for _ in range(8)]
        + [pltpu.VMEM((_CH,), jnp.float32) for _ in range(8)]
        + [pltpu.VMEM((_NA8[0] * _NSTRIP[1] * 128,), jnp.float32),
           pltpu.VMEM((_NA8[0] * _NSTRIP[2] * 128,), jnp.float32)]
        + [pltpu.VMEM((_CH,), jnp.float32)]
        + [pltpu.SemaphoreType.DMA for _ in range(5)]
    )
    cp = pltpu.CompilerParams()
    if "needs_layout_passes" in pltpu.CompilerParams.__dataclass_fields__:
        cp = dataclasses.replace(cp, needs_layout_passes=False)
    run = pl.kernel(
        _sc_body,
        out_type=jax.ShapeDtypeStruct((_B,), jnp.float32),
        mesh=mesh,
        scratch_types=scratch,
        compiler_params=cp,
    )
    return run(*idxs, *g_flats, aux)


def kernel(naics_2_digit, naics_3_digit, naics_4_digit, naics_5_digit,
           naics_6_digit, E2, D3, D4, D5, D6, W, b):
    idxs = [x.astype(jnp.int32)
            for x in (naics_2_digit, naics_3_digit, naics_4_digit,
                      naics_5_digit, naics_6_digit)]
    tTs = [t.T for t in (D3, D4, D5, D6)]
    outs = _gram_tc(E2, tTs, W.reshape(1, _D), b.astype(jnp.float32))
    g_flats = [g.reshape(-1) for g in outs[:10]]
    aux = outs[10]
    out = _sc_call(idxs, g_flats, aux)
    return out.reshape(_B, 1)

# --- scband reference (transcript-rebuilt; emitter-appended) ---
"""Pipeline reference for scband-naicsembedding-model-6433861009662 (READ-ONLY COPY).

The authoritative reference and input builder live on the scoring server;
editing this copy changes nothing except your own understanding.
"""

import jax, jax.numpy as jnp
import numpy as np

B = 16384
EMBED_DIM = 64
NUNIQUE = {2: 25, 3: 100, 4: 400, 5: 750, 6: 1200}


def _l2_normalize(x, eps=1e-12):
    n = jnp.linalg.norm(x, ord=2, axis=-1, keepdims=True)
    return x / jnp.maximum(n, eps)


def setup_inputs(seed: int = 0) -> dict:
    key = jax.random.key(seed)
    ks = jax.random.split(key, 12)
    inp = {}
    inp["naics_2_digit"] = jax.random.randint(ks[0], (B,), 0, NUNIQUE[2], dtype=jnp.int32).astype(jnp.int64)
    inp["naics_3_digit"] = jax.random.randint(ks[1], (B,), 0, NUNIQUE[3], dtype=jnp.int32).astype(jnp.int64)
    inp["naics_4_digit"] = jax.random.randint(ks[2], (B,), 0, NUNIQUE[4], dtype=jnp.int32).astype(jnp.int64)
    inp["naics_5_digit"] = jax.random.randint(ks[3], (B,), 0, NUNIQUE[5], dtype=jnp.int32).astype(jnp.int64)
    inp["naics_6_digit"] = jax.random.randint(ks[4], (B,), 0, NUNIQUE[6], dtype=jnp.int32).astype(jnp.int64)
    inp["E2"] = jax.random.normal(ks[5], (NUNIQUE[2], EMBED_DIM), dtype=jnp.float32)
    inp["D3"] = jax.random.normal(ks[6], (NUNIQUE[3], EMBED_DIM), dtype=jnp.float32)
    inp["D4"] = jax.random.normal(ks[7], (NUNIQUE[4], EMBED_DIM), dtype=jnp.float32)
    inp["D5"] = jax.random.normal(ks[8], (NUNIQUE[5], EMBED_DIM), dtype=jnp.float32)
    inp["D6"] = jax.random.normal(ks[9], (NUNIQUE[6], EMBED_DIM), dtype=jnp.float32)
    inp["W"] = jax.random.normal(ks[10], (EMBED_DIM, 1), dtype=jnp.float32) * 0.02
    inp["b"] = jnp.zeros((1,), dtype=jnp.float32)
    return inp


def reference(naics_2_digit, naics_3_digit, naics_4_digit, naics_5_digit, naics_6_digit, E2, D3, D4, D5, D6, W, b):
    # eval mode: dropout is identity (training=False)
    e2 = _l2_normalize(jnp.take(E2, naics_2_digit, axis=0))
    e3 = _l2_normalize(e2 + jnp.take(D3, naics_3_digit, axis=0))
    e4 = _l2_normalize(e3 + jnp.take(D4, naics_4_digit, axis=0))
    e5 = _l2_normalize(e4 + jnp.take(D5, naics_5_digit, axis=0))
    e6 = _l2_normalize(e5 + jnp.take(D6, naics_6_digit, axis=0))
    logits = e6 @ W + b
    # config.is_classification = True
    return jax.nn.sigmoid(logits)

if __name__ == "__main__":
    import jax
    _d = setup_inputs()
    print(jax.jit(kernel)(*tuple(_d.values())))

</pallas_src>

<mosaic_0001>
#map = affine_map<(d0, d1) -> (0)>
module attributes {stable_mosaic.version = 14 : i64} {
  func.func @_sc_body(%arg0: i32, %arg1: i32, %arg2: memref<16384xi32, #tpu.memory_space<hbm>>, %arg3: memref<16384xi32, #tpu.memory_space<hbm>>, %arg4: memref<16384xi32, #tpu.memory_space<hbm>>, %arg5: memref<16384xi32, #tpu.memory_space<hbm>>, %arg6: memref<16384xi32, #tpu.memory_space<hbm>>, %arg7: memref<4096xf32, #tpu.memory_space<hbm>>, %arg8: memref<16384xf32, #tpu.memory_space<hbm>>, %arg9: memref<24576xf32, #tpu.memory_space<hbm>>, %arg10: memref<40960xf32, #tpu.memory_space<hbm>>, %arg11: memref<53248xf32, #tpu.memory_space<hbm>>, %arg12: memref<79872xf32, #tpu.memory_space<hbm>>, %arg13: memref<133120xf32, #tpu.memory_space<hbm>>, %arg14: memref<307200xf32, #tpu.memory_space<hbm>>, %arg15: memref<512000xf32, #tpu.memory_space<hbm>>, %arg16: memref<962560xf32, #tpu.memory_space<hbm>>, %arg17: memref<5760xf32, #tpu.memory_space<hbm>>, %arg18: memref<16384xf32, #tpu.memory_space<hbm>>, %arg19: memref<512xi32, #tpu.memory_space<vmem>>, %arg20: memref<512xi32, #tpu.memory_space<vmem>>, %arg21: memref<512xi32, #tpu.memory_space<vmem>>, %arg22: memref<512xi32, #tpu.memory_space<vmem>>, %arg23: memref<512xi32, #tpu.memory_space<vmem>>, %arg24: memref<5760xf32, #tpu.memory_space<vmem>>, %arg25: memref<512xi32, #tpu.memory_space<vmem>>, %arg26: memref<512xi32, #tpu.memory_space<vmem>>, %arg27: memref<512xi32, #tpu.memory_space<vmem>>, %arg28: memref<512xi32, #tpu.memory_space<vmem>>, %arg29: memref<512xi32, #tpu.memory_space<vmem>>, %arg30: memref<512xi32, #tpu.memory_space<vmem>>, %arg31: memref<512xi32, #tpu.memory_space<vmem>>, %arg32: memref<512xi32, #tpu.memory_space<vmem>>, %arg33: memref<512xf32, #tpu.memory_space<vmem>>, %arg34: memref<512xf32, #tpu.memory_space<vmem>>, %arg35: memref<512xf32, #tpu.memory_space<vmem>>, %arg36: memref<512xf32, #tpu.memory_space<vmem>>, %arg37: memref<512xf32, #tpu.memory_space<vmem>>, %arg38: memref<512xf32, #tpu.memory_space<vmem>>, %arg39: memref<512xf32, #tpu.memory_space<vmem>>, %arg40: memref<512xf32, #tpu.memory_space<vmem>>, %arg41: memref<4096xf32, #tpu.memory_space<vmem>>, %arg42: memref<16384xf32, #tpu.memory_space<vmem>>, %arg43: memref<512xf32, #tpu.memory_space<vmem>>, %arg44: memref<!tpu.dma_semaphore, #tpu.memory_space<semaphore_mem>>, %arg45: memref<!tpu.dma_semaphore, #tpu.memory_space<semaphore_mem>>, %arg46: memref<!tpu.dma_semaphore, #tpu.memory_space<semaphore_mem>>, %arg47: memref<!tpu.dma_semaphore, #tpu.memory_space<semaphore_mem>>, %arg48: memref<!tpu.dma_semaphore, #tpu.memory_space<semaphore_mem>>) attributes {dimension_semantics = [#tpu.dimension_semantics<core_parallel>, #tpu.dimension_semantics<subcore_parallel>], iteration_bounds = array<i64: 2, 16>, scalar_prefetch = 0 : i64, scratch_operands = 30 : i64, tpu.core_type = #tpu.core_type<sc_vector_subcore>, window_params = [{transform_indices = #map}, {transform_indices = #map}, {transform_indices = #map}, {transform_indices = #map}, {transform_indices = #map}, {transform_indices = #map}, {transform_indices = #map}, {transform_indices = #map}, {transform_indices = #map}, {transform_indices = #map}, {transform_indices = #map}, {transform_indices = #map}, {transform_indices = #map}, {transform_indices = #map}, {transform_indices = #map}, {transform_indices = #map}, {transform_indices = #map}]} {
    %mul3A = arith.constant 2 : i32
    %mul3A_0 = arith.muli %arg1, %mul3A : i32
    %add3A = arith.addi %mul3A_0, %arg0 : i32
    %mul3A_1 = arith.constant 512 : i32
    %mul3A_2 = arith.muli %add3A, %mul3A_1 : i32
    %dma_start3A = tpu.memref_slice %arg2[%mul3A_2] : memref<16384xi32, #tpu.memory_space<hbm>> -> memref<512xi32, #tpu.memory_space<hbm>>
    %dma_start3A_3 = tpu.memref_slice %arg2[%mul3A_2] : memref<16384xi32, #tpu.memory_space<hbm>> -> memref<512xi32, #tpu.memory_space<hbm>>
    tpu.enqueue_dma source(%dma_start3A_3 : memref<512xi32, #tpu.memory_space<hbm>>) target(%arg19 : memref<512xi32, #tpu.memory_space<vmem>>) target_semaphore(%arg44 : memref<!tpu.dma_semaphore, #tpu.memory_space<semaphore_mem>>)
    %dma_start3A_4 = tpu.memref_slice %arg3[%mul3A_2] : memref<16384xi32, #tpu.memory_space<hbm>> -> memref<512xi32, #tpu.memory_space<hbm>>
    %dma_start3A_5 = tpu.memref_slice %arg3[%mul3A_2] : memref<16384xi32, #tpu.memory_space<hbm>> -> memref<512xi32, #tpu.memory_space<hbm>>
    tpu.enqueue_dma source(%dma_start3A_5 : memref<512xi32, #tpu.memory_space<hbm>>) target(%arg20 : memref<512xi32, #tpu.memory_space<vmem>>) target_semaphore(%arg44 : memref<!tpu.dma_semaphore, #tpu.memory_space<semaphore_mem>>)
    %dma_start3A_6 = tpu.memref_slice %arg4[%mul3A_2] : memref<16384xi32, #tpu.memory_space<hbm>> -> memref<512xi32, #tpu.memory_space<hbm>>
    %dma_start3A_7 = tpu.memref_slice %arg4[%mul3A_2] : memref<16384xi32, #tpu.memory_space<hbm>> -> memref<512xi32, #tpu.memory_space<hbm>>
    tpu.enqueue_dma source(%dma_start3A_7 : memref<512xi32, #tpu.memory_space<hbm>>) target(%arg21 : memref<512xi32, #tpu.memory_space<vmem>>) target_semaphore(%arg44 : memref<!tpu.dma_semaphore, #tpu.memory_space<semaphore_mem>>)
    %dma_start3A_8 = tpu.memref_slice %arg5[%mul3A_2] : memref<16384xi32, #tpu.memory_space<hbm>> -> memref<512xi32, #tpu.memory_space<hbm>>
    %dma_start3A_9 = tpu.memref_slice %arg5[%mul3A_2] : memref<16384xi32, #tpu.memory_space<hbm>> -> memref<512xi32, #tpu.memory_space<hbm>>
    tpu.enqueue_dma source(%dma_start3A_9 : memref<512xi32, #tpu.memory_space<hbm>>) target(%arg22 : memref<512xi32, #tpu.memory_space<vmem>>) target_semaphore(%arg44 : memref<!tpu.dma_semaphore, #tpu.memory_space<semaphore_mem>>)
    %dma_start3A_10 = tpu.memref_slice %arg6[%mul3A_2] : memref<16384xi32, #tpu.memory_space<hbm>> -> memref<512xi32, #tpu.memory_space<hbm>>
    %dma_start3A_11 = tpu.memref_slice %arg6[%mul3A_2] : memref<16384xi32, #tpu.memory_space<hbm>> -> memref<512xi32, #tpu.memory_space<hbm>>
    tpu.enqueue_dma source(%dma_start3A_11 : memref<512xi32, #tpu.memory_space<hbm>>) target(%arg23 : memref<512xi32, #tpu.memory_space<vmem>>) target_semaphore(%arg44 : memref<!tpu.dma_semaphore, #tpu.memory_space<semaphore_mem>>)
    tpu.enqueue_dma source(%arg7 : memref<4096xf32, #tpu.memory_space<hbm>>) target(%arg41 : memref<4096xf32, #tpu.memory_space<vmem>>) target_semaphore(%arg46 : memref<!tpu.dma_semaphore, #tpu.memory_space<semaphore_mem>>)
    tpu.enqueue_dma source(%arg8 : memref<16384xf32, #tpu.memory_space<hbm>>) target(%arg42 : memref<16384xf32, #tpu.memory_space<vmem>>) target_semaphore(%arg46 : memref<!tpu.dma_semaphore, #tpu.memory_space<semaphore_mem>>)
    tpu.enqueue_dma source(%arg17 : memref<5760xf32, #tpu.memory_space<hbm>>) target(%arg24 : memref<5760xf32, #tpu.memory_space<vmem>>) target_semaphore(%arg45 : memref<!tpu.dma_semaphore, #tpu.memory_space<semaphore_mem>>)
    %dma_wait3A = tpu.memref_slice %arg2[%mul3A_2] : memref<16384xi32, #tpu.memory_space<hbm>> -> memref<512xi32, #tpu.memory_space<hbm>>
    %dma_wait3A_12 = tpu.memref_slice %arg2[%mul3A_2] : memref<16384xi32, #tpu.memory_space<hbm>> -> memref<512xi32, #tpu.memory_space<hbm>>
    tpu.wait_dma2 semaphore(%arg44 : memref<!tpu.dma_semaphore, #tpu.memory_space<semaphore_mem>>) src(%dma_wait3A_12 : memref<512xi32, #tpu.memory_space<hbm>>) dst(%arg19 : memref<512xi32, #tpu.memory_space<vmem>>)
    %dma_wait3A_13 = tpu.memref_slice %arg3[%mul3A_2] : memref<16384xi32, #tpu.memory_space<hbm>> -> memref<512xi32, #tpu.memory_space<hbm>>
    %dma_wait3A_14 = tpu.memref_slice %arg3[%mul3A_2] : memref<16384xi32, #tpu.memory_space<hbm>> -> memref<512xi32, #tpu.memory_space<hbm>>
    tpu.wait_dma2 semaphore(%arg44 : memref<!tpu.dma_semaphore, #tpu.memory_space<semaphore_mem>>) src(%dma_wait3A_14 : memref<512xi32, #tpu.memory_space<hbm>>) dst(%arg20 : memref<512xi32, #tpu.memory_space<vmem>>)
    %dma_wait3A_15 = tpu.memref_slice %arg4[%mul3A_2] : memref<16384xi32, #tpu.memory_space<hbm>> -> memref<512xi32, #tpu.memory_space<hbm>>
    %dma_wait3A_16 = tpu.memref_slice %arg4[%mul3A_2] : memref<16384xi32, #tpu.memory_space<hbm>> -> memref<512xi32, #tpu.memory_space<hbm>>
    tpu.wait_dma2 semaphore(%arg44 : memref<!tpu.dma_semaphore, #tpu.memory_space<semaphore_mem>>) src(%dma_wait3A_16 : memref<512xi32, #tpu.memory_space<hbm>>) dst(%arg21 : memref<512xi32, #tpu.memory_space<vmem>>)
    %dma_wait3A_17 = tpu.memref_slice %arg5[%mul3A_2] : memref<16384xi32, #tpu.memory_space<hbm>> -> memref<512xi32, #tpu.memory_space<hbm>>
    %dma_wait3A_18 = tpu.memref_slice %arg5[%mul3A_2] : memref<16384xi32, #tpu.memory_space<hbm>> -> memref<512xi32, #tpu.memory_space<hbm>>
    tpu.wait_dma2 semaphore(%arg44 : memref<!tpu.dma_semaphore, #tpu.memory_space<semaphore_mem>>) src(%dma_wait3A_18 : memref<512xi32, #tpu.memory_space<hbm>>) dst(%arg22 : memref<512xi32, #tpu.memory_space<vmem>>)
    %dma_wait3A_19 = tpu.memref_slice %arg6[%mul3A_2] : memref<16384xi32, #tpu.memory_space<hbm>> -> memref<512xi32, #tpu.memory_space<hbm>>
    %dma_wait3A_20 = tpu.memref_slice %arg6[%mul3A_2] : memref<16384xi32, #tpu.memory_space<hbm>> -> memref<512xi32, #tpu.memory_space<hbm>>
    tpu.wait_dma2 semaphore(%arg44 : memref<!tpu.dma_semaphore, #tpu.memory_space<semaphore_mem>>) src(%dma_wait3A_20 : memref<512xi32, #tpu.memory_space<hbm>>) dst(%arg23 : memref<512xi32, #tpu.memory_space<vmem>>)
    %scan3A = arith.constant 0 : i32
    %scan3A_21 = arith.constant 32 : i32
    %scan3A_22 = arith.addi %scan3A, %scan3A_21 : i32
    %scan3A_23 = arith.constant 1 : i32
    scf.for %scan3A_228 = %scan3A to %scan3A_22 step %scan3A_23  : i32 {
      %mul3A_229 = arith.constant 1 : i32
      %mul3A_230 = arith.muli %scan3A_228, %mul3A_229 : i32
      %add3A_231 = arith.constant 0 : i32
      %add3A_232 = arith.addi %add3A_231, %mul3A_230 : i32
      %mul3A_233 = arith.constant 16 : i32
      %mul3A_234 = arith.muli %add3A_232, %mul3A_233 : i32
      %get3A_235 = arith.index_cast %mul3A_234 : i32 to index
      %get3A_236 = tpu.vector_load %arg19[%get3A_235] {strides = array<i32>} : memref<512xi32, #tpu.memory_space<vmem>>, vector<16xi32>,
      %get3A_237 = arith.index_cast %mul3A_234 : i32 to index
      %get3A_238 = tpu.vector_load %arg20[%get3A_237] {strides = array<i32>} : memref<512xi32, #tpu.memory_space<vmem>>, vector<16xi32>,
      %get3A_239 = arith.index_cast %mul3A_234 : i32 to index
      %get3A_240 = tpu.vector_load %arg21[%get3A_239] {strides = array<i32>} : memref<512xi32, #tpu.memory_space<vmem>>, vector<16xi32>,
      %get3A_241 = arith.index_cast %mul3A_234 : i32 to index
      %get3A_242 = tpu.vector_load %arg22[%get3A_241] {strides = array<i32>} : memref<512xi32, #tpu.memory_space<vmem>>, vector<16xi32>,
      %get3A_243 = arith.index_cast %mul3A_234 : i32 to index
      %get3A_244 = tpu.vector_load %arg23[%get3A_243] {strides = array<i32>} : memref<512xi32, #tpu.memory_space<vmem>>, vector<16xi32>,
      %shift_right_arithmetic3A = arith.constant 7 : i32
      %shift_right_arithmetic3A_245 = vector.broadcast %shift_right_arithmetic3A : i32 to vector<16xi32>
      %shift_right_arithmetic3A_246 = arith.shrsi %get3A_242, %shift_right_arithmetic3A_245 : vector<16xi32>
      %mul3A_247 = arith.constant 32 : i32
      %mul3A_248 = vector.broadcast %mul3A_247 : i32 to vector<16xi32>
      %mul3A_249 = arith.muli %shift_right_arithmetic3A_246, %mul3A_248 : vector<16xi32>
      %add3A_250 = arith.addi %mul3A_249, %get3A_236 : vector<16xi32>
      %shift_left3A = arith.constant 7 : i32
      %shift_left3A_251 = vector.broadcast %shift_left3A : i32 to vector<16xi32>
      %shift_left3A_252 = arith.shli %add3A_250, %shift_left3A_251 : vector<16xi32>
      %and3A = arith.constant 127 : i32
      %and3A_253 = vector.broadcast %and3A : i32 to vector<16xi32>
      %and3A_254 = arith.andi %get3A_242, %and3A_253 : vector<16xi32>
      %add3A_255 = arith.addi %shift_left3A_252, %and3A_254 : vector<16xi32>
      %swap3A = arith.index_cast %mul3A_234 : i32 to index
      %swap3A_256 = tpu.vector_load %arg25[%swap3A] {strides = array<i32>} : memref<512xi32, #tpu.memory_space<vmem>>, vector<16xi32>,
      tpu.vector_store %arg25[%swap3A], %add3A_255 {strides = array<i32>} : memref<512xi32, #tpu.memory_space<vmem>>, vector<16xi32>,
      %shift_right_arithmetic3A_257 = arith.constant 7 : i32
      %shift_right_arithmetic3A_258 = vector.broadcast %shift_right_arithmetic3A_257 : i32 to vector<16xi32>
      %shift_right_arithmetic3A_259 = arith.shrsi %get3A_244, %shift_right_arithmetic3A_258 : vector<16xi32>
      %mul3A_260 = arith.constant 32 : i32
      %mul3A_261 = vector.broadcast %mul3A_260 : i32 to vector<16xi32>
      %mul3A_262 = arith.muli %shift_right_arithmetic3A_259, %mul3A_261 : vector<16xi32>
      %add3A_263 = arith.addi %mul3A_262, %get3A_236 : vector<16xi32>
      %shift_left3A_264 = arith.constant 7 : i32
      %shift_left3A_265 = vector.broadcast %shift_left3A_264 : i32 to vector<16xi32>
      %shift_left3A_266 = arith.shli %add3A_263, %shift_left3A_265 : vector<16xi32>
      %and3A_267 = arith.constant 127 : i32
      %and3A_268 = vector.broadcast %and3A_267 : i32 to vector<16xi32>
      %and3A_269 = arith.andi %get3A_244, %and3A_268 : vector<16xi32>
      %add3A_270 = arith.addi %shift_left3A_266, %and3A_269 : vector<16xi32>
      %swap3A_271 = arith.index_cast %mul3A_234 : i32 to index
      %swap3A_272 = tpu.vector_load %arg26[%swap3A_271] {strides = array<i32>} : memref<512xi32, #tpu.memory_space<vmem>>, vector<16xi32>,
      tpu.vector_store %arg26[%swap3A_271], %add3A_270 {strides = array<i32>} : memref<512xi32, #tpu.memory_space<vmem>>, vector<16xi32>,
      %shift_right_arithmetic3A_273 = arith.constant 7 : i32
      %shift_right_arithmetic3A_274 = vector.broadcast %shift_right_arithmetic3A_273 : i32 to vector<16xi32>
      %shift_right_arithmetic3A_275 = arith.shrsi %get3A_240, %shift_right_arithmetic3A_274 : vector<16xi32>
      %mul3A_276 = arith.constant 104 : i32
      %mul3A_277 = vector.broadcast %mul3A_276 : i32 to vector<16xi32>
      %mul3A_278 = arith.muli %shift_right_arithmetic3A_275, %mul3A_277 : vector<16xi32>
      %add3A_279 = arith.addi %mul3A_278, %get3A_238 : vector<16xi32>
      %shift_left3A_280 = arith.constant 7 : i32
      %shift_left3A_281 = vector.broadcast %shift_left3A_280 : i32 to vector<16xi32>
      %shift_left3A_282 = arith.shli %add3A_279, %shift_left3A_281 : vector<16xi32>
      %and3A_283 = arith.constant 127 : i32
      %and3A_284 = vector.broadcast %and3A_283 : i32 to vector<16xi32>
      %and3A_285 = arith.andi %get3A_240, %and3A_284 : vector<16xi32>
      %add3A_286 = arith.addi %shift_left3A_282, %and3A_285 : vector<16xi32>
      %swap3A_287 = arith.index_cast %mul3A_234 : i32 to index
      %swap3A_288 = tpu.vector_load %arg27[%swap3A_287] {strides = array<i32>} : memref<512xi32, #tpu.memory_space<vmem>>, vector<16xi32>,
      tpu.vector_store %arg27[%swap3A_287], %add3A_286 {strides = array<i32>} : memref<512xi32, #tpu.memory_space<vmem>>, vector<16xi32>,
      %shift_right_arithmetic3A_289 = arith.constant 7 : i32
      %shift_right_arithmetic3A_290 = vector.broadcast %shift_right_arithmetic3A_289 : i32 to vector<16xi32>
      %shift_right_arithmetic3A_291 = arith.shrsi %get3A_242, %shift_right_arithmetic3A_290 : vector<16xi32>
      %mul3A_292 = arith.constant 104 : i32
      %mul3A_293 = vector.broadcast %mul3A_292 : i32 to vector<16xi32>
      %mul3A_294 = arith.muli %shift_right_arithmetic3A_291, %mul3A_293 : vector<16xi32>
      %add3A_295 = arith.addi %mul3A_294, %get3A_238 : vector<16xi32>
      %shift_left3A_296 = arith.constant 7 : i32
      %shift_left3A_297 = vector.broadcast %shift_left3A_296 : i32 to vector<16xi32>
      %shift_left3A_298 = arith.shli %add3A_295, %shift_left3A_297 : vector<16xi32>
      %and3A_299 = arith.constant 127 : i32
      %and3A_300 = vector.broadcast %and3A_299 : i32 to vector<16xi32>
      %and3A_301 = arith.andi %get3A_242, %and3A_300 : vector<16xi32>
      %add3A_302 = arith.addi %shift_left3A_298, %and3A_301 : vector<16xi32>
      %swap3A_303 = arith.index_cast %mul3A_234 : i32 to index
      %swap3A_304 = tpu.vector_load %arg28[%swap3A_303] {strides = array<i32>} : memref<512xi32, #tpu.memory_space<vmem>>, vector<16xi32>,
      tpu.vector_store %arg28[%swap3A_303], %add3A_302 {strides = array<i32>} : memref<512xi32, #tpu.memory_space<vmem>>, vector<16xi32>,
      %shift_right_arithmetic3A_305 = arith.constant 7 : i32
      %shift_right_arithmetic3A_306 = vector.broadcast %shift_right_arithmetic3A_305 : i32 to vector<16xi32>
      %shift_right_arithmetic3A_307 = arith.shrsi %get3A_244, %shift_right_arithmetic3A_306 : vector<16xi32>
      %mul3A_308 = arith.constant 104 : i32
      %mul3A_309 = vector.broadcast %mul3A_308 : i32 to vector<16xi32>
      %mul3A_310 = arith.muli %shift_right_arithmetic3A_307, %mul3A_309 : vector<16xi32>
      %add3A_311 = arith.addi %mul3A_310, %get3A_238 : vector<16xi32>
      %shift_left3A_312 = arith.constant 7 : i32
      %shift_left3A_313 = vector.broadcast %shift_left3A_312 : i32 to vector<16xi32>
      %shift_left3A_314 = arith.shli %add3A_311, %shift_left3A_313 : vector<16xi32>
      %and3A_315 = arith.constant 127 : i32
      %and3A_316 = vector.broadcast %and3A_315 : i32 to vector<16xi32>
      %and3A_317 = arith.andi %get3A_244, %and3A_316 : vector<16xi32>
      %add3A_318 = arith.addi %shift_left3A_314, %and3A_317 : vector<16xi32>
      %swap3A_319 = arith.index_cast %mul3A_234 : i32 to index
      %swap3A_320 = tpu.vector_load %arg29[%swap3A_319] {strides = array<i32>} : memref<512xi32, #tpu.memory_space<vmem>>, vector<16xi32>,
      tpu.vector_store %arg29[%swap3A_319], %add3A_318 {strides = array<i32>} : memref<512xi32, #tpu.memory_space<vmem>>, vector<16xi32>,
      %shift_right_arithmetic3A_321 = arith.constant 7 : i32
      %shift_right_arithmetic3A_322 = vector.broadcast %shift_right_arithmetic3A_321 : i32 to vector<16xi32>
      %shift_right_arithmetic3A_323 = arith.shrsi %get3A_242, %shift_right_arithmetic3A_322 : vector<16xi32>
      %mul3A_324 = arith.constant 400 : i32
      %mul3A_325 = vector.broadcast %mul3A_324 : i32 to vector<16xi32>
      %mul3A_326 = arith.muli %shift_right_arithmetic3A_323, %mul3A_325 : vector<16xi32>
      %add3A_327 = arith.addi %mul3A_326, %get3A_240 : vector<16xi32>
      %shift_left3A_328 = arith.constant 7 : i32
      %shift_left3A_329 = vector.broadcast %shift_left3A_328 : i32 to vector<16xi32>
      %shift_left3A_330 = arith.shli %add3A_327, %shift_left3A_329 : vector<16xi32>
      %and3A_331 = arith.constant 127 : i32
      %and3A_332 = vector.broadcast %and3A_331 : i32 to vector<16xi32>
      %and3A_333 = arith.andi %get3A_242, %and3A_332 : vector<16xi32>
      %add3A_334 = arith.addi %shift_left3A_330, %and3A_333 : vector<16xi32>
      %swap3A_335 = arith.index_cast %mul3A_234 : i32 to index
      %swap3A_336 = tpu.vector_load %arg30[%swap3A_335] {strides = array<i32>} : memref<512xi32, #tpu.memory_space<vmem>>, vector<16xi32>,
      tpu.vector_store %arg30[%swap3A_335], %add3A_334 {strides = array<i32>} : memref<512xi32, #tpu.memory_space<vmem>>, vector<16xi32>,
      %shift_right_arithmetic3A_337 = arith.constant 7 : i32
      %shift_right_arithmetic3A_338 = vector.broadcast %shift_right_arithmetic3A_337 : i32 to vector<16xi32>
      %shift_right_arithmetic3A_339 = arith.shrsi %get3A_244, %shift_right_arithmetic3A_338 : vector<16xi32>
      %mul3A_340 = arith.constant 400 : i32
      %mul3A_341 = vector.broadcast %mul3A_340 : i32 to vector<16xi32>
      %mul3A_342 = arith.muli %shift_right_arithmetic3A_339, %mul3A_341 : vector<16xi32>
      %add3A_343 = arith.addi %mul3A_342, %get3A_240 : vector<16xi32>
      %shift_left3A_344 = arith.constant 7 : i32
      %shift_left3A_345 = vector.broadcast %shift_left3A_344 : i32 to vector<16xi32>
      %shift_left3A_346 = arith.shli %add3A_343, %shift_left3A_345 : vector<16xi32>
      %and3A_347 = arith.constant 127 : i32
      %and3A_348 = vector.broadcast %and3A_347 : i32 to vector<16xi32>
      %and3A_349 = arith.andi %get3A_244, %and3A_348 : vector<16xi32>
      %add3A_350 = arith.addi %shift_left3A_346, %and3A_349 : vector<16xi32>
      %swap3A_351 = arith.index_cast %mul3A_234 : i32 to index
      %swap3A_352 = tpu.vector_load %arg31[%swap3A_351] {strides = array<i32>} : memref<512xi32, #tpu.memory_space<vmem>>, vector<16xi32>,
      tpu.vector_store %arg31[%swap3A_351], %add3A_350 {strides = array<i32>} : memref<512xi32, #tpu.memory_space<vmem>>, vector<16xi32>,
      %shift_right_arithmetic3A_353 = arith.constant 7 : i32
      %shift_right_arithmetic3A_354 = vector.broadcast %shift_right_arithmetic3A_353 : i32 to vector<16xi32>
      %shift_right_arithmetic3A_355 = arith.shrsi %get3A_244, %shift_right_arithmetic3A_354 : vector<16xi32>
      %mul3A_356 = arith.constant 752 : i32
      %mul3A_357 = vector.broadcast %mul3A_356 : i32 to vector<16xi32>
      %mul3A_358 = arith.muli %shift_right_arithmetic3A_355, %mul3A_357 : vector<16xi32>
      %add3A_359 = arith.addi %mul3A_358, %get3A_242 : vector<16xi32>
      %shift_left3A_360 = arith.constant 7 : i32
      %shift_left3A_361 = vector.broadcast %shift_left3A_360 : i32 to vector<16xi32>
      %shift_left3A_362 = arith.shli %add3A_359, %shift_left3A_361 : vector<16xi32>
      %and3A_363 = arith.constant 127 : i32
      %and3A_364 = vector.broadcast %and3A_363 : i32 to vector<16xi32>
      %and3A_365 = arith.andi %get3A_244, %and3A_364 : vector<16xi32>
      %add3A_366 = arith.addi %shift_left3A_362, %and3A_365 : vector<16xi32>
      %swap3A_367 = arith.index_cast %mul3A_234 : i32 to index
      %swap3A_368 = tpu.vector_load %arg32[%swap3A_367] {strides = array<i32>} : memref<512xi32, #tpu.memory_space<vmem>>, vector<16xi32>,
      tpu.vector_store %arg32[%swap3A_367], %add3A_366 {strides = array<i32>} : memref<512xi32, #tpu.memory_space<vmem>>, vector<16xi32>,
    }
    %scan3A_24 = arith.constant 32 : i32
    %dma_start3A_25 = arith.constant 0 : i32
    %dma_start3A_26 = tpu.memref_slice %arg33[%dma_start3A_25] : memref<512xf32, #tpu.memory_space<vmem>> -> memref<256xf32, #tpu.memory_space<vmem>>
    %dma_start3A_27 = arith.constant 0 : i32
    %dma_start3A_28 = tpu.memref_slice %arg25[%dma_start3A_27] : memref<512xi32, #tpu.memory_space<vmem>> -> memref<256xi32, #tpu.memory_space<vmem>>
    %dma_start3A_29 = arith.constant 0 : i32
    %dma_start3A_30 = tpu.memref_slice %arg9[%dma_start3A_29] : memref<24576xf32, #tpu.memory_space<hbm>> -> memref<24576xf32, #tpu.memory_space<hbm>>
    tpu.enqueue_indirect_dma source(%dma_start3A_30 : memref<24576xf32, #tpu.memory_space<hbm>>) target(%dma_start3A_26 : memref<256xf32, #tpu.memory_space<vmem>>) offsets(%dma_start3A_28 : memref<256xi32, #tpu.memory_space<vmem>>) semaphore(%arg47 : memref<!tpu.dma_semaphore, #tpu.memory_space<semaphore_mem>>)
    %dma_start3A_31 = arith.constant 0 : i32
    %dma_start3A_32 = tpu.memref_slice %arg34[%dma_start3A_31] : memref<512xf32, #tpu.memory_space<vmem>> -> memref<256xf32, #tpu.memory_space<vmem>>
    %dma_start3A_33 = arith.constant 0 : i32
    %dma_start3A_34 = tpu.memref_slice %arg26[%dma_start3A_33] : memref<512xi32, #tpu.memory_space<vmem>> -> memref<256xi32, #tpu.memory_space<vmem>>
    %dma_start3A_35 = arith.constant 0 : i32
    %dma_start3A_36 = tpu.memref_slice %arg10[%dma_start3A_35] : memref<40960xf32, #tpu.memory_space<hbm>> -> memref<40960xf32, #tpu.memory_space<hbm>>
    tpu.enqueue_indirect_dma source(%dma_start3A_36 : memref<40960xf32, #tpu.memory_space<hbm>>) target(%dma_start3A_32 : memref<256xf32, #tpu.memory_space<vmem>>) offsets(%dma_start3A_34 : memref<256xi32, #tpu.memory_space<vmem>>) semaphore(%arg47 : memref<!tpu.dma_semaphore, #tpu.memory_space<semaphore_mem>>)
    %dma_start3A_37 = arith.constant 0 : i32
    %dma_start3A_38 = tpu.memref_slice %arg35[%dma_start3A_37] : memref<512xf32, #tpu.memory_space<vmem>> -> memref<256xf32, #tpu.memory_space<vmem>>
    %dma_start3A_39 = arith.constant 0 : i32
    %dma_start3A_40 = tpu.memref_slice %arg27[%dma_start3A_39] : memref<512xi32, #tpu.memory_space<vmem>> -> memref<256xi32, #tpu.memory_space<vmem>>
    %dma_start3A_41 = arith.constant 0 : i32
    %dma_start3A_42 = tpu.memref_slice %arg11[%dma_start3A_41] : memref<53248xf32, #tpu.memory_space<hbm>> -> memref<53248xf32, #tpu.memory_space<hbm>>
    tpu.enqueue_indirect_dma source(%dma_start3A_42 : memref<53248xf32, #tpu.memory_space<hbm>>) target(%dma_start3A_38 : memref<256xf32, #tpu.memory_space<vmem>>) offsets(%dma_start3A_40 : memref<256xi32, #tpu.memory_space<vmem>>) semaphore(%arg47 : memref<!tpu.dma_semaphore, #tpu.memory_space<semaphore_mem>>)
    %dma_start3A_43 = arith.constant 0 : i32
    %dma_start3A_44 = tpu.memref_slice %arg36[%dma_start3A_43] : memref<512xf32, #tpu.memory_space<vmem>> -> memref<256xf32, #tpu.memory_space<vmem>>
    %dma_start3A_45 = arith.constant 0 : i32
    %dma_start3A_46 = tpu.memref_slice %arg28[%dma_start3A_45] : memref<512xi32, #tpu.memory_space<vmem>> -> memref<256xi32, #tpu.memory_space<vmem>>
    %dma_start3A_47 = arith.constant 0 : i32
    %dma_start3A_48 = tpu.memref_slice %arg12[%dma_start3A_47] : memref<79872xf32, #tpu.memory_space<hbm>> -> memref<79872xf32, #tpu.memory_space<hbm>>
    tpu.enqueue_indirect_dma source(%dma_start3A_48 : memref<79872xf32, #tpu.memory_space<hbm>>) target(%dma_start3A_44 : memref<256xf32, #tpu.memory_space<vmem>>) offsets(%dma_start3A_46 : memref<256xi32, #tpu.memory_space<vmem>>) semaphore(%arg47 : memref<!tpu.dma_semaphore, #tpu.memory_space<semaphore_mem>>)
    %dma_start3A_49 = arith.constant 0 : i32
    %dma_start3A_50 = tpu.memref_slice %arg37[%dma_start3A_49] : memref<512xf32, #tpu.memory_space<vmem>> -> memref<256xf32, #tpu.memory_space<vmem>>
    %dma_start3A_51 = arith.constant 0 : i32
    %dma_start3A_52 = tpu.memref_slice %arg29[%dma_start3A_51] : memref<512xi32, #tpu.memory_space<vmem>> -> memref<256xi32, #tpu.memory_space<vmem>>
    %dma_start3A_53 = arith.constant 0 : i32
    %dma_start3A_54 = tpu.memref_slice %arg13[%dma_start3A_53] : memref<133120xf32, #tpu.memory_space<hbm>> -> memref<133120xf32, #tpu.memory_space<hbm>>
    tpu.enqueue_indirect_dma source(%dma_start3A_54 : memref<133120xf32, #tpu.memory_space<hbm>>) target(%dma_start3A_50 : memref<256xf32, #tpu.memory_space<vmem>>) offsets(%dma_start3A_52 : memref<256xi32, #tpu.memory_space<vmem>>) semaphore(%arg47 : memref<!tpu.dma_semaphore, #tpu.memory_space<semaphore_mem>>)
    %dma_start3A_55 = arith.constant 0 : i32
    %dma_start3A_56 = tpu.memref_slice %arg38[%dma_start3A_55] : memref<512xf32, #tpu.memory_space<vmem>> -> memref<256xf32, #tpu.memory_space<vmem>>
    %dma_start3A_57 = arith.constant 0 : i32
    %dma_start3A_58 = tpu.memref_slice %arg30[%dma_start3A_57] : memref<512xi32, #tpu.memory_space<vmem>> -> memref<256xi32, #tpu.memory_space<vmem>>
    %dma_start3A_59 = arith.constant 0 : i32
    %dma_start3A_60 = tpu.memref_slice %arg14[%dma_start3A_59] : memref<307200xf32, #tpu.memory_space<hbm>> -> memref<307200xf32, #tpu.memory_space<hbm>>
    tpu.enqueue_indirect_dma source(%dma_start3A_60 : memref<307200xf32, #tpu.memory_space<hbm>>) target(%dma_start3A_56 : memref<256xf32, #tpu.memory_space<vmem>>) offsets(%dma_start3A_58 : memref<256xi32, #tpu.memory_space<vmem>>) semaphore(%arg47 : memref<!tpu.dma_semaphore, #tpu.memory_space<semaphore_mem>>)
    %dma_start3A_61 = arith.constant 0 : i32
    %dma_start3A_62 = tpu.memref_slice %arg39[%dma_start3A_61] : memref<512xf32, #tpu.memory_space<vmem>> -> memref<256xf32, #tpu.memory_space<vmem>>
    %dma_start3A_63 = arith.constant 0 : i32
    %dma_start3A_64 = tpu.memref_slice %arg31[%dma_start3A_63] : memref<512xi32, #tpu.memory_space<vmem>> -> memref<256xi32, #tpu.memory_space<vmem>>
    %dma_start3A_65 = arith.constant 0 : i32
    %dma_start3A_66 = tpu.memref_slice %arg15[%dma_start3A_65] : memref<512000xf32, #tpu.memory_space<hbm>> -> memref<512000xf32, #tpu.memory_space<hbm>>
    tpu.enqueue_indirect_dma source(%dma_start3A_66 : memref<512000xf32, #tpu.memory_space<hbm>>) target(%dma_start3A_62 : memref<256xf32, #tpu.memory_space<vmem>>) offsets(%dma_start3A_64 : memref<256xi32, #tpu.memory_space<vmem>>) semaphore(%arg47 : memref<!tpu.dma_semaphore, #tpu.memory_space<semaphore_mem>>)
    %dma_start3A_67 = arith.constant 0 : i32
    %dma_start3A_68 = tpu.memref_slice %arg40[%dma_start3A_67] : memref<512xf32, #tpu.memory_space<vmem>> -> memref<256xf32, #tpu.memory_space<vmem>>
    %dma_start3A_69 = arith.constant 0 : i32
    %dma_start3A_70 = tpu.memref_slice %arg32[%dma_start3A_69] : memref<512xi32, #tpu.memory_space<vmem>> -> memref<256xi32, #tpu.memory_space<vmem>>
    %dma_start3A_71 = arith.constant 0 : i32
    %dma_start3A_72 = tpu.memref_slice %arg16[%dma_start3A_71] : memref<962560xf32, #tpu.memory_space<hbm>> -> memref<962560xf32, #tpu.memory_space<hbm>>
    tpu.enqueue_indirect_dma source(%dma_start3A_72 : memref<962560xf32, #tpu.memory_space<hbm>>) target(%dma_start3A_68 : memref<256xf32, #tpu.memory_space<vmem>>) offsets(%dma_start3A_70 : memref<256xi32, #tpu.memory_space<vmem>>) semaphore(%arg47 : memref<!tpu.dma_semaphore, #tpu.memory_space<semaphore_mem>>)
    %dma_start3A_73 = arith.constant 256 : i32
    %dma_start3A_74 = tpu.memref_slice %arg33[%dma_start3A_73] : memref<512xf32, #tpu.memory_space<vmem>> -> memref<256xf32, #tpu.memory_space<vmem>>
    %dma_start3A_75 = arith.constant 256 : i32
    %dma_start3A_76 = tpu.memref_slice %arg25[%dma_start3A_75] : memref<512xi32, #tpu.memory_space<vmem>> -> memref<256xi32, #tpu.memory_space<vmem>>
    %dma_start3A_77 = arith.constant 0 : i32
    %dma_start3A_78 = tpu.memref_slice %arg9[%dma_start3A_77] : memref<24576xf32, #tpu.memory_space<hbm>> -> memref<24576xf32, #tpu.memory_space<hbm>>
    tpu.enqueue_indirect_dma source(%dma_start3A_78 : memref<24576xf32, #tpu.memory_space<hbm>>) target(%dma_start3A_74 : memref<256xf32, #tpu.memory_space<vmem>>) offsets(%dma_start3A_76 : memref<256xi32, #tpu.memory_space<vmem>>) semaphore(%arg48 : memref<!tpu.dma_semaphore, #tpu.memory_space<semaphore_mem>>)
    %dma_start3A_79 = arith.constant 256 : i32
    %dma_start3A_80 = tpu.memref_slice %arg34[%dma_start3A_79] : memref<512xf32, #tpu.memory_space<vmem>> -> memref<256xf32, #tpu.memory_space<vmem>>
    %dma_start3A_81 = arith.constant 256 : i32
    %dma_start3A_82 = tpu.memref_slice %arg26[%dma_start3A_81] : memref<512xi32, #tpu.memory_space<vmem>> -> memref<256xi32, #tpu.memory_space<vmem>>
    %dma_start3A_83 = arith.constant 0 : i32
    %dma_start3A_84 = tpu.memref_slice %arg10[%dma_start3A_83] : memref<40960xf32, #tpu.memory_space<hbm>> -> memref<40960xf32, #tpu.memory_space<hbm>>
    tpu.enqueue_indirect_dma source(%dma_start3A_84 : memref<40960xf32, #tpu.memory_space<hbm>>) target(%dma_start3A_80 : memref<256xf32, #tpu.memory_space<vmem>>) offsets(%dma_start3A_82 : memref<256xi32, #tpu.memory_space<vmem>>) semaphore(%arg48 : memref<!tpu.dma_semaphore, #tpu.memory_space<semaphore_mem>>)
    %dma_start3A_85 = arith.constant 256 : i32
    %dma_start3A_86 = tpu.memref_slice %arg35[%dma_start3A_85] : memref<512xf32, #tpu.memory_space<vmem>> -> memref<256xf32, #tpu.memory_space<vmem>>
    %dma_start3A_87 = arith.constant 256 : i32
    %dma_start3A_88 = tpu.memref_slice %arg27[%dma_start3A_87] : memref<512xi32, #tpu.memory_space<vmem>> -> memref<256xi32, #tpu.memory_space<vmem>>
    %dma_start3A_89 = arith.constant 0 : i32
    %dma_start3A_90 = tpu.memref_slice %arg11[%dma_start3A_89] : memref<53248xf32, #tpu.memory_space<hbm>> -> memref<53248xf32, #tpu.memory_space<hbm>>
    tpu.enqueue_indirect_dma source(%dma_start3A_90 : memref<53248xf32, #tpu.memory_space<hbm>>) target(%dma_start3A_86 : memref<256xf32, #tpu.memory_space<vmem>>) offsets(%dma_start3A_88 : memref<256xi32, #tpu.memory_space<vmem>>) semaphore(%arg48 : memref<!tpu.dma_semaphore, #tpu.memory_space<semaphore_mem>>)
    %dma_start3A_91 = arith.constant 256 : i32
    %dma_start3A_92 = tpu.memref_slice %arg36[%dma_start3A_91] : memref<512xf32, #tpu.memory_space<vmem>> -> memref<256xf32, #tpu.memory_space<vmem>>
    %dma_start3A_93 = arith.constant 256 : i32
    %dma_start3A_94 = tpu.memref_slice %arg28[%dma_start3A_93] : memref<512xi32, #tpu.memory_space<vmem>> -> memref<256xi32, #tpu.memory_space<vmem>>
    %dma_start3A_95 = arith.constant 0 : i32
    %dma_start3A_96 = tpu.memref_slice %arg12[%dma_start3A_95] : memref<79872xf32, #tpu.memory_space<hbm>> -> memref<79872xf32, #tpu.memory_space<hbm>>
    tpu.enqueue_indirect_dma source(%dma_start3A_96 : memref<79872xf32, #tpu.memory_space<hbm>>) target(%dma_start3A_92 : memref<256xf32, #tpu.memory_space<vmem>>) offsets(%dma_start3A_94 : memref<256xi32, #tpu.memory_space<vmem>>) semaphore(%arg48 : memref<!tpu.dma_semaphore, #tpu.memory_space<semaphore_mem>>)
    %dma_start3A_97 = arith.constant 256 : i32
    %dma_start3A_98 = tpu.memref_slice %arg37[%dma_start3A_97] : memref<512xf32, #tpu.memory_space<vmem>> -> memref<256xf32, #tpu.memory_space<vmem>>
    %dma_start3A_99 = arith.constant 256 : i32
    %dma_start3A_100 = tpu.memref_slice %arg29[%dma_start3A_99] : memref<512xi32, #tpu.memory_space<vmem>> -> memref<256xi32, #tpu.memory_space<vmem>>
    %dma_start3A_101 = arith.constant 0 : i32
    %dma_start3A_102 = tpu.memref_slice %arg13[%dma_start3A_101] : memref<133120xf32, #tpu.memory_space<hbm>> -> memref<133120xf32, #tpu.memory_space<hbm>>
    tpu.enqueue_indirect_dma source(%dma_start3A_102 : memref<133120xf32, #tpu.memory_space<hbm>>) target(%dma_start3A_98 : memref<256xf32, #tpu.memory_space<vmem>>) offsets(%dma_start3A_100 : memref<256xi32, #tpu.memory_space<vmem>>) semaphore(%arg48 : memref<!tpu.dma_semaphore, #tpu.memory_space<semaphore_mem>>)
    %dma_start3A_103 = arith.constant 256 : i32
    %dma_start3A_104 = tpu.memref_slice %arg38[%dma_start3A_103] : memref<512xf32, #tpu.memory_space<vmem>> -> memref<256xf32, #tpu.memory_space<vmem>>
    %dma_start3A_105 = arith.constant 256 : i32
    %dma_start3A_106 = tpu.memref_slice %arg30[%dma_start3A_105] : memref<512xi32, #tpu.memory_space<vmem>> -> memref<256xi32, #tpu.memory_space<vmem>>
    %dma_start3A_107 = arith.constant 0 : i32
    %dma_start3A_108 = tpu.memref_slice %arg14[%dma_start3A_107] : memref<307200xf32, #tpu.memory_space<hbm>> -> memref<307200xf32, #tpu.memory_space<hbm>>
    tpu.enqueue_indirect_dma source(%dma_start3A_108 : memref<307200xf32, #tpu.memory_space<hbm>>) target(%dma_start3A_104 : memref<256xf32, #tpu.memory_space<vmem>>) offsets(%dma_start3A_106 : memref<256xi32, #tpu.memory_space<vmem>>) semaphore(%arg48 : memref<!tpu.dma_semaphore, #tpu.memory_space<semaphore_mem>>)
    %dma_start3A_109 = arith.constant 256 : i32
    %dma_start3A_110 = tpu.memref_slice %arg39[%dma_start3A_109] : memref<512xf32, #tpu.memory_space<vmem>> -> memref<256xf32, #tpu.memory_space<vmem>>
    %dma_start3A_111 = arith.constant 256 : i32
    %dma_start3A_112 = tpu.memref_slice %arg31[%dma_start3A_111] : memref<512xi32, #tpu.memory_space<vmem>> -> memref<256xi32, #tpu.memory_space<vmem>>
    %dma_start3A_113 = arith.constant 0 : i32
    %dma_start3A_114 = tpu.memref_slice %arg15[%dma_start3A_113] : memref<512000xf32, #tpu.memory_space<hbm>> -> memref<512000xf32, #tpu.memory_space<hbm>>
    tpu.enqueue_indirect_dma source(%dma_start3A_114 : memref<512000xf32, #tpu.memory_space<hbm>>) target(%dma_start3A_110 : memref<256xf32, #tpu.memory_space<vmem>>) offsets(%dma_start3A_112 : memref<256xi32, #tpu.memory_space<vmem>>) semaphore(%arg48 : memref<!tpu.dma_semaphore, #tpu.memory_space<semaphore_mem>>)
    %dma_start3A_115 = arith.constant 256 : i32
    %dma_start3A_116 = tpu.memref_slice %arg40[%dma_start3A_115] : memref<512xf32, #tpu.memory_space<vmem>> -> memref<256xf32, #tpu.memory_space<vmem>>
    %dma_start3A_117 = arith.constant 256 : i32
    %dma_start3A_118 = tpu.memref_slice %arg32[%dma_start3A_117] : memref<512xi32, #tpu.memory_space<vmem>> -> memref<256xi32, #tpu.memory_space<vmem>>
    %dma_start3A_119 = arith.constant 0 : i32
    %dma_start3A_120 = tpu.memref_slice %arg16[%dma_start3A_119] : memref<962560xf32, #tpu.memory_space<hbm>> -> memref<962560xf32, #tpu.memory_space<hbm>>
    tpu.enqueue_indirect_dma source(%dma_start3A_120 : memref<962560xf32, #tpu.memory_space<hbm>>) target(%dma_start3A_116 : memref<256xf32, #tpu.memory_space<vmem>>) offsets(%dma_start3A_118 : memref<256xi32, #tpu.memory_space<vmem>>) semaphore(%arg48 : memref<!tpu.dma_semaphore, #tpu.memory_space<semaphore_mem>>)
    tpu.wait_dma2 semaphore(%arg45 : memref<!tpu.dma_semaphore, #tpu.memory_space<semaphore_mem>>) src(%arg17 : memref<5760xf32, #tpu.memory_space<hbm>>) dst(%arg24 : memref<5760xf32, #tpu.memory_space<vmem>>)
    tpu.wait_dma2 semaphore(%arg46 : memref<!tpu.dma_semaphore, #tpu.memory_space<semaphore_mem>>) src(%arg7 : memref<4096xf32, #tpu.memory_space<hbm>>) dst(%arg41 : memref<4096xf32, #tpu.memory_space<vmem>>)
    tpu.wait_dma2 semaphore(%arg46 : memref<!tpu.dma_semaphore, #tpu.memory_space<semaphore_mem>>) src(%arg8 : memref<16384xf32, #tpu.memory_space<hbm>>) dst(%arg42 : memref<16384xf32, #tpu.memory_space<vmem>>)
    %get3A = arith.constant 5632 : index
    %get3A_121 = tpu.vector_load %arg24[%get3A] {strides = array<i32>} : memref<5760xf32, #tpu.memory_space<vmem>>, vector<16xf32>,
    %dma_wait3A_122 = arith.constant 0 : i32
    %dma_wait3A_123 = tpu.memref_slice %arg33[%dma_wait3A_122] : memref<512xf32, #tpu.memory_space<vmem>> -> memref<256xf32, #tpu.memory_space<vmem>>
    %dma_wait3A_124 = arith.constant 0 : i32
    %dma_wait3A_125 = tpu.memref_slice %arg25[%dma_wait3A_124] : memref<512xi32, #tpu.memory_space<vmem>> -> memref<256xi32, #tpu.memory_space<vmem>>
    %dma_wait3A_126 = arith.constant 0 : i32
    %dma_wait3A_127 = tpu.memref_slice %arg9[%dma_wait3A_126] : memref<24576xf32, #tpu.memory_space<hbm>> -> memref<24576xf32, #tpu.memory_space<hbm>>
    tpu.wait_indirect_dma semaphore(%arg47 : memref<!tpu.dma_semaphore, #tpu.memory_space<semaphore_mem>>) src(%dma_wait3A_127 : memref<24576xf32, #tpu.memory_space<hbm>>) dst(%dma_wait3A_123 : memref<256xf32, #tpu.memory_space<vmem>>)
    %dma_wait3A_128 = arith.constant 0 : i32
    %dma_wait3A_129 = tpu.memref_slice %arg34[%dma_wait3A_128] : memref<512xf32, #tpu.memory_space<vmem>> -> memref<256xf32, #tpu.memory_space<vmem>>
    %dma_wait3A_130 = arith.constant 0 : i32
    %dma_wait3A_131 = tpu.memref_slice %arg26[%dma_wait3A_130] : memref<512xi32, #tpu.memory_space<vmem>> -> memref<256xi32, #tpu.memory_space<vmem>>
    %dma_wait3A_132 = arith.constant 0 : i32
    %dma_wait3A_133 = tpu.memref_slice %arg10[%dma_wait3A_132] : memref<40960xf32, #tpu.memory_space<hbm>> -> memref<40960xf32, #tpu.memory_space<hbm>>
    tpu.wait_indirect_dma semaphore(%arg47 : memref<!tpu.dma_semaphore, #tpu.memory_space<semaphore_mem>>) src(%dma_wait3A_133 : memref<40960xf32, #tpu.memory_space<hbm>>) dst(%dma_wait3A_129 : memref<256xf32, #tpu.memory_space<vmem>>)
    %dma_wait3A_134 = arith.constant 0 : i32
    %dma_wait3A_135 = tpu.memref_slice %arg35[%dma_wait3A_134] : memref<512xf32, #tpu.memory_space<vmem>> -> memref<256xf32, #tpu.memory_space<vmem>>
    %dma_wait3A_136 = arith.constant 0 : i32
    %dma_wait3A_137 = tpu.memref_slice %arg27[%dma_wait3A_136] : memref<512xi32, #tpu.memory_space<vmem>> -> memref<256xi32, #tpu.memory_space<vmem>>
    %dma_wait3A_138 = arith.constant 0 : i32
    %dma_wait3A_139 = tpu.memref_slice %arg11[%dma_wait3A_138] : memref<53248xf32, #tpu.memory_space<hbm>> -> memref<53248xf32, #tpu.memory_space<hbm>>
    tpu.wait_indirect_dma semaphore(%arg47 : memref<!tpu.dma_semaphore, #tpu.memory_space<semaphore_mem>>) src(%dma_wait3A_139 : memref<53248xf32, #tpu.memory_space<hbm>>) dst(%dma_wait3A_135 : memref<256xf32, #tpu.memory_space<vmem>>)
    %dma_wait3A_140 = arith.constant 0 : i32
    %dma_wait3A_141 = tpu.memref_slice %arg36[%dma_wait3A_140] : memref<512xf32, #tpu.memory_space<vmem>> -> memref<256xf32, #tpu.memory_space<vmem>>
    %dma_wait3A_142 = arith.constant 0 : i32
    %dma_wait3A_143 = tpu.memref_slice %arg28[%dma_wait3A_142] : memref<512xi32, #tpu.memory_space<vmem>> -> memref<256xi32, #tpu.memory_space<vmem>>
    %dma_wait3A_144 = arith.constant 0 : i32
    %dma_wait3A_145 = tpu.memref_slice %arg12[%dma_wait3A_144] : memref<79872xf32, #tpu.memory_space<hbm>> -> memref<79872xf32, #tpu.memory_space<hbm>>
    tpu.wait_indirect_dma semaphore(%arg47 : memref<!tpu.dma_semaphore, #tpu.memory_space<semaphore_mem>>) src(%dma_wait3A_145 : memref<79872xf32, #tpu.memory_space<hbm>>) dst(%dma_wait3A_141 : memref<256xf32, #tpu.memory_space<vmem>>)
    %dma_wait3A_146 = arith.constant 0 : i32
    %dma_wait3A_147 = tpu.memref_slice %arg37[%dma_wait3A_146] : memref<512xf32, #tpu.memory_space<vmem>> -> memref<256xf32, #tpu.memory_space<vmem>>
    %dma_wait3A_148 = arith.constant 0 : i32
    %dma_wait3A_149 = tpu.memref_slice %arg29[%dma_wait3A_148] : memref<512xi32, #tpu.memory_space<vmem>> -> memref<256xi32, #tpu.memory_space<vmem>>
    %dma_wait3A_150 = arith.constant 0 : i32
    %dma_wait3A_151 = tpu.memref_slice %arg13[%dma_wait3A_150] : memref<133120xf32, #tpu.memory_space<hbm>> -> memref<133120xf32, #tpu.memory_space<hbm>>
    tpu.wait_indirect_dma semaphore(%arg47 : memref<!tpu.dma_semaphore, #tpu.memory_space<semaphore_mem>>) src(%dma_wait3A_151 : memref<133120xf32, #tpu.memory_space<hbm>>) dst(%dma_wait3A_147 : memref<256xf32, #tpu.memory_space<vmem>>)
    %dma_wait3A_152 = arith.constant 0 : i32
    %dma_wait3A_153 = tpu.memref_slice %arg38[%dma_wait3A_152] : memref<512xf32, #tpu.memory_space<vmem>> -> memref<256xf32, #tpu.memory_space<vmem>>
    %dma_wait3A_154 = arith.constant 0 : i32
    %dma_wait3A_155 = tpu.memref_slice %arg30[%dma_wait3A_154] : memref<512xi32, #tpu.memory_space<vmem>> -> memref<256xi32, #tpu.memory_space<vmem>>
    %dma_wait3A_156 = arith.constant 0 : i32
    %dma_wait3A_157 = tpu.memref_slice %arg14[%dma_wait3A_156] : memref<307200xf32, #tpu.memory_space<hbm>> -> memref<307200xf32, #tpu.memory_space<hbm>>
    tpu.wait_indirect_dma semaphore(%arg47 : memref<!tpu.dma_semaphore, #tpu.memory_space<semaphore_mem>>) src(%dma_wait3A_157 : memref<307200xf32, #tpu.memory_space<hbm>>) dst(%dma_wait3A_153 : memref<256xf32, #tpu.memory_space<vmem>>)
    %dma_wait3A_158 = arith.constant 0 : i32
    %dma_wait3A_159 = tpu.memref_slice %arg39[%dma_wait3A_158] : memref<512xf32, #tpu.memory_space<vmem>> -> memref<256xf32, #tpu.memory_space<vmem>>
    %dma_wait3A_160 = arith.constant 0 : i32
    %dma_wait3A_161 = tpu.memref_slice %arg31[%dma_wait3A_160] : memref<512xi32, #tpu.memory_space<vmem>> -> memref<256xi32, #tpu.memory_space<vmem>>
    %dma_wait3A_162 = arith.constant 0 : i32
    %dma_wait3A_163 = tpu.memref_slice %arg15[%dma_wait3A_162] : memref<512000xf32, #tpu.memory_space<hbm>> -> memref<512000xf32, #tpu.memory_space<hbm>>
    tpu.wait_indirect_dma semaphore(%arg47 : memref<!tpu.dma_semaphore, #tpu.memory_space<semaphore_mem>>) src(%dma_wait3A_163 : memref<512000xf32, #tpu.memory_space<hbm>>) dst(%dma_wait3A_159 : memref<256xf32, #tpu.memory_space<vmem>>)
    %dma_wait3A_164 = arith.constant 0 : i32
    %dma_wait3A_165 = tpu.memref_slice %arg40[%dma_wait3A_164] : memref<512xf32, #tpu.memory_space<vmem>> -> memref<256xf32, #tpu.memory_space<vmem>>
    %dma_wait3A_166 = arith.constant 0 : i32
    %dma_wait3A_167 = tpu.memref_slice %arg32[%dma_wait3A_166] : memref<512xi32, #tpu.memory_space<vmem>> -> memref<256xi32, #tpu.memory_space<vmem>>
    %dma_wait3A_168 = arith.constant 0 : i32
    %dma_wait3A_169 = tpu.memref_slice %arg16[%dma_wait3A_168] : memref<962560xf32, #tpu.memory_space<hbm>> -> memref<962560xf32, #tpu.memory_space<hbm>>
    tpu.wait_indirect_dma semaphore(%arg47 : memref<!tpu.dma_semaphore, #tpu.memory_space<semaphore_mem>>) src(%dma_wait3A_169 : memref<962560xf32, #tpu.memory_space<hbm>>) dst(%dma_wait3A_165 : memref<256xf32, #tpu.memory_space<vmem>>)
    %scan3A_170 = arith.constant 0 : i32
    %scan3A_171 = arith.constant 16 : i32
    %scan3A_172 = arith.addi %scan3A_170, %scan3A_171 : i32
    %scan3A_173 = arith.constant 1 : i32
    scf.for %scan3A_228 = %scan3A_170 to %scan3A_172 step %scan3A_173  : i32 {
      %mul3A_229 = arith.constant 1 : i32
      %mul3A_230 = arith.muli %scan3A_228, %mul3A_229 : i32
      %add3A_231 = arith.constant 0 : i32
      %add3A_232 = arith.addi %add3A_231, %mul3A_230 : i32
      %mul3A_233 = arith.constant 16 : i32
      %mul3A_234 = arith.muli %add3A_232, %mul3A_233 : i32
      %get3A_235 = arith.index_cast %mul3A_234 : i32 to index
      %get3A_236 = tpu.vector_load %arg19[%get3A_235] {strides = array<i32>} : memref<512xi32, #tpu.memory_space<vmem>>, vector<16xi32>,
      %get3A_237 = arith.index_cast %mul3A_234 : i32 to index
      %get3A_238 = tpu.vector_load %arg20[%get3A_237] {strides = array<i32>} : memref<512xi32, #tpu.memory_space<vmem>>, vector<16xi32>,
      %get3A_239 = arith.index_cast %mul3A_234 : i32 to index
      %get3A_240 = tpu.vector_load %arg21[%get3A_239] {strides = array<i32>} : memref<512xi32, #tpu.memory_space<vmem>>, vector<16xi32>,
      %get3A_241 = arith.index_cast %mul3A_234 : i32 to index
      %get3A_242 = tpu.vector_load %arg22[%get3A_241] {strides = array<i32>} : memref<512xi32, #tpu.memory_space<vmem>>, vector<16xi32>,
      %get3A_243 = arith.index_cast %mul3A_234 : i32 to index
      %get3A_244 = tpu.vector_load %arg23[%get3A_243] {strides = array<i32>} : memref<512xi32, #tpu.memory_space<vmem>>, vector<16xi32>,
      %add3A_245 = arith.constant 0 : i32
      %add3A_246 = vector.broadcast %add3A_245 : i32 to vector<16xi32>
      %add3A_247 = arith.addi %get3A_236, %add3A_246 : vector<16xi32>
      %gather3A = tpu.vector_load_idx %arg24[%add3A_247] : memref<5760xf32, #tpu.memory_space<vmem>>[vector<16xi32>], vector<16xf32>,
      %add3A_248 = arith.constant 128 : i32
      %add3A_249 = vector.broadcast %add3A_248 : i32 to vector<16xi32>
      %add3A_250 = arith.addi %get3A_238, %add3A_249 : vector<16xi32>
      %gather3A_251 = tpu.vector_load_idx %arg24[%add3A_250] : memref<5760xf32, #tpu.memory_space<vmem>>[vector<16xi32>], vector<16xf32>,
      %add3A_252 = arith.constant 256 : i32
      %add3A_253 = vector.broadcast %add3A_252 : i32 to vector<16xi32>
      %add3A_254 = arith.addi %get3A_240, %add3A_253 : vector<16xi32>
      %gather3A_255 = tpu.vector_load_idx %arg24[%add3A_254] : memref<5760xf32, #tpu.memory_space<vmem>>[vector<16xi32>], vector<16xf32>,
      %add3A_256 = arith.constant 768 : i32
      %add3A_257 = vector.broadcast %add3A_256 : i32 to vector<16xi32>
      %add3A_258 = arith.addi %get3A_242, %add3A_257 : vector<16xi32>
      %gather3A_259 = tpu.vector_load_idx %arg24[%add3A_258] : memref<5760xf32, #tpu.memory_space<vmem>>[vector<16xi32>], vector<16xf32>,
      %add3A_260 = arith.constant 1536 : i32
      %add3A_261 = vector.broadcast %add3A_260 : i32 to vector<16xi32>
      %add3A_262 = arith.addi %get3A_244, %add3A_261 : vector<16xi32>
      %gather3A_263 = tpu.vector_load_idx %arg24[%add3A_262] : memref<5760xf32, #tpu.memory_space<vmem>>[vector<16xi32>], vector<16xf32>,
      %add3A_264 = arith.constant 2816 : i32
      %add3A_265 = vector.broadcast %add3A_264 : i32 to vector<16xi32>
      %add3A_266 = arith.addi %get3A_236, %add3A_265 : vector<16xi32>
      %gather3A_267 = tpu.vector_load_idx %arg24[%add3A_266] : memref<5760xf32, #tpu.memory_space<vmem>>[vector<16xi32>], vector<16xf32>,
      %add3A_268 = arith.constant 2944 : i32
      %add3A_269 = vector.broadcast %add3A_268 : i32 to vector<16xi32>
      %add3A_270 = arith.addi %get3A_238, %add3A_269 : vector<16xi32>
      %gather3A_271 = tpu.vector_load_idx %arg24[%add3A_270] : memref<5760xf32, #tpu.memory_space<vmem>>[vector<16xi32>], vector<16xf32>,
      %add3A_272 = arith.constant 3072 : i32
      %add3A_273 = vector.broadcast %add3A_272 : i32 to vector<16xi32>
      %add3A_274 = arith.addi %get3A_240, %add3A_273 : vector<16xi32>
      %gather3A_275 = tpu.vector_load_idx %arg24[%add3A_274] : memref<5760xf32, #tpu.memory_space<vmem>>[vector<16xi32>], vector<16xf32>,
      %add3A_276 = arith.constant 3584 : i32
      %add3A_277 = vector.broadcast %add3A_276 : i32 to vector<16xi32>
      %add3A_278 = arith.addi %get3A_242, %add3A_277 : vector<16xi32>
      %gather3A_279 = tpu.vector_load_idx %arg24[%add3A_278] : memref<5760xf32, #tpu.memory_space<vmem>>[vector<16xi32>], vector<16xf32>,
      %add3A_280 = arith.constant 4352 : i32
      %add3A_281 = vector.broadcast %add3A_280 : i32 to vector<16xi32>
      %add3A_282 = arith.addi %get3A_244, %add3A_281 : vector<16xi32>
      %gather3A_283 = tpu.vector_load_idx %arg24[%add3A_282] : memref<5760xf32, #tpu.memory_space<vmem>>[vector<16xi32>], vector<16xf32>,
      %shift_left3A = arith.constant 7 : i32
      %shift_left3A_284 = vector.broadcast %shift_left3A : i32 to vector<16xi32>
      %shift_left3A_285 = arith.shli %get3A_236, %shift_left3A_284 : vector<16xi32>
      %add3A_286 = arith.addi %shift_left3A_285, %get3A_238 : vector<16xi32>
      %gather3A_287 = tpu.vector_load_idx %arg41[%add3A_286] : memref<4096xf32, #tpu.memory_space<vmem>>[vector<16xi32>], vector<16xf32>,
      %shift_right_arithmetic3A = arith.constant 7 : i32
      %shift_right_arithmetic3A_288 = vector.broadcast %shift_right_arithmetic3A : i32 to vector<16xi32>
      %shift_right_arithmetic3A_289 = arith.shrsi %get3A_240, %shift_right_arithmetic3A_288 : vector<16xi32>
      %mul3A_290 = arith.constant 32 : i32
      %mul3A_291 = vector.broadcast %mul3A_290 : i32 to vector<16xi32>
      %mul3A_292 = arith.muli %shift_right_arithmetic3A_289, %mul3A_291 : vector<16xi32>
      %add3A_293 = arith.addi %mul3A_292, %get3A_236 : vector<16xi32>
      %shift_left3A_294 = arith.constant 7 : i32
      %shift_left3A_295 = vector.broadcast %shift_left3A_294 : i32 to vector<16xi32>
      %shift_left3A_296 = arith.shli %add3A_293, %shift_left3A_295 : vector<16xi32>
      %and3A = arith.constant 127 : i32
      %and3A_297 = vector.broadcast %and3A : i32 to vector<16xi32>
      %and3A_298 = arith.andi %get3A_240, %and3A_297 : vector<16xi32>
      %add3A_299 = arith.addi %shift_left3A_296, %and3A_298 : vector<16xi32>
      %gather3A_300 = tpu.vector_load_idx %arg42[%add3A_299] : memref<16384xf32, #tpu.memory_space<vmem>>[vector<16xi32>], vector<16xf32>,
      %get3A_301 = arith.index_cast %mul3A_234 : i32 to index
      %get3A_302 = tpu.vector_load %arg33[%get3A_301] {strides = array<i32>} : memref<512xf32, #tpu.memory_space<vmem>>, vector<16xf32>,
      %get3A_303 = arith.index_cast %mul3A_234 : i32 to index
      %get3A_304 = tpu.vector_load %arg34[%get3A_303] {strides = array<i32>} : memref<512xf32, #tpu.memory_space<vmem>>, vector<16xf32>,
      %get3A_305 = arith.index_cast %mul3A_234 : i32 to index
      %get3A_306 = tpu.vector_load %arg35[%get3A_305] {strides = array<i32>} : memref<512xf32, #tpu.memory_space<vmem>>, vector<16xf32>,
      %get3A_307 = arith.index_cast %mul3A_234 : i32 to index
      %get3A_308 = tpu.vector_load %arg36[%get3A_307] {strides = array<i32>} : memref<512xf32, #tpu.memory_space<vmem>>, vector<16xf32>,
      %get3A_309 = arith.index_cast %mul3A_234 : i32 to index
      %get3A_310 = tpu.vector_load %arg37[%get3A_309] {strides = array<i32>} : memref<512xf32, #tpu.memory_space<vmem>>, vector<16xf32>,
      %get3A_311 = arith.index_cast %mul3A_234 : i32 to index
      %get3A_312 = tpu.vector_load %arg38[%get3A_311] {strides = array<i32>} : memref<512xf32, #tpu.memory_space<vmem>>, vector<16xf32>,
      %get3A_313 = arith.index_cast %mul3A_234 : i32 to index
      %get3A_314 = tpu.vector_load %arg39[%get3A_313] {strides = array<i32>} : memref<512xf32, #tpu.memory_space<vmem>>, vector<16xf32>,
      %get3A_315 = arith.index_cast %mul3A_234 : i32 to index
      %get3A_316 = tpu.vector_load %arg40[%get3A_315] {strides = array<i32>} : memref<512xf32, #tpu.memory_space<vmem>>, vector<16xf32>,
      %max3A = arith.constant 1.000000e-24 : f32
      %max3A_317 = vector.broadcast %max3A : f32 to vector<16xf32>
      %max3A_318 = arith.maximumf %gather3A, %max3A_317 : vector<16xf32>
      %bitcast3A = vector.bitcast %max3A_318 : vector<16xf32> to vector<16xi32>
      %shift_right_arithmetic3A_319 = arith.constant 1 : i32
      %shift_right_arithmetic3A_320 = vector.broadcast %shift_right_arithmetic3A_319 : i32 to vector<16xi32>
      %shift_right_arithmetic3A_321 = arith.shrsi %bitcast3A, %shift_right_arithmetic3A_320 : vector<16xi32>
      %sub3A = arith.constant 1597463007 : i32
      %sub3A_322 = vector.broadcast %sub3A : i32 to vector<16xi32>
      %sub3A_323 = arith.subi %sub3A_322, %shift_right_arithmetic3A_321 : vector<16xi32>
      %bitcast3A_324 = vector.bitcast %sub3A_323 : vector<16xi32> to vector<16xf32>
      %mul3A_325 = arith.constant 5.000000e-01 : f32
      %mul3A_326 = vector.broadcast %mul3A_325 : f32 to vector<16xf32>
      %mul3A_327 = arith.mulf %max3A_318, %mul3A_326 : vector<16xf32>
      %mul3A_328 = arith.mulf %mul3A_327, %bitcast3A_324 : vector<16xf32>
      %mul3A_329 = arith.mulf %mul3A_328, %bitcast3A_324 : vector<16xf32>
      %sub3A_330 = arith.constant 1.500000e+00 : f32
      %sub3A_331 = vector.broadcast %sub3A_330 : f32 to vector<16xf32>
      %sub3A_332 = arith.subf %sub3A_331, %mul3A_329 : vector<16xf32>
      %mul3A_333 = arith.mulf %bitcast3A_324, %sub3A_332 : vector<16xf32>
      %mul3A_334 = arith.mulf %mul3A_327, %mul3A_333 : vector<16xf32>
      %mul3A_335 = arith.mulf %mul3A_334, %mul3A_333 : vector<16xf32>
      %sub3A_336 = arith.constant 1.500000e+00 : f32
      %sub3A_337 = vector.broadcast %sub3A_336 : f32 to vector<16xf32>
      %sub3A_338 = arith.subf %sub3A_337, %mul3A_335 : vector<16xf32>
      %mul3A_339 = arith.mulf %mul3A_333, %sub3A_338 : vector<16xf32>
      %mul3A_340 = arith.mulf %gather3A, %mul3A_339 : vector<16xf32>
      %mul3A_341 = arith.mulf %mul3A_340, %mul3A_339 : vector<16xf32>
      %mul3A_342 = arith.mulf %gather3A_287, %mul3A_339 : vector<16xf32>
      %mul3A_343 = arith.constant 2.000000e+00 : f32
      %mul3A_344 = vector.broadcast %mul3A_343 : f32 to vector<16xf32>
      %mul3A_345 = arith.mulf %mul3A_344, %mul3A_342 : vector<16xf32>
      %add3A_346 = arith.addf %mul3A_341, %mul3A_345 : vector<16xf32>
      %add3A_347 = arith.addf %add3A_346, %gather3A_251 : vector<16xf32>
      %max3A_348 = arith.constant 1.000000e-24 : f32
      %max3A_349 = vector.broadcast %max3A_348 : f32 to vector<16xf32>
      %max3A_350 = arith.maximumf %add3A_347, %max3A_349 : vector<16xf32>
      %bitcast3A_351 = vector.bitcast %max3A_350 : vector<16xf32> to vector<16xi32>
      %shift_right_arithmetic3A_352 = arith.constant 1 : i32
      %shift_right_arithmetic3A_353 = vector.broadcast %shift_right_arithmetic3A_352 : i32 to vector<16xi32>
      %shift_right_arithmetic3A_354 = arith.shrsi %bitcast3A_351, %shift_right_arithmetic3A_353 : vector<16xi32>
      %sub3A_355 = arith.constant 1597463007 : i32
      %sub3A_356 = vector.broadcast %sub3A_355 : i32 to vector<16xi32>
      %sub3A_357 = arith.subi %sub3A_356, %shift_right_arithmetic3A_354 : vector<16xi32>
      %bitcast3A_358 = vector.bitcast %sub3A_357 : vector<16xi32> to vector<16xf32>
      %mul3A_359 = arith.constant 5.000000e-01 : f32
      %mul3A_360 = vector.broadcast %mul3A_359 : f32 to vector<16xf32>
      %mul3A_361 = arith.mulf %max3A_350, %mul3A_360 : vector<16xf32>
      %mul3A_362 = arith.mulf %mul3A_361, %bitcast3A_358 : vector<16xf32>
      %mul3A_363 = arith.mulf %mul3A_362, %bitcast3A_358 : vector<16xf32>
      %sub3A_364 = arith.constant 1.500000e+00 : f32
      %sub3A_365 = vector.broadcast %sub3A_364 : f32 to vector<16xf32>
      %sub3A_366 = arith.subf %sub3A_365, %mul3A_363 : vector<16xf32>
      %mul3A_367 = arith.mulf %bitcast3A_358, %sub3A_366 : vector<16xf32>
      %mul3A_368 = arith.mulf %mul3A_361, %mul3A_367 : vector<16xf32>
      %mul3A_369 = arith.mulf %mul3A_368, %mul3A_367 : vector<16xf32>
      %sub3A_370 = arith.constant 1.500000e+00 : f32
      %sub3A_371 = vector.broadcast %sub3A_370 : f32 to vector<16xf32>
      %sub3A_372 = arith.subf %sub3A_371, %mul3A_369 : vector<16xf32>
      %mul3A_373 = arith.mulf %mul3A_367, %sub3A_372 : vector<16xf32>
      %mul3A_374 = arith.mulf %add3A_347, %mul3A_373 : vector<16xf32>
      %mul3A_375 = arith.mulf %mul3A_374, %mul3A_373 : vector<16xf32>
      %mul3A_376 = arith.mulf %get3A_302, %mul3A_339 : vector<16xf32>
      %add3A_377 = arith.addf %mul3A_376, %get3A_308 : vector<16xf32>
      %mul3A_378 = arith.mulf %get3A_304, %mul3A_339 : vector<16xf32>
      %add3A_379 = arith.addf %mul3A_378, %get3A_310 : vector<16xf32>
      %mul3A_380 = arith.mulf %gather3A_300, %mul3A_339 : vector<16xf32>
      %add3A_381 = arith.addf %mul3A_380, %get3A_306 : vector<16xf32>
      %mul3A_382 = arith.mulf %add3A_381, %mul3A_373 : vector<16xf32>
      %mul3A_383 = arith.constant 2.000000e+00 : f32
      %mul3A_384 = vector.broadcast %mul3A_383 : f32 to vector<16xf32>
      %mul3A_385 = arith.mulf %mul3A_384, %mul3A_382 : vector<16xf32>
      %add3A_386 = arith.addf %mul3A_375, %mul3A_385 : vector<16xf32>
      %add3A_387 = arith.addf %add3A_386, %gather3A_255 : vector<16xf32>
      %max3A_388 = arith.constant 1.000000e-24 : f32
      %max3A_389 = vector.broadcast %max3A_388 : f32 to vector<16xf32>
      %max3A_390 = arith.maximumf %add3A_387, %max3A_389 : vector<16xf32>
      %bitcast3A_391 = vector.bitcast %max3A_390 : vector<16xf32> to vector<16xi32>
      %shift_right_arithmetic3A_392 = arith.constant 1 : i32
      %shift_right_arithmetic3A_393 = vector.broadcast %shift_right_arithmetic3A_392 : i32 to vector<16xi32>
      %shift_right_arithmetic3A_394 = arith.shrsi %bitcast3A_391, %shift_right_arithmetic3A_393 : vector<16xi32>
      %sub3A_395 = arith.constant 1597463007 : i32
      %sub3A_396 = vector.broadcast %sub3A_395 : i32 to vector<16xi32>
      %sub3A_397 = arith.subi %sub3A_396, %shift_right_arithmetic3A_394 : vector<16xi32>
      %bitcast3A_398 = vector.bitcast %sub3A_397 : vector<16xi32> to vector<16xf32>
      %mul3A_399 = arith.constant 5.000000e-01 : f32
      %mul3A_400 = vector.broadcast %mul3A_399 : f32 to vector<16xf32>
      %mul3A_401 = arith.mulf %max3A_390, %mul3A_400 : vector<16xf32>
      %mul3A_402 = arith.mulf %mul3A_401, %bitcast3A_398 : vector<16xf32>
      %mul3A_403 = arith.mulf %mul3A_402, %bitcast3A_398 : vector<16xf32>
      %sub3A_404 = arith.constant 1.500000e+00 : f32
      %sub3A_405 = vector.broadcast %sub3A_404 : f32 to vector<16xf32>
      %sub3A_406 = arith.subf %sub3A_405, %mul3A_403 : vector<16xf32>
      %mul3A_407 = arith.mulf %bitcast3A_398, %sub3A_406 : vector<16xf32>
      %mul3A_408 = arith.mulf %mul3A_401, %mul3A_407 : vector<16xf32>
      %mul3A_409 = arith.mulf %mul3A_408, %mul3A_407 : vector<16xf32>
      %sub3A_410 = arith.constant 1.500000e+00 : f32
      %sub3A_411 = vector.broadcast %sub3A_410 : f32 to vector<16xf32>
      %sub3A_412 = arith.subf %sub3A_411, %mul3A_409 : vector<16xf32>
      %mul3A_413 = arith.mulf %mul3A_407, %sub3A_412 : vector<16xf32>
      %mul3A_414 = arith.mulf %add3A_387, %mul3A_413 : vector<16xf32>
      %mul3A_415 = arith.mulf %mul3A_414, %mul3A_413 : vector<16xf32>
      %mul3A_416 = arith.mulf %add3A_377, %mul3A_373 : vector<16xf32>
      %add3A_417 = arith.addf %mul3A_416, %get3A_312 : vector<16xf32>
      %mul3A_418 = arith.mulf %add3A_417, %mul3A_413 : vector<16xf32>
      %mul3A_419 = arith.constant 2.000000e+00 : f32
      %mul3A_420 = vector.broadcast %mul3A_419 : f32 to vector<16xf32>
      %mul3A_421 = arith.mulf %mul3A_420, %mul3A_418 : vector<16xf32>
      %add3A_422 = arith.addf %mul3A_415, %mul3A_421 : vector<16xf32>
      %add3A_423 = arith.addf %add3A_422, %gather3A_259 : vector<16xf32>
      %max3A_424 = arith.constant 1.000000e-24 : f32
      %max3A_425 = vector.broadcast %max3A_424 : f32 to vector<16xf32>
      %max3A_426 = arith.maximumf %add3A_423, %max3A_425 : vector<16xf32>
      %bitcast3A_427 = vector.bitcast %max3A_426 : vector<16xf32> to vector<16xi32>
      %shift_right_arithmetic3A_428 = arith.constant 1 : i32
      %shift_right_arithmetic3A_429 = vector.broadcast %shift_right_arithmetic3A_428 : i32 to vector<16xi32>
      %shift_right_arithmetic3A_430 = arith.shrsi %bitcast3A_427, %shift_right_arithmetic3A_429 : vector<16xi32>
      %sub3A_431 = arith.constant 1597463007 : i32
      %sub3A_432 = vector.broadcast %sub3A_431 : i32 to vector<16xi32>
      %sub3A_433 = arith.subi %sub3A_432, %shift_right_arithmetic3A_430 : vector<16xi32>
      %bitcast3A_434 = vector.bitcast %sub3A_433 : vector<16xi32> to vector<16xf32>
      %mul3A_435 = arith.constant 5.000000e-01 : f32
      %mul3A_436 = vector.broadcast %mul3A_435 : f32 to vector<16xf32>
      %mul3A_437 = arith.mulf %max3A_426, %mul3A_436 : vector<16xf32>
      %mul3A_438 = arith.mulf %mul3A_437, %bitcast3A_434 : vector<16xf32>
      %mul3A_439 = arith.mulf %mul3A_438, %bitcast3A_434 : vector<16xf32>
      %sub3A_440 = arith.constant 1.500000e+00 : f32
      %sub3A_441 = vector.broadcast %sub3A_440 : f32 to vector<16xf32>
      %sub3A_442 = arith.subf %sub3A_441, %mul3A_439 : vector<16xf32>
      %mul3A_443 = arith.mulf %bitcast3A_434, %sub3A_442 : vector<16xf32>
      %mul3A_444 = arith.mulf %mul3A_437, %mul3A_443 : vector<16xf32>
      %mul3A_445 = arith.mulf %mul3A_444, %mul3A_443 : vector<16xf32>
      %sub3A_446 = arith.constant 1.500000e+00 : f32
      %sub3A_447 = vector.broadcast %sub3A_446 : f32 to vector<16xf32>
      %sub3A_448 = arith.subf %sub3A_447, %mul3A_445 : vector<16xf32>
      %mul3A_449 = arith.mulf %mul3A_443, %sub3A_448 : vector<16xf32>
      %mul3A_450 = arith.mulf %add3A_423, %mul3A_449 : vector<16xf32>
      %mul3A_451 = arith.mulf %mul3A_450, %mul3A_449 : vector<16xf32>
      %mul3A_452 = arith.mulf %add3A_379, %mul3A_373 : vector<16xf32>
      %add3A_453 = arith.addf %mul3A_452, %get3A_314 : vector<16xf32>
      %mul3A_454 = arith.mulf %add3A_453, %mul3A_413 : vector<16xf32>
      %add3A_455 = arith.addf %mul3A_454, %get3A_316 : vector<16xf32>
      %mul3A_456 = arith.mulf %add3A_455, %mul3A_449 : vector<16xf32>
      %mul3A_457 = arith.constant 2.000000e+00 : f32
      %mul3A_458 = vector.broadcast %mul3A_457 : f32 to vector<16xf32>
      %mul3A_459 = arith.mulf %mul3A_458, %mul3A_456 : vector<16xf32>
      %add3A_460 = arith.addf %mul3A_451, %mul3A_459 : vector<16xf32>
      %add3A_461 = arith.addf %add3A_460, %gather3A_263 : vector<16xf32>
      %max3A_462 = arith.constant 1.000000e-24 : f32
      %max3A_463 = vector.broadcast %max3A_462 : f32 to vector<16xf32>
      %max3A_464 = arith.maximumf %add3A_461, %max3A_463 : vector<16xf32>
      %bitcast3A_465 = vector.bitcast %max3A_464 : vector<16xf32> to vector<16xi32>
      %shift_right_arithmetic3A_466 = arith.constant 1 : i32
      %shift_right_arithmetic3A_467 = vector.broadcast %shift_right_arithmetic3A_466 : i32 to vector<16xi32>
      %shift_right_arithmetic3A_468 = arith.shrsi %bitcast3A_465, %shift_right_arithmetic3A_467 : vector<16xi32>
      %sub3A_469 = arith.constant 1597463007 : i32
      %sub3A_470 = vector.broadcast %sub3A_469 : i32 to vector<16xi32>
      %sub3A_471 = arith.subi %sub3A_470, %shift_right_arithmetic3A_468 : vector<16xi32>
      %bitcast3A_472 = vector.bitcast %sub3A_471 : vector<16xi32> to vector<16xf32>
      %mul3A_473 = arith.constant 5.000000e-01 : f32
      %mul3A_474 = vector.broadcast %mul3A_473 : f32 to vector<16xf32>
      %mul3A_475 = arith.mulf %max3A_464, %mul3A_474 : vector<16xf32>
      %mul3A_476 = arith.mulf %mul3A_475, %bitcast3A_472 : vector<16xf32>
      %mul3A_477 = arith.mulf %mul3A_476, %bitcast3A_472 : vector<16xf32>
      %sub3A_478 = arith.constant 1.500000e+00 : f32
      %sub3A_479 = vector.broadcast %sub3A_478 : f32 to vector<16xf32>
      %sub3A_480 = arith.subf %sub3A_479, %mul3A_477 : vector<16xf32>
      %mul3A_481 = arith.mulf %bitcast3A_472, %sub3A_480 : vector<16xf32>
      %mul3A_482 = arith.mulf %mul3A_475, %mul3A_481 : vector<16xf32>
      %mul3A_483 = arith.mulf %mul3A_482, %mul3A_481 : vector<16xf32>
      %sub3A_484 = arith.constant 1.500000e+00 : f32
      %sub3A_485 = vector.broadcast %sub3A_484 : f32 to vector<16xf32>
      %sub3A_486 = arith.subf %sub3A_485, %mul3A_483 : vector<16xf32>
      %mul3A_487 = arith.mulf %mul3A_481, %sub3A_486 : vector<16xf32>
      %mul3A_488 = arith.mulf %gather3A_267, %mul3A_339 : vector<16xf32>
      %add3A_489 = arith.addf %mul3A_488, %gather3A_271 : vector<16xf32>
      %mul3A_490 = arith.mulf %add3A_489, %mul3A_373 : vector<16xf32>
      %add3A_491 = arith.addf %mul3A_490, %gather3A_275 : vector<16xf32>
      %mul3A_492 = arith.mulf %add3A_491, %mul3A_413 : vector<16xf32>
      %add3A_493 = arith.addf %mul3A_492, %gather3A_279 : vector<16xf32>
      %mul3A_494 = arith.mulf %add3A_493, %mul3A_449 : vector<16xf32>
      %add3A_495 = arith.addf %mul3A_494, %gather3A_283 : vector<16xf32>
      %mul3A_496 = arith.mulf %add3A_495, %mul3A_487 : vector<16xf32>
      %add3A_497 = arith.addf %mul3A_496, %get3A_121 : vector<16xf32>
      %neg3A = arith.constant 0.000000e+00 : f32
      %neg3A_498 = vector.broadcast %neg3A : f32 to vector<16xf32>
      %neg3A_499 = arith.subf %neg3A_498, %add3A_497 : vector<16xf32>
      %exp3A = math.exp %neg3A_499 : vector<16xf32>
      %add3A_500 = arith.constant 1.000000e+00 : f32
      %add3A_501 = vector.broadcast %add3A_500 : f32 to vector<16xf32>
      %add3A_502 = arith.addf %add3A_501, %exp3A : vector<16xf32>
      %div3A = arith.constant 1.000000e+00 : f32
      %div3A_503 = vector.broadcast %div3A : f32 to vector<16xf32>
      %div3A_504 = arith.divf %div3A_503, %add3A_502 : vector<16xf32>
      %swap3A = arith.index_cast %mul3A_234 : i32 to index
      %swap3A_505 = tpu.vector_load %arg43[%swap3A] {strides = array<i32>} : memref<512xf32, #tpu.memory_space<vmem>>, vector<16xf32>,
      tpu.vector_store %arg43[%swap3A], %div3A_504 {strides = array<i32>} : memref<512xf32, #tpu.memory_space<vmem>>, vector<16xf32>,
    }
    %scan3A_174 = arith.constant 16 : i32
    %dma_wait3A_175 = arith.constant 256 : i32
    %dma_wait3A_176 = tpu.memref_slice %arg33[%dma_wait3A_175] : memref<512xf32, #tpu.memory_space<vmem>> -> memref<256xf32, #tpu.memory_space<vmem>>
    %dma_wait3A_177 = arith.constant 256 : i32
    %dma_wait3A_178 = tpu.memref_slice %arg25[%dma_wait3A_177] : memref<512xi32, #tpu.memory_space<vmem>> -> memref<256xi32, #tpu.memory_space<vmem>>
    %dma_wait3A_179 = arith.constant 0 : i32
    %dma_wait3A_180 = tpu.memref_slice %arg9[%dma_wait3A_179] : memref<24576xf32, #tpu.memory_space<hbm>> -> memref<24576xf32, #tpu.memory_space<hbm>>
    tpu.wait_indirect_dma semaphore(%arg48 : memref<!tpu.dma_semaphore, #tpu.memory_space<semaphore_mem>>) src(%dma_wait3A_180 : memref<24576xf32, #tpu.memory_space<hbm>>) dst(%dma_wait3A_176 : memref<256xf32, #tpu.memory_space<vmem>>)
    %dma_wait3A_181 = arith.constant 256 : i32
    %dma_wait3A_182 = tpu.memref_slice %arg34[%dma_wait3A_181] : memref<512xf32, #tpu.memory_space<vmem>> -> memref<256xf32, #tpu.memory_space<vmem>>
    %dma_wait3A_183 = arith.constant 256 : i32
    %dma_wait3A_184 = tpu.memref_slice %arg26[%dma_wait3A_183] : memref<512xi32, #tpu.memory_space<vmem>> -> memref<256xi32, #tpu.memory_space<vmem>>
    %dma_wait3A_185 = arith.constant 0 : i32
    %dma_wait3A_186 = tpu.memref_slice %arg10[%dma_wait3A_185] : memref<40960xf32, #tpu.memory_space<hbm>> -> memref<40960xf32, #tpu.memory_space<hbm>>
    tpu.wait_indirect_dma semaphore(%arg48 : memref<!tpu.dma_semaphore, #tpu.memory_space<semaphore_mem>>) src(%dma_wait3A_186 : memref<40960xf32, #tpu.memory_space<hbm>>) dst(%dma_wait3A_182 : memref<256xf32, #tpu.memory_space<vmem>>)
    %dma_wait3A_187 = arith.constant 256 : i32
    %dma_wait3A_188 = tpu.memref_slice %arg35[%dma_wait3A_187] : memref<512xf32, #tpu.memory_space<vmem>> -> memref<256xf32, #tpu.memory_space<vmem>>
    %dma_wait3A_189 = arith.constant 256 : i32
    %dma_wait3A_190 = tpu.memref_slice %arg27[%dma_wait3A_189] : memref<512xi32, #tpu.memory_space<vmem>> -> memref<256xi32, #tpu.memory_space<vmem>>
    %dma_wait3A_191 = arith.constant 0 : i32
    %dma_wait3A_192 = tpu.memref_slice %arg11[%dma_wait3A_191] : memref<53248xf32, #tpu.memory_space<hbm>> -> memref<53248xf32, #tpu.memory_space<hbm>>
    tpu.wait_indirect_dma semaphore(%arg48 : memref<!tpu.dma_semaphore, #tpu.memory_space<semaphore_mem>>) src(%dma_wait3A_192 : memref<53248xf32, #tpu.memory_space<hbm>>) dst(%dma_wait3A_188 : memref<256xf32, #tpu.memory_space<vmem>>)
    %dma_wait3A_193 = arith.constant 256 : i32
    %dma_wait3A_194 = tpu.memref_slice %arg36[%dma_wait3A_193] : memref<512xf32, #tpu.memory_space<vmem>> -> memref<256xf32, #tpu.memory_space<vmem>>
    %dma_wait3A_195 = arith.constant 256 : i32
    %dma_wait3A_196 = tpu.memref_slice %arg28[%dma_wait3A_195] : memref<512xi32, #tpu.memory_space<vmem>> -> memref<256xi32, #tpu.memory_space<vmem>>
    %dma_wait3A_197 = arith.constant 0 : i32
    %dma_wait3A_198 = tpu.memref_slice %arg12[%dma_wait3A_197] : memref<79872xf32, #tpu.memory_space<hbm>> -> memref<79872xf32, #tpu.memory_space<hbm>>
    tpu.wait_indirect_dma semaphore(%arg48 : memref<!tpu.dma_semaphore, #tpu.memory_space<semaphore_mem>>) src(%dma_wait3A_198 : memref<79872xf32, #tpu.memory_space<hbm>>) dst(%dma_wait3A_194 : memref<256xf32, #tpu.memory_space<vmem>>)
    %dma_wait3A_199 = arith.constant 256 : i32
    %dma_wait3A_200 = tpu.memref_slice %arg37[%dma_wait3A_199] : memref<512xf32, #tpu.memory_space<vmem>> -> memref<256xf32, #tpu.memory_space<vmem>>
    %dma_wait3A_201 = arith.constant 256 : i32
    %dma_wait3A_202 = tpu.memref_slice %arg29[%dma_wait3A_201] : memref<512xi32, #tpu.memory_space<vmem>> -> memref<256xi32, #tpu.memory_space<vmem>>
    %dma_wait3A_203 = arith.constant 0 : i32
    %dma_wait3A_204 = tpu.memref_slice %arg13[%dma_wait3A_203] : memref<133120xf32, #tpu.memory_space<hbm>> -> memref<133120xf32, #tpu.memory_space<hbm>>
    tpu.wait_indirect_dma semaphore(%arg48 : memref<!tpu.dma_semaphore, #tpu.memory_space<semaphore_mem>>) src(%dma_wait3A_204 : memref<133120xf32, #tpu.memory_space<hbm>>) dst(%dma_wait3A_200 : memref<256xf32, #tpu.memory_space<vmem>>)
    %dma_wait3A_205 = arith.constant 256 : i32
    %dma_wait3A_206 = tpu.memref_slice %arg38[%dma_wait3A_205] : memref<512xf32, #tpu.memory_space<vmem>> -> memref<256xf32, #tpu.memory_space<vmem>>
    %dma_wait3A_207 = arith.constant 256 : i32
    %dma_wait3A_208 = tpu.memref_slice %arg30[%dma_wait3A_207] : memref<512xi32, #tpu.memory_space<vmem>> -> memref<256xi32, #tpu.memory_space<vmem>>
    %dma_wait3A_209 = arith.constant 0 : i32
    %dma_wait3A_210 = tpu.memref_slice %arg14[%dma_wait3A_209] : memref<307200xf32, #tpu.memory_space<hbm>> -> memref<307200xf32, #tpu.memory_space<hbm>>
    tpu.wait_indirect_dma semaphore(%arg48 : memref<!tpu.dma_semaphore, #tpu.memory_space<semaphore_mem>>) src(%dma_wait3A_210 : memref<307200xf32, #tpu.memory_space<hbm>>) dst(%dma_wait3A_206 : memref<256xf32, #tpu.memory_space<vmem>>)
    %dma_wait3A_211 = arith.constant 256 : i32
    %dma_wait3A_212 = tpu.memref_slice %arg39[%dma_wait3A_211] : memref<512xf32, #tpu.memory_space<vmem>> -> memref<256xf32, #tpu.memory_space<vmem>>
    %dma_wait3A_213 = arith.constant 256 : i32
    %dma_wait3A_214 = tpu.memref_slice %arg31[%dma_wait3A_213] : memref<512xi32, #tpu.memory_space<vmem>> -> memref<256xi32, #tpu.memory_space<vmem>>
    %dma_wait3A_215 = arith.constant 0 : i32
    %dma_wait3A_216 = tpu.memref_slice %arg15[%dma_wait3A_215] : memref<512000xf32, #tpu.memory_space<hbm>> -> memref<512000xf32, #tpu.memory_space<hbm>>
    tpu.wait_indirect_dma semaphore(%arg48 : memref<!tpu.dma_semaphore, #tpu.memory_space<semaphore_mem>>) src(%dma_wait3A_216 : memref<512000xf32, #tpu.memory_space<hbm>>) dst(%dma_wait3A_212 : memref<256xf32, #tpu.memory_space<vmem>>)
    %dma_wait3A_217 = arith.constant 256 : i32
    %dma_wait3A_218 = tpu.memref_slice %arg40[%dma_wait3A_217] : memref<512xf32, #tpu.memory_space<vmem>> -> memref<256xf32, #tpu.memory_space<vmem>>
    %dma_wait3A_219 = arith.constant 256 : i32
    %dma_wait3A_220 = tpu.memref_slice %arg32[%dma_wait3A_219] : memref<512xi32, #tpu.memory_space<vmem>> -> memref<256xi32, #tpu.memory_space<vmem>>
    %dma_wait3A_221 = arith.constant 0 : i32
    %dma_wait3A_222 = tpu.memref_slice %arg16[%dma_wait3A_221] : memref<962560xf32, #tpu.memory_space<hbm>> -> memref<962560xf32, #tpu.memory_space<hbm>>
    tpu.wait_indirect_dma semaphore(%arg48 : memref<!tpu.dma_semaphore, #tpu.memory_space<semaphore_mem>>) src(%dma_wait3A_222 : memref<962560xf32, #tpu.memory_space<hbm>>) dst(%dma_wait3A_218 : memref<256xf32, #tpu.memory_space<vmem>>)
    %scan3A_223 = arith.constant 0 : i32
    %scan3A_224 = arith.constant 16 : i32
    %scan3A_225 = arith.addi %scan3A_223, %scan3A_224 : i32
    %scan3A_226 = arith.constant 1 : i32
    scf.for %scan3A_228 = %scan3A_223 to %scan3A_225 step %scan3A_226  : i32 {
      %mul3A_229 = arith.constant 1 : i32
      %mul3A_230 = arith.muli %scan3A_228, %mul3A_229 : i32
      %add3A_231 = arith.constant 16 : i32
      %add3A_232 = arith.addi %add3A_231, %mul3A_230 : i32
      %mul3A_233 = arith.constant 16 : i32
      %mul3A_234 = arith.muli %add3A_232, %mul3A_233 : i32
      %get3A_235 = arith.index_cast %mul3A_234 : i32 to index
      %get3A_236 = tpu.vector_load %arg19[%get3A_235] {strides = array<i32>} : memref<512xi32, #tpu.memory_space<vmem>>, vector<16xi32>,
      %get3A_237 = arith.index_cast %mul3A_234 : i32 to index
      %get3A_238 = tpu.vector_load %arg20[%get3A_237] {strides = array<i32>} : memref<512xi32, #tpu.memory_space<vmem>>, vector<16xi32>,
      %get3A_239 = arith.index_cast %mul3A_234 : i32 to index
      %get3A_240 = tpu.vector_load %arg21[%get3A_239] {strides = array<i32>} : memref<512xi32, #tpu.memory_space<vmem>>, vector<16xi32>,
      %get3A_241 = arith.index_cast %mul3A_234 : i32 to index
      %get3A_242 = tpu.vector_load %arg22[%get3A_241] {strides = array<i32>} : memref<512xi32, #tpu.memory_space<vmem>>, vector<16xi32>,
      %get3A_243 = arith.index_cast %mul3A_234 : i32 to index
      %get3A_244 = tpu.vector_load %arg23[%get3A_243] {strides = array<i32>} : memref<512xi32, #tpu.memory_space<vmem>>, vector<16xi32>,
      %add3A_245 = arith.constant 0 : i32
      %add3A_246 = vector.broadcast %add3A_245 : i32 to vector<16xi32>
      %add3A_247 = arith.addi %get3A_236, %add3A_246 : vector<16xi32>
      %gather3A = tpu.vector_load_idx %arg24[%add3A_247] : memref<5760xf32, #tpu.memory_space<vmem>>[vector<16xi32>], vector<16xf32>,
      %add3A_248 = arith.constant 128 : i32
      %add3A_249 = vector.broadcast %add3A_248 : i32 to vector<16xi32>
      %add3A_250 = arith.addi %get3A_238, %add3A_249 : vector<16xi32>
      %gather3A_251 = tpu.vector_load_idx %arg24[%add3A_250] : memref<5760xf32, #tpu.memory_space<vmem>>[vector<16xi32>], vector<16xf32>,
      %add3A_252 = arith.constant 256 : i32
      %add3A_253 = vector.broadcast %add3A_252 : i32 to vector<16xi32>
      %add3A_254 = arith.addi %get3A_240, %add3A_253 : vector<16xi32>
      %gather3A_255 = tpu.vector_load_idx %arg24[%add3A_254] : memref<5760xf32, #tpu.memory_space<vmem>>[vector<16xi32>], vector<16xf32>,
      %add3A_256 = arith.constant 768 : i32
      %add3A_257 = vector.broadcast %add3A_256 : i32 to vector<16xi32>
      %add3A_258 = arith.addi %get3A_242, %add3A_257 : vector<16xi32>
      %gather3A_259 = tpu.vector_load_idx %arg24[%add3A_258] : memref<5760xf32, #tpu.memory_space<vmem>>[vector<16xi32>], vector<16xf32>,
      %add3A_260 = arith.constant 1536 : i32
      %add3A_261 = vector.broadcast %add3A_260 : i32 to vector<16xi32>
      %add3A_262 = arith.addi %get3A_244, %add3A_261 : vector<16xi32>
      %gather3A_263 = tpu.vector_load_idx %arg24[%add3A_262] : memref<5760xf32, #tpu.memory_space<vmem>>[vector<16xi32>], vector<16xf32>,
      %add3A_264 = arith.constant 2816 : i32
      %add3A_265 = vector.broadcast %add3A_264 : i32 to vector<16xi32>
      %add3A_266 = arith.addi %get3A_236, %add3A_265 : vector<16xi32>
      %gather3A_267 = tpu.vector_load_idx %arg24[%add3A_266] : memref<5760xf32, #tpu.memory_space<vmem>>[vector<16xi32>], vector<16xf32>,
      %add3A_268 = arith.constant 2944 : i32
      %add3A_269 = vector.broadcast %add3A_268 : i32 to vector<16xi32>
      %add3A_270 = arith.addi %get3A_238, %add3A_269 : vector<16xi32>
      %gather3A_271 = tpu.vector_load_idx %arg24[%add3A_270] : memref<5760xf32, #tpu.memory_space<vmem>>[vector<16xi32>], vector<16xf32>,
      %add3A_272 = arith.constant 3072 : i32
      %add3A_273 = vector.broadcast %add3A_272 : i32 to vector<16xi32>
      %add3A_274 = arith.addi %get3A_240, %add3A_273 : vector<16xi32>
      %gather3A_275 = tpu.vector_load_idx %arg24[%add3A_274] : memref<5760xf32, #tpu.memory_space<vmem>>[vector<16xi32>], vector<16xf32>,
      %add3A_276 = arith.constant 3584 : i32
      %add3A_277 = vector.broadcast %add3A_276 : i32 to vector<16xi32>
      %add3A_278 = arith.addi %get3A_242, %add3A_277 : vector<16xi32>
      %gather3A_279 = tpu.vector_load_idx %arg24[%add3A_278] : memref<5760xf32, #tpu.memory_space<vmem>>[vector<16xi32>], vector<16xf32>,
      %add3A_280 = arith.constant 4352 : i32
      %add3A_281 = vector.broadcast %add3A_280 : i32 to vector<16xi32>
      %add3A_282 = arith.addi %get3A_244, %add3A_281 : vector<16xi32>
      %gather3A_283 = tpu.vector_load_idx %arg24[%add3A_282] : memref<5760xf32, #tpu.memory_space<vmem>>[vector<16xi32>], vector<16xf32>,
      %shift_left3A = arith.constant 7 : i32
      %shift_left3A_284 = vector.broadcast %shift_left3A : i32 to vector<16xi32>
      %shift_left3A_285 = arith.shli %get3A_236, %shift_left3A_284 : vector<16xi32>
      %add3A_286 = arith.addi %shift_left3A_285, %get3A_238 : vector<16xi32>
      %gather3A_287 = tpu.vector_load_idx %arg41[%add3A_286] : memref<4096xf32, #tpu.memory_space<vmem>>[vector<16xi32>], vector<16xf32>,
      %shift_right_arithmetic3A = arith.constant 7 : i32
      %shift_right_arithmetic3A_288 = vector.broadcast %shift_right_arithmetic3A : i32 to vector<16xi32>
      %shift_right_arithmetic3A_289 = arith.shrsi %get3A_240, %shift_right_arithmetic3A_288 : vector<16xi32>
      %mul3A_290 = arith.constant 32 : i32
      %mul3A_291 = vector.broadcast %mul3A_290 : i32 to vector<16xi32>
      %mul3A_292 = arith.muli %shift_right_arithmetic3A_289, %mul3A_291 : vector<16xi32>
      %add3A_293 = arith.addi %mul3A_292, %get3A_236 : vector<16xi32>
      %shift_left3A_294 = arith.constant 7 : i32
      %shift_left3A_295 = vector.broadcast %shift_left3A_294 : i32 to vector<16xi32>
      %shift_left3A_296 = arith.shli %add3A_293, %shift_left3A_295 : vector<16xi32>
      %and3A = arith.constant 127 : i32
      %and3A_297 = vector.broadcast %and3A : i32 to vector<16xi32>
      %and3A_298 = arith.andi %get3A_240, %and3A_297 : vector<16xi32>
      %add3A_299 = arith.addi %shift_left3A_296, %and3A_298 : vector<16xi32>
      %gather3A_300 = tpu.vector_load_idx %arg42[%add3A_299] : memref<16384xf32, #tpu.memory_space<vmem>>[vector<16xi32>], vector<16xf32>,
      %get3A_301 = arith.index_cast %mul3A_234 : i32 to index
      %get3A_302 = tpu.vector_load %arg33[%get3A_301] {strides = array<i32>} : memref<512xf32, #tpu.memory_space<vmem>>, vector<16xf32>,
      %get3A_303 = arith.index_cast %mul3A_234 : i32 to index
      %get3A_304 = tpu.vector_load %arg34[%get3A_303] {strides = array<i32>} : memref<512xf32, #tpu.memory_space<vmem>>, vector<16xf32>,
      %get3A_305 = arith.index_cast %mul3A_234 : i32 to index
      %get3A_306 = tpu.vector_load %arg35[%get3A_305] {strides = array<i32>} : memref<512xf32, #tpu.memory_space<vmem>>, vector<16xf32>,
      %get3A_307 = arith.index_cast %mul3A_234 : i32 to index
      %get3A_308 = tpu.vector_load %arg36[%get3A_307] {strides = array<i32>} : memref<512xf32, #tpu.memory_space<vmem>>, vector<16xf32>,
      %get3A_309 = arith.index_cast %mul3A_234 : i32 to index
      %get3A_310 = tpu.vector_load %arg37[%get3A_309] {strides = array<i32>} : memref<512xf32, #tpu.memory_space<vmem>>, vector<16xf32>,
      %get3A_311 = arith.index_cast %mul3A_234 : i32 to index
      %get3A_312 = tpu.vector_load %arg38[%get3A_311] {strides = array<i32>} : memref<512xf32, #tpu.memory_space<vmem>>, vector<16xf32>,
      %get3A_313 = arith.index_cast %mul3A_234 : i32 to index
      %get3A_314 = tpu.vector_load %arg39[%get3A_313] {strides = array<i32>} : memref<512xf32, #tpu.memory_space<vmem>>, vector<16xf32>,
      %get3A_315 = arith.index_cast %mul3A_234 : i32 to index
      %get3A_316 = tpu.vector_load %arg40[%get3A_315] {strides = array<i32>} : memref<512xf32, #tpu.memory_space<vmem>>, vector<16xf32>,
      %max3A = arith.constant 1.000000e-24 : f32
      %max3A_317 = vector.broadcast %max3A : f32 to vector<16xf32>
      %max3A_318 = arith.maximumf %gather3A, %max3A_317 : vector<16xf32>
      %bitcast3A = vector.bitcast %max3A_318 : vector<16xf32> to vector<16xi32>
      %shift_right_arithmetic3A_319 = arith.constant 1 : i32
      %shift_right_arithmetic3A_320 = vector.broadcast %shift_right_arithmetic3A_319 : i32 to vector<16xi32>
      %shift_right_arithmetic3A_321 = arith.shrsi %bitcast3A, %shift_right_arithmetic3A_320 : vector<16xi32>
      %sub3A = arith.constant 1597463007 : i32
      %sub3A_322 = vector.broadcast %sub3A : i32 to vector<16xi32>
      %sub3A_323 = arith.subi %sub3A_322, %shift_right_arithmetic3A_321 : vector<16xi32>
      %bitcast3A_324 = vector.bitcast %sub3A_323 : vector<16xi32> to vector<16xf32>
      %mul3A_325 = arith.constant 5.000000e-01 : f32
      %mul3A_326 = vector.broadcast %mul3A_325 : f32 to vector<16xf32>
      %mul3A_327 = arith.mulf %max3A_318, %mul3A_326 : vector<16xf32>
      %mul3A_328 = arith.mulf %mul3A_327, %bitcast3A_324 : vector<16xf32>
      %mul3A_329 = arith.mulf %mul3A_328, %bitcast3A_324 : vector<16xf32>
      %sub3A_330 = arith.constant 1.500000e+00 : f32
      %sub3A_331 = vector.broadcast %sub3A_330 : f32 to vector<16xf32>
      %sub3A_332 = arith.subf %sub3A_331, %mul3A_329 : vector<16xf32>
      %mul3A_333 = arith.mulf %bitcast3A_324, %sub3A_332 : vector<16xf32>
      %mul3A_334 = arith.mulf %mul3A_327, %mul3A_333 : vector<16xf32>
      %mul3A_335 = arith.mulf %mul3A_334, %mul3A_333 : vector<16xf32>
      %sub3A_336 = arith.constant 1.500000e+00 : f32
      %sub3A_337 = vector.broadcast %sub3A_336 : f32 to vector<16xf32>
      %sub3A_338 = arith.subf %sub3A_337, %mul3A_335 : vector<16xf32>
      %mul3A_339 = arith.mulf %mul3A_333, %sub3A_338 : vector<16xf32>
      %mul3A_340 = arith.mulf %gather3A, %mul3A_339 : vector<16xf32>
      %mul3A_341 = arith.mulf %mul3A_340, %mul3A_339 : vector<16xf32>
      %mul3A_342 = arith.mulf %gather3A_287, %mul3A_339 : vector<16xf32>
      %mul3A_343 = arith.constant 2.000000e+00 : f32
      %mul3A_344 = vector.broadcast %mul3A_343 : f32 to vector<16xf32>
      %mul3A_345 = arith.mulf %mul3A_344, %mul3A_342 : vector<16xf32>
      %add3A_346 = arith.addf %mul3A_341, %mul3A_345 : vector<16xf32>
      %add3A_347 = arith.addf %add3A_346, %gather3A_251 : vector<16xf32>
      %max3A_348 = arith.constant 1.000000e-24 : f32
      %max3A_349 = vector.broadcast %max3A_348 : f32 to vector<16xf32>
      %max3A_350 = arith.maximumf %add3A_347, %max3A_349 : vector<16xf32>
      %bitcast3A_351 = vector.bitcast %max3A_350 : vector<16xf32> to vector<16xi32>
      %shift_right_arithmetic3A_352 = arith.constant 1 : i32
      %shift_right_arithmetic3A_353 = vector.broadcast %shift_right_arithmetic3A_352 : i32 to vector<16xi32>
      %shift_right_arithmetic3A_354 = arith.shrsi %bitcast3A_351, %shift_right_arithmetic3A_353 : vector<16xi32>
      %sub3A_355 = arith.constant 1597463007 : i32
      %sub3A_356 = vector.broadcast %sub3A_355 : i32 to vector<16xi32>
      %sub3A_357 = arith.subi %sub3A_356, %shift_right_arithmetic3A_354 : vector<16xi32>
      %bitcast3A_358 = vector.bitcast %sub3A_357 : vector<16xi32> to vector<16xf32>
      %mul3A_359 = arith.constant 5.000000e-01 : f32
      %mul3A_360 = vector.broadcast %mul3A_359 : f32 to vector<16xf32>
      %mul3A_361 = arith.mulf %max3A_350, %mul3A_360 : vector<16xf32>
      %mul3A_362 = arith.mulf %mul3A_361, %bitcast3A_358 : vector<16xf32>
      %mul3A_363 = arith.mulf %mul3A_362, %bitcast3A_358 : vector<16xf32>
      %sub3A_364 = arith.constant 1.500000e+00 : f32
      %sub3A_365 = vector.broadcast %sub3A_364 : f32 to vector<16xf32>
      %sub3A_366 = arith.subf %sub3A_365, %mul3A_363 : vector<16xf32>
      %mul3A_367 = arith.mulf %bitcast3A_358, %sub3A_366 : vector<16xf32>
      %mul3A_368 = arith.mulf %mul3A_361, %mul3A_367 : vector<16xf32>
      %mul3A_369 = arith.mulf %mul3A_368, %mul3A_367 : vector<16xf32>
      %sub3A_370 = arith.constant 1.500000e+00 : f32
      %sub3A_371 = vector.broadcast %sub3A_370 : f32 to vector<16xf32>
      %sub3A_372 = arith.subf %sub3A_371, %mul3A_369 : vector<16xf32>
      %mul3A_373 = arith.mulf %mul3A_367, %sub3A_372 : vector<16xf32>
      %mul3A_374 = arith.mulf %add3A_347, %mul3A_373 : vector<16xf32>
      %mul3A_375 = arith.mulf %mul3A_374, %mul3A_373 : vector<16xf32>
      %mul3A_376 = arith.mulf %get3A_302, %mul3A_339 : vector<16xf32>
      %add3A_377 = arith.addf %mul3A_376, %get3A_308 : vector<16xf32>
      %mul3A_378 = arith.mulf %get3A_304, %mul3A_339 : vector<16xf32>
      %add3A_379 = arith.addf %mul3A_378, %get3A_310 : vector<16xf32>
      %mul3A_380 = arith.mulf %gather3A_300, %mul3A_339 : vector<16xf32>
      %add3A_381 = arith.addf %mul3A_380, %get3A_306 : vector<16xf32>
      %mul3A_382 = arith.mulf %add3A_381, %mul3A_373 : vector<16xf32>
      %mul3A_383 = arith.constant 2.000000e+00 : f32
      %mul3A_384 = vector.broadcast %mul3A_383 : f32 to vector<16xf32>
      %mul3A_385 = arith.mulf %mul3A_384, %mul3A_382 : vector<16xf32>
      %add3A_386 = arith.addf %mul3A_375, %mul3A_385 : vector<16xf32>
      %add3A_387 = arith.addf %add3A_386, %gather3A_255 : vector<16xf32>
      %max3A_388 = arith.constant 1.000000e-24 : f32
      %max3A_389 = vector.broadcast %max3A_388 : f32 to vector<16xf32>
      %max3A_390 = arith.maximumf %add3A_387, %max3A_389 : vector<16xf32>
      %bitcast3A_391 = vector.bitcast %max3A_390 : vector<16xf32> to vector<16xi32>
      %shift_right_arithmetic3A_392 = arith.constant 1 : i32
      %shift_right_arithmetic3A_393 = vector.broadcast %shift_right_arithmetic3A_392 : i32 to vector<16xi32>
      %shift_right_arithmetic3A_394 = arith.shrsi %bitcast3A_391, %shift_right_arithmetic3A_393 : vector<16xi32>
      %sub3A_395 = arith.constant 1597463007 : i32
      %sub3A_396 = vector.broadcast %sub3A_395 : i32 to vector<16xi32>
      %sub3A_397 = arith.subi %sub3A_396, %shift_right_arithmetic3A_394 : vector<16xi32>
      %bitcast3A_398 = vector.bitcast %sub3A_397 : vector<16xi32> to vector<16xf32>
      %mul3A_399 = arith.constant 5.000000e-01 : f32
      %mul3A_400 = vector.broadcast %mul3A_399 : f32 to vector<16xf32>
      %mul3A_401 = arith.mulf %max3A_390, %mul3A_400 : vector<16xf32>
      %mul3A_402 = arith.mulf %mul3A_401, %bitcast3A_398 : vector<16xf32>
      %mul3A_403 = arith.mulf %mul3A_402, %bitcast3A_398 : vector<16xf32>
      %sub3A_404 = arith.constant 1.500000e+00 : f32
      %sub3A_405 = vector.broadcast %sub3A_404 : f32 to vector<16xf32>
      %sub3A_406 = arith.subf %sub3A_405, %mul3A_403 : vector<16xf32>
      %mul3A_407 = arith.mulf %bitcast3A_398, %sub3A_406 : vector<16xf32>
      %mul3A_408 = arith.mulf %mul3A_401, %mul3A_407 : vector<16xf32>
      %mul3A_409 = arith.mulf %mul3A_408, %mul3A_407 : vector<16xf32>
      %sub3A_410 = arith.constant 1.500000e+00 : f32
      %sub3A_411 = vector.broadcast %sub3A_410 : f32 to vector<16xf32>
      %sub3A_412 = arith.subf %sub3A_411, %mul3A_409 : vector<16xf32>
      %mul3A_413 = arith.mulf %mul3A_407, %sub3A_412 : vector<16xf32>
      %mul3A_414 = arith.mulf %add3A_387, %mul3A_413 : vector<16xf32>
      %mul3A_415 = arith.mulf %mul3A_414, %mul3A_413 : vector<16xf32>
      %mul3A_416 = arith.mulf %add3A_377, %mul3A_373 : vector<16xf32>
      %add3A_417 = arith.addf %mul3A_416, %get3A_312 : vector<16xf32>
      %mul3A_418 = arith.mulf %add3A_417, %mul3A_413 : vector<16xf32>
      %mul3A_419 = arith.constant 2.000000e+00 : f32
      %mul3A_420 = vector.broadcast %mul3A_419 : f32 to vector<16xf32>
      %mul3A_421 = arith.mulf %mul3A_420, %mul3A_418 : vector<16xf32>
      %add3A_422 = arith.addf %mul3A_415, %mul3A_421 : vector<16xf32>
      %add3A_423 = arith.addf %add3A_422, %gather3A_259 : vector<16xf32>
      %max3A_424 = arith.constant 1.000000e-24 : f32
      %max3A_425 = vector.broadcast %max3A_424 : f32 to vector<16xf32>
      %max3A_426 = arith.maximumf %add3A_423, %max3A_425 : vector<16xf32>
      %bitcast3A_427 = vector.bitcast %max3A_426 : vector<16xf32> to vector<16xi32>
      %shift_right_arithmetic3A_428 = arith.constant 1 : i32
      %shift_right_arithmetic3A_429 = vector.broadcast %shift_right_arithmetic3A_428 : i32 to vector<16xi32>
      %shift_right_arithmetic3A_430 = arith.shrsi %bitcast3A_427, %shift_right_arithmetic3A_429 : vector<16xi32>
      %sub3A_431 = arith.constant 1597463007 : i32
      %sub3A_432 = vector.broadcast %sub3A_431 : i32 to vector<16xi32>
      %sub3A_433 = arith.subi %sub3A_432, %shift_right_arithmetic3A_430 : vector<16xi32>
      %bitcast3A_434 = vector.bitcast %sub3A_433 : vector<16xi32> to vector<16xf32>
      %mul3A_435 = arith.constant 5.000000e-01 : f32
      %mul3A_436 = vector.broadcast %mul3A_435 : f32 to vector<16xf32>
      %mul3A_437 = arith.mulf %max3A_426, %mul3A_436 : vector<16xf32>
      %mul3A_438 = arith.mulf %mul3A_437, %bitcast3A_434 : vector<16xf32>
      %mul3A_439 = arith.mulf %mul3A_438, %bitcast3A_434 : vector<16xf32>
      %sub3A_440 = arith.constant 1.500000e+00 : f32
      %sub3A_441 = vector.broadcast %sub3A_440 : f32 to vector<16xf32>
      %sub3A_442 = arith.subf %sub3A_441, %mul3A_439 : vector<16xf32>
      %mul3A_443 = arith.mulf %bitcast3A_434, %sub3A_442 : vector<16xf32>
      %mul3A_444 = arith.mulf %mul3A_437, %mul3A_443 : vector<16xf32>
      %mul3A_445 = arith.mulf %mul3A_444, %mul3A_443 : vector<16xf32>
      %sub3A_446 = arith.constant 1.500000e+00 : f32
      %sub3A_447 = vector.broadcast %sub3A_446 : f32 to vector<16xf32>
      %sub3A_448 = arith.subf %sub3A_447, %mul3A_445 : vector<16xf32>
      %mul3A_449 = arith.mulf %mul3A_443, %sub3A_448 : vector<16xf32>
      %mul3A_450 = arith.mulf %add3A_423, %mul3A_449 : vector<16xf32>
      %mul3A_451 = arith.mulf %mul3A_450, %mul3A_449 : vector<16xf32>
      %mul3A_452 = arith.mulf %add3A_379, %mul3A_373 : vector<16xf32>
      %add3A_453 = arith.addf %mul3A_452, %get3A_314 : vector<16xf32>
      %mul3A_454 = arith.mulf %add3A_453, %mul3A_413 : vector<16xf32>
      %add3A_455 = arith.addf %mul3A_454, %get3A_316 : vector<16xf32>
      %mul3A_456 = arith.mulf %add3A_455, %mul3A_449 : vector<16xf32>
      %mul3A_457 = arith.constant 2.000000e+00 : f32
      %mul3A_458 = vector.broadcast %mul3A_457 : f32 to vector<16xf32>
      %mul3A_459 = arith.mulf %mul3A_458, %mul3A_456 : vector<16xf32>
      %add3A_460 = arith.addf %mul3A_451, %mul3A_459 : vector<16xf32>
      %add3A_461 = arith.addf %add3A_460, %gather3A_263 : vector<16xf32>
      %max3A_462 = arith.constant 1.000000e-24 : f32
      %max3A_463 = vector.broadcast %max3A_462 : f32 to vector<16xf32>
      %max3A_464 = arith.maximumf %add3A_461, %max3A_463 : vector<16xf32>
      %bitcast3A_465 = vector.bitcast %max3A_464 : vector<16xf32> to vector<16xi32>
      %shift_right_arithmetic3A_466 = arith.constant 1 : i32
      %shift_right_arithmetic3A_467 = vector.broadcast %shift_right_arithmetic3A_466 : i32 to vector<16xi32>
      %shift_right_arithmetic3A_468 = arith.shrsi %bitcast3A_465, %shift_right_arithmetic3A_467 : vector<16xi32>
      %sub3A_469 = arith.constant 1597463007 : i32
      %sub3A_470 = vector.broadcast %sub3A_469 : i32 to vector<16xi32>
      %sub3A_471 = arith.subi %sub3A_470, %shift_right_arithmetic3A_468 : vector<16xi32>
      %bitcast3A_472 = vector.bitcast %sub3A_471 : vector<16xi32> to vector<16xf32>
      %mul3A_473 = arith.constant 5.000000e-01 : f32
      %mul3A_474 = vector.broadcast %mul3A_473 : f32 to vector<16xf32>
      %mul3A_475 = arith.mulf %max3A_464, %mul3A_474 : vector<16xf32>
      %mul3A_476 = arith.mulf %mul3A_475, %bitcast3A_472 : vector<16xf32>
      %mul3A_477 = arith.mulf %mul3A_476, %bitcast3A_472 : vector<16xf32>
      %sub3A_478 = arith.constant 1.500000e+00 : f32
      %sub3A_479 = vector.broadcast %sub3A_478 : f32 to vector<16xf32>
      %sub3A_480 = arith.subf %sub3A_479, %mul3A_477 : vector<16xf32>
      %mul3A_481 = arith.mulf %bitcast3A_472, %sub3A_480 : vector<16xf32>
      %mul3A_482 = arith.mulf %mul3A_475, %mul3A_481 : vector<16xf32>
      %mul3A_483 = arith.mulf %mul3A_482, %mul3A_481 : vector<16xf32>
      %sub3A_484 = arith.constant 1.500000e+00 : f32
      %sub3A_485 = vector.broadcast %sub3A_484 : f32 to vector<16xf32>
      %sub3A_486 = arith.subf %sub3A_485, %mul3A_483 : vector<16xf32>
      %mul3A_487 = arith.mulf %mul3A_481, %sub3A_486 : vector<16xf32>
      %mul3A_488 = arith.mulf %gather3A_267, %mul3A_339 : vector<16xf32>
      %add3A_489 = arith.addf %mul3A_488, %gather3A_271 : vector<16xf32>
      %mul3A_490 = arith.mulf %add3A_489, %mul3A_373 : vector<16xf32>
      %add3A_491 = arith.addf %mul3A_490, %gather3A_275 : vector<16xf32>
      %mul3A_492 = arith.mulf %add3A_491, %mul3A_413 : vector<16xf32>
      %add3A_493 = arith.addf %mul3A_492, %gather3A_279 : vector<16xf32>
      %mul3A_494 = arith.mulf %add3A_493, %mul3A_449 : vector<16xf32>
      %add3A_495 = arith.addf %mul3A_494, %gather3A_283 : vector<16xf32>
      %mul3A_496 = arith.mulf %add3A_495, %mul3A_487 : vector<16xf32>
      %add3A_497 = arith.addf %mul3A_496, %get3A_121 : vector<16xf32>
      %neg3A = arith.constant 0.000000e+00 : f32
      %neg3A_498 = vector.broadcast %neg3A : f32 to vector<16xf32>
      %neg3A_499 = arith.subf %neg3A_498, %add3A_497 : vector<16xf32>
      %exp3A = math.exp %neg3A_499 : vector<16xf32>
      %add3A_500 = arith.constant 1.000000e+00 : f32
      %add3A_501 = vector.broadcast %add3A_500 : f32 to vector<16xf32>
      %add3A_502 = arith.addf %add3A_501, %exp3A : vector<16xf32>
      %div3A = arith.constant 1.000000e+00 : f32
      %div3A_503 = vector.broadcast %div3A : f32 to vector<16xf32>
      %div3A_504 = arith.divf %div3A_503, %add3A_502 : vector<16xf32>
      %swap3A = arith.index_cast %mul3A_234 : i32 to index
      %swap3A_505 = tpu.vector_load %arg43[%swap3A] {strides = array<i32>} : memref<512xf32, #tpu.memory_space<vmem>>, vector<16xf32>,
      tpu.vector_store %arg43[%swap3A], %div3A_504 {strides = array<i32>} : memref<512xf32, #tpu.memory_space<vmem>>, vector<16xf32>,
    }
    %scan3A_227 = arith.constant 16 : i32
    "tpu.region"() ({
      %run_scoped3A = tpu.sem_alloc : memref<!tpu.dma_semaphore, #tpu.memory_space<semaphore_mem>>
      %dma_start3A_228 = tpu.memref_slice %arg18[%mul3A_2] : memref<16384xf32, #tpu.memory_space<hbm>> -> memref<512xf32, #tpu.memory_space<hbm>>
      %dma_start3A_229 = tpu.memref_slice %arg18[%mul3A_2] : memref<16384xf32, #tpu.memory_space<hbm>> -> memref<512xf32, #tpu.memory_space<hbm>>
      tpu.enqueue_dma source(%arg43 : memref<512xf32, #tpu.memory_space<vmem>>) target(%dma_start3A_229 : memref<512xf32, #tpu.memory_space<hbm>>) target_semaphore(%run_scoped3A : memref<!tpu.dma_semaphore, #tpu.memory_space<semaphore_mem>>)
      %dma_wait3A_230 = tpu.memref_slice %arg18[%mul3A_2] : memref<16384xf32, #tpu.memory_space<hbm>> -> memref<512xf32, #tpu.memory_space<hbm>>
      %dma_wait3A_231 = tpu.memref_slice %arg18[%mul3A_2] : memref<16384xf32, #tpu.memory_space<hbm>> -> memref<512xf32, #tpu.memory_space<hbm>>
      tpu.wait_dma2 semaphore(%run_scoped3A : memref<!tpu.dma_semaphore, #tpu.memory_space<semaphore_mem>>) src(%arg43 : memref<512xf32, #tpu.memory_space<vmem>>) dst(%dma_wait3A_231 : memref<512xf32, #tpu.memory_space<hbm>>)
      tpu.yield
    }) : () -> ()
    return
  }
}

module attributes {stable_mosaic.version = 14 : i64} {
  func.func @_gram_body(%arg0: memref<25x64xf32, #tpu.memory_space<vmem>>, %arg1: memref<64x100xf32, #tpu.memory_space<vmem>>, %arg2: memref<64x400xf32, #tpu.memory_space<vmem>>, %arg3: memref<64x750xf32, #tpu.memory_space<vmem>>, %arg4: memref<64x1200xf32, #tpu.memory_space<vmem>>, %arg5: memref<1x64xf32, #tpu.memory_space<vmem>>, %arg6: memref<1xf32, #tpu.memory_space<vmem>>, %arg7: memref<32x128xf32, #tpu.memory_space<vmem>>, %arg8: memref<128x128xf32, #tpu.memory_space<vmem>>, %arg9: memref<192x128xf32, #tpu.memory_space<vmem>>, %arg10: memref<320x128xf32, #tpu.memory_space<vmem>>, %arg11: memref<416x128xf32, #tpu.memory_space<vmem>>, %arg12: memref<624x128xf32, #tpu.memory_space<vmem>>, %arg13: memref<1040x128xf32, #tpu.memory_space<vmem>>, %arg14: memref<2400x128xf32, #tpu.memory_space<vmem>>, %arg15: memref<4000x128xf32, #tpu.memory_space<vmem>>, %arg16: memref<7520x128xf32, #tpu.memory_space<vmem>>, %arg17: memref<5760xf32, #tpu.memory_space<vmem>>) attributes {dimension_semantics = [], scalar_prefetch = 0 : i64, scratch_operands = 0 : i64, tpu.core_type = #tpu.core_type<tc>} {
    %get3A = arith.constant 0 : index
    %get3A_0 = arith.constant 0 : index
    %get3A_1 = vector.load %arg0[%get3A, %get3A_0] : memref<25x64xf32, #tpu.memory_space<vmem>>, vector<25x64xf32>
    %get3A_2 = arith.constant 0 : index
    %get3A_3 = arith.constant 0 : index
    %get3A_4 = vector.load %arg1[%get3A_2, %get3A_3] : memref<64x100xf32, #tpu.memory_space<vmem>>, vector<64x100xf32>
    %get3A_5 = arith.constant 0 : index
    %get3A_6 = arith.constant 0 : index
    %get3A_7 = vector.load %arg2[%get3A_5, %get3A_6] : memref<64x400xf32, #tpu.memory_space<vmem>>, vector<64x400xf32>
    %get3A_8 = arith.constant 0 : index
    %get3A_9 = arith.constant 0 : index
    %get3A_10 = vector.load %arg3[%get3A_8, %get3A_9] : memref<64x750xf32, #tpu.memory_space<vmem>>, vector<64x750xf32>
    %get3A_11 = arith.constant 0 : index
    %get3A_12 = arith.constant 0 : index
    %get3A_13 = vector.load %arg4[%get3A_11, %get3A_12] : memref<64x1200xf32, #tpu.memory_space<vmem>>, vector<64x1200xf32>
    %broadcast_in_dim3A = arith.constant 0.000000e+00 : f32
    %broadcast_in_dim3A_14 = vector.broadcast %broadcast_in_dim3A : f32 to vector<5760xf32>
    %swap3A = arith.constant 0 : index
    %swap3A_15 = vector.load %arg17[%swap3A] : memref<5760xf32, #tpu.memory_space<vmem>>, vector<5760xf32>
    tpu.vector_store %arg17[%swap3A], %broadcast_in_dim3A_14 {strides = array<i32>} : memref<5760xf32, #tpu.memory_space<vmem>>, vector<5760xf32>,
    %dot_general3A = arith.constant dense<0.000000e+00> : vector<25x100xf32>
    %dot_general3A_16 = tpu.matmul %get3A_1, %get3A_4, %dot_general3A {dimension_numbers = #tpu.dot_dimension_numbers<[1], [0], [0], [1], [0, 0, 1, 1], [], []>, transpose_lhs_hint = false} : vector<25x64xf32>, vector<64x100xf32>, vector<25x100xf32> -> vector<25x100xf32>
    %swap3A_17 = arith.constant 0 : index
    %swap3A_18 = arith.constant 0 : index
    %swap3A_19 = vector.load %arg7[%swap3A_17, %swap3A_18] : memref<32x128xf32, #tpu.memory_space<vmem>>, vector<25x100xf32>
    tpu.vector_store %arg7[%swap3A_17, %swap3A_18], %dot_general3A_16 {strides = array<i32>} : memref<32x128xf32, #tpu.memory_space<vmem>>, vector<25x100xf32>,
    %dot_general3A_20 = arith.constant dense<0.000000e+00> : vector<25x400xf32>
    %dot_general3A_21 = tpu.matmul %get3A_1, %get3A_7, %dot_general3A_20 {dimension_numbers = #tpu.dot_dimension_numbers<[1], [0], [0], [1], [0, 0, 1, 1], [], []>, transpose_lhs_hint = false} : vector<25x64xf32>, vector<64x400xf32>, vector<25x400xf32> -> vector<25x400xf32>
    %slice3A = vector.extract_strided_slice %dot_general3A_21 {offsets = [0, 0], sizes = [25, 128], strides = [1, 1]} : vector<25x400xf32> to vector<25x128xf32>
    %swap3A_22 = arith.constant 0 : index
    %swap3A_23 = arith.constant 0 : index
    %swap3A_24 = vector.load %arg8[%swap3A_22, %swap3A_23] : memref<128x128xf32, #tpu.memory_space<vmem>>, vector<25x128xf32>
    tpu.vector_store %arg8[%swap3A_22, %swap3A_23], %slice3A {strides = array<i32>} : memref<128x128xf32, #tpu.memory_space<vmem>>, vector<25x128xf32>,
    %slice3A_25 = vector.extract_strided_slice %dot_general3A_21 {offsets = [0, 128], sizes = [25, 128], strides = [1, 1]} : vector<25x400xf32> to vector<25x128xf32>
    %swap3A_26 = arith.constant 32 : index
    %swap3A_27 = arith.constant 0 : index
    %swap3A_28 = vector.load %arg8[%swap3A_26, %swap3A_27] : memref<128x128xf32, #tpu.memory_space<vmem>>, vector<25x128xf32>
    tpu.vector_store %arg8[%swap3A_26, %swap3A_27], %slice3A_25 {strides = array<i32>} : memref<128x128xf32, #tpu.memory_space<vmem>>, vector<25x128xf32>,
    %slice3A_29 = vector.extract_strided_slice %dot_general3A_21 {offsets = [0, 256], sizes = [25, 128], strides = [1, 1]} : vector<25x400xf32> to vector<25x128xf32>
    %swap3A_30 = arith.constant 64 : index
    %swap3A_31 = arith.constant 0 : index
    %swap3A_32 = vector.load %arg8[%swap3A_30, %swap3A_31] : memref<128x128xf32, #tpu.memory_space<vmem>>, vector<25x128xf32>
    tpu.vector_store %arg8[%swap3A_30, %swap3A_31], %slice3A_29 {strides = array<i32>} : memref<128x128xf32, #tpu.memory_space<vmem>>, vector<25x128xf32>,
    %slice3A_33 = vector.extract_strided_slice %dot_general3A_21 {offsets = [0, 384], sizes = [25, 16], strides = [1, 1]} : vector<25x400xf32> to vector<25x16xf32>
    %swap3A_34 = arith.constant 96 : index
    %swap3A_35 = arith.constant 0 : index
    %swap3A_36 = vector.load %arg8[%swap3A_34, %swap3A_35] : memref<128x128xf32, #tpu.memory_space<vmem>>, vector<25x16xf32>
    tpu.vector_store %arg8[%swap3A_34, %swap3A_35], %slice3A_33 {strides = array<i32>} : memref<128x128xf32, #tpu.memory_space<vmem>>, vector<25x16xf32>,
    %dot_general3A_37 = arith.constant dense<0.000000e+00> : vector<25x750xf32>
    %dot_general3A_38 = tpu.matmul %get3A_1, %get3A_10, %dot_general3A_37 {dimension_numbers = #tpu.dot_dimension_numbers<[1], [0], [0], [1], [0, 0, 1, 1], [], []>, transpose_lhs_hint = false} : vector<25x64xf32>, vector<64x750xf32>, vector<25x750xf32> -> vector<25x750xf32>
    %slice3A_39 = vector.extract_strided_slice %dot_general3A_38 {offsets = [0, 0], sizes = [25, 128], strides = [1, 1]} : vector<25x750xf32> to vector<25x128xf32>
    %swap3A_40 = arith.constant 0 : index
    %swap3A_41 = arith.constant 0 : index
    %swap3A_42 = vector.load %arg9[%swap3A_40, %swap3A_41] : memref<192x128xf32, #tpu.memory_space<vmem>>, vector<25x128xf32>
    tpu.vector_store %arg9[%swap3A_40, %swap3A_41], %slice3A_39 {strides = array<i32>} : memref<192x128xf32, #tpu.memory_space<vmem>>, vector<25x128xf32>,
    %slice3A_43 = vector.extract_strided_slice %dot_general3A_38 {offsets = [0, 128], sizes = [25, 128], strides = [1, 1]} : vector<25x750xf32> to vector<25x128xf32>
    %swap3A_44 = arith.constant 32 : index
    %swap3A_45 = arith.constant 0 : index
    %swap3A_46 = vector.load %arg9[%swap3A_44, %swap3A_45] : memref<192x128xf32, #tpu.memory_space<vmem>>, vector<25x128xf32>
    tpu.vector_store %arg9[%swap3A_44, %swap3A_45], %slice3A_43 {strides = array<i32>} : memref<192x128xf32, #tpu.memory_space<vmem>>, vector<25x128xf32>,
    %slice3A_47 = vector.extract_strided_slice %dot_general3A_38 {offsets = [0, 256], sizes = [25, 128], strides = [1, 1]} : vector<25x750xf32> to vector<25x128xf32>
    %swap3A_48 = arith.constant 64 : index
    %swap3A_49 = arith.constant 0 : index
    %swap3A_50 = vector.load %arg9[%swap3A_48, %swap3A_49] : memref<192x128xf32, #tpu.memory_space<vmem>>, vector<25x128xf32>
    tpu.vector_store %arg9[%swap3A_48, %swap3A_49], %slice3A_47 {strides = array<i32>} : memref<192x128xf32, #tpu.memory_space<vmem>>, vector<25x128xf32>,
    %slice3A_51 = vector.extract_strided_slice %dot_general3A_38 {offsets = [0, 384], sizes = [25, 128], strides = [1, 1]} : vector<25x750xf32> to vector<25x128xf32>
    %swap3A_52 = arith.constant 96 : index
    %swap3A_53 = arith.constant 0 : index
    %swap3A_54 = vector.load %arg9[%swap3A_52, %swap3A_53] : memref<192x128xf32, #tpu.memory_space<vmem>>, vector<25x128xf32>
    tpu.vector_store %arg9[%swap3A_52, %swap3A_53], %slice3A_51 {strides = array<i32>} : memref<192x128xf32, #tpu.memory_space<vmem>>, vector<25x128xf32>,
    %slice3A_55 = vector.extract_strided_slice %dot_general3A_38 {offsets = [0, 512], sizes = [25, 128], strides = [1, 1]} : vector<25x750xf32> to vector<25x128xf32>
    %swap3A_56 = arith.constant 128 : index
    %swap3A_57 = arith.constant 0 : index
    %swap3A_58 = vector.load %arg9[%swap3A_56, %swap3A_57] : memref<192x128xf32, #tpu.memory_space<vmem>>, vector<25x128xf32>
    tpu.vector_store %arg9[%swap3A_56, %swap3A_57], %slice3A_55 {strides = array<i32>} : memref<192x128xf32, #tpu.memory_space<vmem>>, vector<25x128xf32>,
    %slice3A_59 = vector.extract_strided_slice %dot_general3A_38 {offsets = [0, 640], sizes = [25, 110], strides = [1, 1]} : vector<25x750xf32> to vector<25x110xf32>
    %swap3A_60 = arith.constant 160 : index
    %swap3A_61 = arith.constant 0 : index
    %swap3A_62 = vector.load %arg9[%swap3A_60, %swap3A_61] : memref<192x128xf32, #tpu.memory_space<vmem>>, vector<25x110xf32>
    tpu.vector_store %arg9[%swap3A_60, %swap3A_61], %slice3A_59 {strides = array<i32>} : memref<192x128xf32, #tpu.memory_space<vmem>>, vector<25x110xf32>,
    %dot_general3A_63 = arith.constant dense<0.000000e+00> : vector<25x1200xf32>
    %dot_general3A_64 = tpu.matmul %get3A_1, %get3A_13, %dot_general3A_63 {dimension_numbers = #tpu.dot_dimension_numbers<[1], [0], [0], [1], [0, 0, 1, 1], [], []>, transpose_lhs_hint = false} : vector<25x64xf32>, vector<64x1200xf32>, vector<25x1200xf32> -> vector<25x1200xf32>
    %slice3A_65 = vector.extract_strided_slice %dot_general3A_64 {offsets = [0, 0], sizes = [25, 128], strides = [1, 1]} : vector<25x1200xf32> to vector<25x128xf32>
    %swap3A_66 = arith.constant 0 : index
    %swap3A_67 = arith.constant 0 : index
    %swap3A_68 = vector.load %arg10[%swap3A_66, %swap3A_67] : memref<320x128xf32, #tpu.memory_space<vmem>>, vector<25x128xf32>
    tpu.vector_store %arg10[%swap3A_66, %swap3A_67], %slice3A_65 {strides = array<i32>} : memref<320x128xf32, #tpu.memory_space<vmem>>, vector<25x128xf32>,
    %slice3A_69 = vector.extract_strided_slice %dot_general3A_64 {offsets = [0, 128], sizes = [25, 128], strides = [1, 1]} : vector<25x1200xf32> to vector<25x128xf32>
    %swap3A_70 = arith.constant 32 : index
    %swap3A_71 = arith.constant 0 : index
    %swap3A_72 = vector.load %arg10[%swap3A_70, %swap3A_71] : memref<320x128xf32, #tpu.memory_space<vmem>>, vector<25x128xf32>
    tpu.vector_store %arg10[%swap3A_70, %swap3A_71], %slice3A_69 {strides = array<i32>} : memref<320x128xf32, #tpu.memory_space<vmem>>, vector<25x128xf32>,
    %slice3A_73 = vector.extract_strided_slice %dot_general3A_64 {offsets = [0, 256], sizes = [25, 128], strides = [1, 1]} : vector<25x1200xf32> to vector<25x128xf32>
    %swap3A_74 = arith.constant 64 : index
    %swap3A_75 = arith.constant 0 : index
    %swap3A_76 = vector.load %arg10[%swap3A_74, %swap3A_75] : memref<320x128xf32, #tpu.memory_space<vmem>>, vector<25x128xf32>
    tpu.vector_store %arg10[%swap3A_74, %swap3A_75], %slice3A_73 {strides = array<i32>} : memref<320x128xf32, #tpu.memory_space<vmem>>, vector<25x128xf32>,
    %slice3A_77 = vector.extract_strided_slice %dot_general3A_64 {offsets = [0, 384], sizes = [25, 128], strides = [1, 1]} : vector<25x1200xf32> to vector<25x128xf32>
    %swap3A_78 = arith.constant 96 : index
    %swap3A_79 = arith.constant 0 : index
    %swap3A_80 = vector.load %arg10[%swap3A_78, %swap3A_79] : memref<320x128xf32, #tpu.memory_space<vmem>>, vector<25x128xf32>
    tpu.vector_store %arg10[%swap3A_78, %swap3A_79], %slice3A_77 {strides = array<i32>} : memref<320x128xf32, #tpu.memory_space<vmem>>, vector<25x128xf32>,
    %slice3A_81 = vector.extract_strided_slice %dot_general3A_64 {offsets = [0, 512], sizes = [25, 128], strides = [1, 1]} : vector<25x1200xf32> to vector<25x128xf32>
    %swap3A_82 = arith.constant 128 : index
    %swap3A_83 = arith.constant 0 : index
    %swap3A_84 = vector.load %arg10[%swap3A_82, %swap3A_83] : memref<320x128xf32, #tpu.memory_space<vmem>>, vector<25x128xf32>
    tpu.vector_store %arg10[%swap3A_82, %swap3A_83], %slice3A_81 {strides = array<i32>} : memref<320x128xf32, #tpu.memory_space<vmem>>, vector<25x128xf32>,
    %slice3A_85 = vector.extract_strided_slice %dot_general3A_64 {offsets = [0, 640], sizes = [25, 128], strides = [1, 1]} : vector<25x1200xf32> to vector<25x128xf32>
    %swap3A_86 = arith.constant 160 : index
    %swap3A_87 = arith.constant 0 : index
    %swap3A_88 = vector.load %arg10[%swap3A_86, %swap3A_87] : memref<320x128xf32, #tpu.memory_space<vmem>>, vector<25x128xf32>
    tpu.vector_store %arg10[%swap3A_86, %swap3A_87], %slice3A_85 {strides = array<i32>} : memref<320x128xf32, #tpu.memory_space<vmem>>, vector<25x128xf32>,
    %slice3A_89 = vector.extract_strided_slice %dot_general3A_64 {offsets = [0, 768], sizes = [25, 128], strides = [1, 1]} : vector<25x1200xf32> to vector<25x128xf32>
    %swap3A_90 = arith.constant 192 : index
    %swap3A_91 = arith.constant 0 : index
    %swap3A_92 = vector.load %arg10[%swap3A_90, %swap3A_91] : memref<320x128xf32, #tpu.memory_space<vmem>>, vector<25x128xf32>
    tpu.vector_store %arg10[%swap3A_90, %swap3A_91], %slice3A_89 {strides = array<i32>} : memref<320x128xf32, #tpu.memory_space<vmem>>, vector<25x128xf32>,
    %slice3A_93 = vector.extract_strided_slice %dot_general3A_64 {offsets = [0, 896], sizes = [25, 128], strides = [1, 1]} : vector<25x1200xf32> to vector<25x128xf32>
    %swap3A_94 = arith.constant 224 : index
    %swap3A_95 = arith.constant 0 : index
    %swap3A_96 = vector.load %arg10[%swap3A_94, %swap3A_95] : memref<320x128xf32, #tpu.memory_space<vmem>>, vector<25x128xf32>
    tpu.vector_store %arg10[%swap3A_94, %swap3A_95], %slice3A_93 {strides = array<i32>} : memref<320x128xf32, #tpu.memory_space<vmem>>, vector<25x128xf32>,
    %slice3A_97 = vector.extract_strided_slice %dot_general3A_64 {offsets = [0, 1024], sizes = [25, 128], strides = [1, 1]} : vector<25x1200xf32> to vector<25x128xf32>
    %swap3A_98 = arith.constant 256 : index
    %swap3A_99 = arith.constant 0 : index
    %swap3A_100 = vector.load %arg10[%swap3A_98, %swap3A_99] : memref<320x128xf32, #tpu.memory_space<vmem>>, vector<25x128xf32>
    tpu.vector_store %arg10[%swap3A_98, %swap3A_99], %slice3A_97 {strides = array<i32>} : memref<320x128xf32, #tpu.memory_space<vmem>>, vector<25x128xf32>,
    %slice3A_101 = vector.extract_strided_slice %dot_general3A_64 {offsets = [0, 1152], sizes = [25, 48], strides = [1, 1]} : vector<25x1200xf32> to vector<25x48xf32>
    %swap3A_102 = arith.constant 288 : index
    %swap3A_103 = arith.constant 0 : index
    %swap3A_104 = vector.load %arg10[%swap3A_102, %swap3A_103] : memref<320x128xf32, #tpu.memory_space<vmem>>, vector<25x48xf32>
    tpu.vector_store %arg10[%swap3A_102, %swap3A_103], %slice3A_101 {strides = array<i32>} : memref<320x128xf32, #tpu.memory_space<vmem>>, vector<25x48xf32>,
    %dot_general3A_105 = arith.constant dense<0.000000e+00> : vector<100x400xf32>
    %dot_general3A_106 = tpu.matmul %get3A_4, %get3A_7, %dot_general3A_105 {dimension_numbers = #tpu.dot_dimension_numbers<[0], [0], [1], [1], [0, 1, 1, 1], [], []>, transpose_lhs_hint = false} : vector<64x100xf32>, vector<64x400xf32>, vector<100x400xf32> -> vector<100x400xf32>
    %slice3A_107 = vector.extract_strided_slice %dot_general3A_106 {offsets = [0, 0], sizes = [100, 128], strides = [1, 1]} : vector<100x400xf32> to vector<100x128xf32>
    %swap3A_108 = arith.constant 0 : index
    %swap3A_109 = arith.constant 0 : index
    %swap3A_110 = vector.load %arg11[%swap3A_108, %swap3A_109] : memref<416x128xf32, #tpu.memory_space<vmem>>, vector<100x128xf32>
    tpu.vector_store %arg11[%swap3A_108, %swap3A_109], %slice3A_107 {strides = array<i32>} : memref<416x128xf32, #tpu.memory_space<vmem>>, vector<100x128xf32>,
    %slice3A_111 = vector.extract_strided_slice %dot_general3A_106 {offsets = [0, 128], sizes = [100, 128], strides = [1, 1]} : vector<100x400xf32> to vector<100x128xf32>
    %swap3A_112 = arith.constant 104 : index
    %swap3A_113 = arith.constant 0 : index
    %swap3A_114 = vector.load %arg11[%swap3A_112, %swap3A_113] : memref<416x128xf32, #tpu.memory_space<vmem>>, vector<100x128xf32>
    tpu.vector_store %arg11[%swap3A_112, %swap3A_113], %slice3A_111 {strides = array<i32>} : memref<416x128xf32, #tpu.memory_space<vmem>>, vector<100x128xf32>,
    %slice3A_115 = vector.extract_strided_slice %dot_general3A_106 {offsets = [0, 256], sizes = [100, 128], strides = [1, 1]} : vector<100x400xf32> to vector<100x128xf32>
    %swap3A_116 = arith.constant 208 : index
    %swap3A_117 = arith.constant 0 : index
    %swap3A_118 = vector.load %arg11[%swap3A_116, %swap3A_117] : memref<416x128xf32, #tpu.memory_space<vmem>>, vector<100x128xf32>
    tpu.vector_store %arg11[%swap3A_116, %swap3A_117], %slice3A_115 {strides = array<i32>} : memref<416x128xf32, #tpu.memory_space<vmem>>, vector<100x128xf32>,
    %slice3A_119 = vector.extract_strided_slice %dot_general3A_106 {offsets = [0, 384], sizes = [100, 16], strides = [1, 1]} : vector<100x400xf32> to vector<100x16xf32>
    %swap3A_120 = arith.constant 312 : index
    %swap3A_121 = arith.constant 0 : index
    %swap3A_122 = vector.load %arg11[%swap3A_120, %swap3A_121] : memref<416x128xf32, #tpu.memory_space<vmem>>, vector<100x16xf32>
    tpu.vector_store %arg11[%swap3A_120, %swap3A_121], %slice3A_119 {strides = array<i32>} : memref<416x128xf32, #tpu.memory_space<vmem>>, vector<100x16xf32>,
    %dot_general3A_123 = arith.constant dense<0.000000e+00> : vector<100x750xf32>
    %dot_general3A_124 = tpu.matmul %get3A_4, %get3A_10, %dot_general3A_123 {dimension_numbers = #tpu.dot_dimension_numbers<[0], [0], [1], [1], [0, 1, 1, 1], [], []>, transpose_lhs_hint = false} : vector<64x100xf32>, vector<64x750xf32>, vector<100x750xf32> -> vector<100x750xf32>
    %slice3A_125 = vector.extract_strided_slice %dot_general3A_124 {offsets = [0, 0], sizes = [100, 128], strides = [1, 1]} : vector<100x750xf32> to vector<100x128xf32>
    %swap3A_126 = arith.constant 0 : index
    %swap3A_127 = arith.constant 0 : index
    %swap3A_128 = vector.load %arg12[%swap3A_126, %swap3A_127] : memref<624x128xf32, #tpu.memory_space<vmem>>, vector<100x128xf32>
    tpu.vector_store %arg12[%swap3A_126, %swap3A_127], %slice3A_125 {strides = array<i32>} : memref<624x128xf32, #tpu.memory_space<vmem>>, vector<100x128xf32>,
    %slice3A_129 = vector.extract_strided_slice %dot_general3A_124 {offsets = [0, 128], sizes = [100, 128], strides = [1, 1]} : vector<100x750xf32> to vector<100x128xf32>
    %swap3A_130 = arith.constant 104 : index
    %swap3A_131 = arith.constant 0 : index
    %swap3A_132 = vector.load %arg12[%swap3A_130, %swap3A_131] : memref<624x128xf32, #tpu.memory_space<vmem>>, vector<100x128xf32>
    tpu.vector_store %arg12[%swap3A_130, %swap3A_131], %slice3A_129 {strides = array<i32>} : memref<624x128xf32, #tpu.memory_space<vmem>>, vector<100x128xf32>,
    %slice3A_133 = vector.extract_strided_slice %dot_general3A_124 {offsets = [0, 256], sizes = [100, 128], strides = [1, 1]} : vector<100x750xf32> to vector<100x128xf32>
    %swap3A_134 = arith.constant 208 : index
    %swap3A_135 = arith.constant 0 : index
    %swap3A_136 = vector.load %arg12[%swap3A_134, %swap3A_135] : memref<624x128xf32, #tpu.memory_space<vmem>>, vector<100x128xf32>
    tpu.vector_store %arg12[%swap3A_134, %swap3A_135], %slice3A_133 {strides = array<i32>} : memref<624x128xf32, #tpu.memory_space<vmem>>, vector<100x128xf32>,
    %slice3A_137 = vector.extract_strided_slice %dot_general3A_124 {offsets = [0, 384], sizes = [100, 128], strides = [1, 1]} : vector<100x750xf32> to vector<100x128xf32>
    %swap3A_138 = arith.constant 312 : index
    %swap3A_139 = arith.constant 0 : index
    %swap3A_140 = vector.load %arg12[%swap3A_138, %swap3A_139] : memref<624x128xf32, #tpu.memory_space<vmem>>, vector<100x128xf32>
    tpu.vector_store %arg12[%swap3A_138, %swap3A_139], %slice3A_137 {strides = array<i32>} : memref<624x128xf32, #tpu.memory_space<vmem>>, vector<100x128xf32>,
    %slice3A_141 = vector.extract_strided_slice %dot_general3A_124 {offsets = [0, 512], sizes = [100, 128], strides = [1, 1]} : vector<100x750xf32> to vector<100x128xf32>
    %swap3A_142 = arith.constant 416 : index
    %swap3A_143 = arith.constant 0 : index
    %swap3A_144 = vector.load %arg12[%swap3A_142, %swap3A_143] : memref<624x128xf32, #tpu.memory_space<vmem>>, vector<100x128xf32>
    tpu.vector_store %arg12[%swap3A_142, %swap3A_143], %slice3A_141 {strides = array<i32>} : memref<624x128xf32, #tpu.memory_space<vmem>>, vector<100x128xf32>,
    %slice3A_145 = vector.extract_strided_slice %dot_general3A_124 {offsets = [0, 640], sizes = [100, 110], strides = [1, 1]} : vector<100x750xf32> to vector<100x110xf32>
    %swap3A_146 = arith.constant 520 : index
    %swap3A_147 = arith.constant 0 : index
    %swap3A_148 = vector.load %arg12[%swap3A_146, %swap3A_147] : memref<624x128xf32, #tpu.memory_space<vmem>>, vector<100x110xf32>
    tpu.vector_store %arg12[%swap3A_146, %swap3A_147], %slice3A_145 {strides = array<i32>} : memref<624x128xf32, #tpu.memory_space<vmem>>, vector<100x110xf32>,
    %dot_general3A_149 = arith.constant dense<0.000000e+00> : vector<100x1200xf32>
    %dot_general3A_150 = tpu.matmul %get3A_4, %get3A_13, %dot_general3A_149 {dimension_numbers = #tpu.dot_dimension_numbers<[0], [0], [1], [1], [0, 1, 1, 1], [], []>, transpose_lhs_hint = false} : vector<64x100xf32>, vector<64x1200xf32>, vector<100x1200xf32> -> vector<100x1200xf32>
    %slice3A_151 = vector.extract_strided_slice %dot_general3A_150 {offsets = [0, 0], sizes = [100, 128], strides = [1, 1]} : vector<100x1200xf32> to vector<100x128xf32>
    %swap3A_152 = arith.constant 0 : index
    %swap3A_153 = arith.constant 0 : index
    %swap3A_154 = vector.load %arg13[%swap3A_152, %swap3A_153] : memref<1040x128xf32, #tpu.memory_space<vmem>>, vector<100x128xf32>
    tpu.vector_store %arg13[%swap3A_152, %swap3A_153], %slice3A_151 {strides = array<i32>} : memref<1040x128xf32, #tpu.memory_space<vmem>>, vector<100x128xf32>,
    %slice3A_155 = vector.extract_strided_slice %dot_general3A_150 {offsets = [0, 128], sizes = [100, 128], strides = [1, 1]} : vector<100x1200xf32> to vector<100x128xf32>
    %swap3A_156 = arith.constant 104 : index
    %swap3A_157 = arith.constant 0 : index
    %swap3A_158 = vector.load %arg13[%swap3A_156, %swap3A_157] : memref<1040x128xf32, #tpu.memory_space<vmem>>, vector<100x128xf32>
    tpu.vector_store %arg13[%swap3A_156, %swap3A_157], %slice3A_155 {strides = array<i32>} : memref<1040x128xf32, #tpu.memory_space<vmem>>, vector<100x128xf32>,
    %slice3A_159 = vector.extract_strided_slice %dot_general3A_150 {offsets = [0, 256], sizes = [100, 128], strides = [1, 1]} : vector<100x1200xf32> to vector<100x128xf32>
    %swap3A_160 = arith.constant 208 : index
    %swap3A_161 = arith.constant 0 : index
    %swap3A_162 = vector.load %arg13[%swap3A_160, %swap3A_161] : memref<1040x128xf32, #tpu.memory_space<vmem>>, vector<100x128xf32>
    tpu.vector_store %arg13[%swap3A_160, %swap3A_161], %slice3A_159 {strides = array<i32>} : memref<1040x128xf32, #tpu.memory_space<vmem>>, vector<100x128xf32>,
    %slice3A_163 = vector.extract_strided_slice %dot_general3A_150 {offsets = [0, 384], sizes = [100, 128], strides = [1, 1]} : vector<100x1200xf32> to vector<100x128xf32>
    %swap3A_164 = arith.constant 312 : index
    %swap3A_165 = arith.constant 0 : index
    %swap3A_166 = vector.load %arg13[%swap3A_164, %swap3A_165] : memref<1040x128xf32, #tpu.memory_space<vmem>>, vector<100x128xf32>
    tpu.vector_store %arg13[%swap3A_164, %swap3A_165], %slice3A_163 {strides = array<i32>} : memref<1040x128xf32, #tpu.memory_space<vmem>>, vector<100x128xf32>,
    %slice3A_167 = vector.extract_strided_slice %dot_general3A_150 {offsets = [0, 512], sizes = [100, 128], strides = [1, 1]} : vector<100x1200xf32> to vector<100x128xf32>
    %swap3A_168 = arith.constant 416 : index
    %swap3A_169 = arith.constant 0 : index
    %swap3A_170 = vector.load %arg13[%swap3A_168, %swap3A_169] : memref<1040x128xf32, #tpu.memory_space<vmem>>, vector<100x128xf32>
    tpu.vector_store %arg13[%swap3A_168, %swap3A_169], %slice3A_167 {strides = array<i32>} : memref<1040x128xf32, #tpu.memory_space<vmem>>, vector<100x128xf32>,
    %slice3A_171 = vector.extract_strided_slice %dot_general3A_150 {offsets = [0, 640], sizes = [100, 128], strides = [1, 1]} : vector<100x1200xf32> to vector<100x128xf32>
    %swap3A_172 = arith.constant 520 : index
    %swap3A_173 = arith.constant 0 : index
    %swap3A_174 = vector.load %arg13[%swap3A_172, %swap3A_173] : memref<1040x128xf32, #tpu.memory_space<vmem>>, vector<100x128xf32>
    tpu.vector_store %arg13[%swap3A_172, %swap3A_173], %slice3A_171 {strides = array<i32>} : memref<1040x128xf32, #tpu.memory_space<vmem>>, vector<100x128xf32>,
    %slice3A_175 = vector.extract_strided_slice %dot_general3A_150 {offsets = [0, 768], sizes = [100, 128], strides = [1, 1]} : vector<100x1200xf32> to vector<100x128xf32>
    %swap3A_176 = arith.constant 624 : index
    %swap3A_177 = arith.constant 0 : index
    %swap3A_178 = vector.load %arg13[%swap3A_176, %swap3A_177] : memref<1040x128xf32, #tpu.memory_space<vmem>>, vector<100x128xf32>
    tpu.vector_store %arg13[%swap3A_176, %swap3A_177], %slice3A_175 {strides = array<i32>} : memref<1040x128xf32, #tpu.memory_space<vmem>>, vector<100x128xf32>,
    %slice3A_179 = vector.extract_strided_slice %dot_general3A_150 {offsets = [0, 896], sizes = [100, 128], strides = [1, 1]} : vector<100x1200xf32> to vector<100x128xf32>
    %swap3A_180 = arith.constant 728 : index
    %swap3A_181 = arith.constant 0 : index
    %swap3A_182 = vector.load %arg13[%swap3A_180, %swap3A_181] : memref<1040x128xf32, #tpu.memory_space<vmem>>, vector<100x128xf32>
    tpu.vector_store %arg13[%swap3A_180, %swap3A_181], %slice3A_179 {strides = array<i32>} : memref<1040x128xf32, #tpu.memory_space<vmem>>, vector<100x128xf32>,
    %slice3A_183 = vector.extract_strided_slice %dot_general3A_150 {offsets = [0, 1024], sizes = [100, 128], strides = [1, 1]} : vector<100x1200xf32> to vector<100x128xf32>
    %swap3A_184 = arith.constant 832 : index
    %swap3A_185 = arith.constant 0 : index
    %swap3A_186 = vector.load %arg13[%swap3A_184, %swap3A_185] : memref<1040x128xf32, #tpu.memory_space<vmem>>, vector<100x128xf32>
    tpu.vector_store %arg13[%swap3A_184, %swap3A_185], %slice3A_183 {strides = array<i32>} : memref<1040x128xf32, #tpu.memory_space<vmem>>, vector<100x128xf32>,
    %slice3A_187 = vector.extract_strided_slice %dot_general3A_150 {offsets = [0, 1152], sizes = [100, 48], strides = [1, 1]} : vector<100x1200xf32> to vector<100x48xf32>
    %swap3A_188 = arith.constant 936 : index
    %swap3A_189 = arith.constant 0 : index
    %swap3A_190 = vector.load %arg13[%swap3A_188, %swap3A_189] : memref<1040x128xf32, #tpu.memory_space<vmem>>, vector<100x48xf32>
    tpu.vector_store %arg13[%swap3A_188, %swap3A_189], %slice3A_187 {strides = array<i32>} : memref<1040x128xf32, #tpu.memory_space<vmem>>, vector<100x48xf32>,
    %dot_general3A_191 = arith.constant dense<0.000000e+00> : vector<400x750xf32>
    %dot_general3A_192 = tpu.matmul %get3A_7, %get3A_10, %dot_general3A_191 {dimension_numbers = #tpu.dot_dimension_numbers<[0], [0], [1], [1], [0, 1, 1, 1], [], []>, transpose_lhs_hint = false} : vector<64x400xf32>, vector<64x750xf32>, vector<400x750xf32> -> vector<400x750xf32>
    %slice3A_193 = vector.extract_strided_slice %dot_general3A_192 {offsets = [0, 0], sizes = [400, 128], strides = [1, 1]} : vector<400x750xf32> to vector<400x128xf32>
    %swap3A_194 = arith.constant 0 : index
    %swap3A_195 = arith.constant 0 : index
    %swap3A_196 = vector.load %arg14[%swap3A_194, %swap3A_195] : memref<2400x128xf32, #tpu.memory_space<vmem>>, vector<400x128xf32>
    tpu.vector_store %arg14[%swap3A_194, %swap3A_195], %slice3A_193 {strides = array<i32>} : memref<2400x128xf32, #tpu.memory_space<vmem>>, vector<400x128xf32>,
    %slice3A_197 = vector.extract_strided_slice %dot_general3A_192 {offsets = [0, 128], sizes = [400, 128], strides = [1, 1]} : vector<400x750xf32> to vector<400x128xf32>
    %swap3A_198 = arith.constant 400 : index
    %swap3A_199 = arith.constant 0 : index
    %swap3A_200 = vector.load %arg14[%swap3A_198, %swap3A_199] : memref<2400x128xf32, #tpu.memory_space<vmem>>, vector<400x128xf32>
    tpu.vector_store %arg14[%swap3A_198, %swap3A_199], %slice3A_197 {strides = array<i32>} : memref<2400x128xf32, #tpu.memory_space<vmem>>, vector<400x128xf32>,
    %slice3A_201 = vector.extract_strided_slice %dot_general3A_192 {offsets = [0, 256], sizes = [400, 128], strides = [1, 1]} : vector<400x750xf32> to vector<400x128xf32>
    %swap3A_202 = arith.constant 800 : index
    %swap3A_203 = arith.constant 0 : index
    %swap3A_204 = vector.load %arg14[%swap3A_202, %swap3A_203] : memref<2400x128xf32, #tpu.memory_space<vmem>>, vector<400x128xf32>
    tpu.vector_store %arg14[%swap3A_202, %swap3A_203], %slice3A_201 {strides = array<i32>} : memref<2400x128xf32, #tpu.memory_space<vmem>>, vector<400x128xf32>,
    %slice3A_205 = vector.extract_strided_slice %dot_general3A_192 {offsets = [0, 384], sizes = [400, 128], strides = [1, 1]} : vector<400x750xf32> to vector<400x128xf32>
    %swap3A_206 = arith.constant 1200 : index
    %swap3A_207 = arith.constant 0 : index
    %swap3A_208 = vector.load %arg14[%swap3A_206, %swap3A_207] : memref<2400x128xf32, #tpu.memory_space<vmem>>, vector<400x128xf32>
    tpu.vector_store %arg14[%swap3A_206, %swap3A_207], %slice3A_205 {strides = array<i32>} : memref<2400x128xf32, #tpu.memory_space<vmem>>, vector<400x128xf32>,
    %slice3A_209 = vector.extract_strided_slice %dot_general3A_192 {offsets = [0, 512], sizes = [400, 128], strides = [1, 1]} : vector<400x750xf32> to vector<400x128xf32>
    %swap3A_210 = arith.constant 1600 : index
    %swap3A_211 = arith.constant 0 : index
    %swap3A_212 = vector.load %arg14[%swap3A_210, %swap3A_211] : memref<2400x128xf32, #tpu.memory_space<vmem>>, vector<400x128xf32>
    tpu.vector_store %arg14[%swap3A_210, %swap3A_211], %slice3A_209 {strides = array<i32>} : memref<2400x128xf32, #tpu.memory_space<vmem>>, vector<400x128xf32>,
    %slice3A_213 = vector.extract_strided_slice %dot_general3A_192 {offsets = [0, 640], sizes = [400, 110], strides = [1, 1]} : vector<400x750xf32> to vector<400x110xf32>
    %swap3A_214 = arith.constant 2000 : index
    %swap3A_215 = arith.constant 0 : index
    %swap3A_216 = vector.load %arg14[%swap3A_214, %swap3A_215] : memref<2400x128xf32, #tpu.memory_space<vmem>>, vector<400x110xf32>
    tpu.vector_store %arg14[%swap3A_214, %swap3A_215], %slice3A_213 {strides = array<i32>} : memref<2400x128xf32, #tpu.memory_space<vmem>>, vector<400x110xf32>,
    %dot_general3A_217 = arith.constant dense<0.000000e+00> : vector<400x1200xf32>
    %dot_general3A_218 = tpu.matmul %get3A_7, %get3A_13, %dot_general3A_217 {dimension_numbers = #tpu.dot_dimension_numbers<[0], [0], [1], [1], [0, 1, 1, 1], [], []>, transpose_lhs_hint = false} : vector<64x400xf32>, vector<64x1200xf32>, vector<400x1200xf32> -> vector<400x1200xf32>
    %slice3A_219 = vector.extract_strided_slice %dot_general3A_218 {offsets = [0, 0], sizes = [400, 128], strides = [1, 1]} : vector<400x1200xf32> to vector<400x128xf32>
    %swap3A_220 = arith.constant 0 : index
    %swap3A_221 = arith.constant 0 : index
    %swap3A_222 = vector.load %arg15[%swap3A_220, %swap3A_221] : memref<4000x128xf32, #tpu.memory_space<vmem>>, vector<400x128xf32>
    tpu.vector_store %arg15[%swap3A_220, %swap3A_221], %slice3A_219 {strides = array<i32>} : memref<4000x128xf32, #tpu.memory_space<vmem>>, vector<400x128xf32>,
    %slice3A_223 = vector.extract_strided_slice %dot_general3A_218 {offsets = [0, 128], sizes = [400, 128], strides = [1, 1]} : vector<400x1200xf32> to vector<400x128xf32>
    %swap3A_224 = arith.constant 400 : index
    %swap3A_225 = arith.constant 0 : index
    %swap3A_226 = vector.load %arg15[%swap3A_224, %swap3A_225] : memref<4000x128xf32, #tpu.memory_space<vmem>>, vector<400x128xf32>
    tpu.vector_store %arg15[%swap3A_224, %swap3A_225], %slice3A_223 {strides = array<i32>} : memref<4000x128xf32, #tpu.memory_space<vmem>>, vector<400x128xf32>,
    %slice3A_227 = vector.extract_strided_slice %dot_general3A_218 {offsets = [0, 256], sizes = [400, 128], strides = [1, 1]} : vector<400x1200xf32> to vector<400x128xf32>
    %swap3A_228 = arith.constant 800 : index
    %swap3A_229 = arith.constant 0 : index
    %swap3A_230 = vector.load %arg15[%swap3A_228, %swap3A_229] : memref<4000x128xf32, #tpu.memory_space<vmem>>, vector<400x128xf32>
    tpu.vector_store %arg15[%swap3A_228, %swap3A_229], %slice3A_227 {strides = array<i32>} : memref<4000x128xf32, #tpu.memory_space<vmem>>, vector<400x128xf32>,
    %slice3A_231 = vector.extract_strided_slice %dot_general3A_218 {offsets = [0, 384], sizes = [400, 128], strides = [1, 1]} : vector<400x1200xf32> to vector<400x128xf32>
    %swap3A_232 = arith.constant 1200 : index
    %swap3A_233 = arith.constant 0 : index
    %swap3A_234 = vector.load %arg15[%swap3A_232, %swap3A_233] : memref<4000x128xf32, #tpu.memory_space<vmem>>, vector<400x128xf32>
    tpu.vector_store %arg15[%swap3A_232, %swap3A_233], %slice3A_231 {strides = array<i32>} : memref<4000x128xf32, #tpu.memory_space<vmem>>, vector<400x128xf32>,
    %slice3A_235 = vector.extract_strided_slice %dot_general3A_218 {offsets = [0, 512], sizes = [400, 128], strides = [1, 1]} : vector<400x1200xf32> to vector<400x128xf32>
    %swap3A_236 = arith.constant 1600 : index
    %swap3A_237 = arith.constant 0 : index
    %swap3A_238 = vector.load %arg15[%swap3A_236, %swap3A_237] : memref<4000x128xf32, #tpu.memory_space<vmem>>, vector<400x128xf32>
    tpu.vector_store %arg15[%swap3A_236, %swap3A_237], %slice3A_235 {strides = array<i32>} : memref<4000x128xf32, #tpu.memory_space<vmem>>, vector<400x128xf32>,
    %slice3A_239 = vector.extract_strided_slice %dot_general3A_218 {offsets = [0, 640], sizes = [400, 128], strides = [1, 1]} : vector<400x1200xf32> to vector<400x128xf32>
    %swap3A_240 = arith.constant 2000 : index
    %swap3A_241 = arith.constant 0 : index
    %swap3A_242 = vector.load %arg15[%swap3A_240, %swap3A_241] : memref<4000x128xf32, #tpu.memory_space<vmem>>, vector<400x128xf32>
    tpu.vector_store %arg15[%swap3A_240, %swap3A_241], %slice3A_239 {strides = array<i32>} : memref<4000x128xf32, #tpu.memory_space<vmem>>, vector<400x128xf32>,
    %slice3A_243 = vector.extract_strided_slice %dot_general3A_218 {offsets = [0, 768], sizes = [400, 128], strides = [1, 1]} : vector<400x1200xf32> to vector<400x128xf32>
    %swap3A_244 = arith.constant 2400 : index
    %swap3A_245 = arith.constant 0 : index
    %swap3A_246 = vector.load %arg15[%swap3A_244, %swap3A_245] : memref<4000x128xf32, #tpu.memory_space<vmem>>, vector<400x128xf32>
    tpu.vector_store %arg15[%swap3A_244, %swap3A_245], %slice3A_243 {strides = array<i32>} : memref<4000x128xf32, #tpu.memory_space<vmem>>, vector<400x128xf32>,
    %slice3A_247 = vector.extract_strided_slice %dot_general3A_218 {offsets = [0, 896], sizes = [400, 128], strides = [1, 1]} : vector<400x1200xf32> to vector<400x128xf32>
    %swap3A_248 = arith.constant 2800 : index
    %swap3A_249 = arith.constant 0 : index
    %swap3A_250 = vector.load %arg15[%swap3A_248, %swap3A_249] : memref<4000x128xf32, #tpu.memory_space<vmem>>, vector<400x128xf32>
    tpu.vector_store %arg15[%swap3A_248, %swap3A_249], %slice3A_247 {strides = array<i32>} : memref<4000x128xf32, #tpu.memory_space<vmem>>, vector<400x128xf32>,
    %slice3A_251 = vector.extract_strided_slice %dot_general3A_218 {offsets = [0, 1024], sizes = [400, 128], strides = [1, 1]} : vector<400x1200xf32> to vector<400x128xf32>
    %swap3A_252 = arith.constant 3200 : index
    %swap3A_253 = arith.constant 0 : index
    %swap3A_254 = vector.load %arg15[%swap3A_252, %swap3A_253] : memref<4000x128xf32, #tpu.memory_space<vmem>>, vector<400x128xf32>
    tpu.vector_store %arg15[%swap3A_252, %swap3A_253], %slice3A_251 {strides = array<i32>} : memref<4000x128xf32, #tpu.memory_space<vmem>>, vector<400x128xf32>,
    %slice3A_255 = vector.extract_strided_slice %dot_general3A_218 {offsets = [0, 1152], sizes = [400, 48], strides = [1, 1]} : vector<400x1200xf32> to vector<400x48xf32>
    %swap3A_256 = arith.constant 3600 : index
    %swap3A_257 = arith.constant 0 : index
    %swap3A_258 = vector.load %arg15[%swap3A_256, %swap3A_257] : memref<4000x128xf32, #tpu.memory_space<vmem>>, vector<400x48xf32>
    tpu.vector_store %arg15[%swap3A_256, %swap3A_257], %slice3A_255 {strides = array<i32>} : memref<4000x128xf32, #tpu.memory_space<vmem>>, vector<400x48xf32>,
    %dot_general3A_259 = arith.constant dense<0.000000e+00> : vector<750x1200xf32>
    %dot_general3A_260 = tpu.matmul %get3A_10, %get3A_13, %dot_general3A_259 {dimension_numbers = #tpu.dot_dimension_numbers<[0], [0], [1], [1], [0, 1, 1, 1], [], []>, transpose_lhs_hint = false} : vector<64x750xf32>, vector<64x1200xf32>, vector<750x1200xf32> -> vector<750x1200xf32>
    %slice3A_261 = vector.extract_strided_slice %dot_general3A_260 {offsets = [0, 0], sizes = [750, 128], strides = [1, 1]} : vector<750x1200xf32> to vector<750x128xf32>
    %swap3A_262 = arith.constant 0 : index
    %swap3A_263 = arith.constant 0 : index
    %swap3A_264 = vector.load %arg16[%swap3A_262, %swap3A_263] : memref<7520x128xf32, #tpu.memory_space<vmem>>, vector<750x128xf32>
    tpu.vector_store %arg16[%swap3A_262, %swap3A_263], %slice3A_261 {strides = array<i32>} : memref<7520x128xf32, #tpu.memory_space<vmem>>, vector<750x128xf32>,
    %slice3A_265 = vector.extract_strided_slice %dot_general3A_260 {offsets = [0, 128], sizes = [750, 128], strides = [1, 1]} : vector<750x1200xf32> to vector<750x128xf32>
    %swap3A_266 = arith.constant 752 : index
    %swap3A_267 = arith.constant 0 : index
    %swap3A_268 = vector.load %arg16[%swap3A_266, %swap3A_267] : memref<7520x128xf32, #tpu.memory_space<vmem>>, vector<750x128xf32>
    tpu.vector_store %arg16[%swap3A_266, %swap3A_267], %slice3A_265 {strides = array<i32>} : memref<7520x128xf32, #tpu.memory_space<vmem>>, vector<750x128xf32>,
    %slice3A_269 = vector.extract_strided_slice %dot_general3A_260 {offsets = [0, 256], sizes = [750, 128], strides = [1, 1]} : vector<750x1200xf32> to vector<750x128xf32>
    %swap3A_270 = arith.constant 1504 : index
    %swap3A_271 = arith.constant 0 : index
    %swap3A_272 = vector.load %arg16[%swap3A_270, %swap3A_271] : memref<7520x128xf32, #tpu.memory_space<vmem>>, vector<750x128xf32>
    tpu.vector_store %arg16[%swap3A_270, %swap3A_271], %slice3A_269 {strides = array<i32>} : memref<7520x128xf32, #tpu.memory_space<vmem>>, vector<750x128xf32>,
    %slice3A_273 = vector.extract_strided_slice %dot_general3A_260 {offsets = [0, 384], sizes = [750, 128], strides = [1, 1]} : vector<750x1200xf32> to vector<750x128xf32>
    %swap3A_274 = arith.constant 2256 : index
    %swap3A_275 = arith.constant 0 : index
    %swap3A_276 = vector.load %arg16[%swap3A_274, %swap3A_275] : memref<7520x128xf32, #tpu.memory_space<vmem>>, vector<750x128xf32>
    tpu.vector_store %arg16[%swap3A_274, %swap3A_275], %slice3A_273 {strides = array<i32>} : memref<7520x128xf32, #tpu.memory_space<vmem>>, vector<750x128xf32>,
    %slice3A_277 = vector.extract_strided_slice %dot_general3A_260 {offsets = [0, 512], sizes = [750, 128], strides = [1, 1]} : vector<750x1200xf32> to vector<750x128xf32>
    %swap3A_278 = arith.constant 3008 : index
    %swap3A_279 = arith.constant 0 : index
    %swap3A_280 = vector.load %arg16[%swap3A_278, %swap3A_279] : memref<7520x128xf32, #tpu.memory_space<vmem>>, vector<750x128xf32>
    tpu.vector_store %arg16[%swap3A_278, %swap3A_279], %slice3A_277 {strides = array<i32>} : memref<7520x128xf32, #tpu.memory_space<vmem>>, vector<750x128xf32>,
    %slice3A_281 = vector.extract_strided_slice %dot_general3A_260 {offsets = [0, 640], sizes = [750, 128], strides = [1, 1]} : vector<750x1200xf32> to vector<750x128xf32>
    %swap3A_282 = arith.constant 3760 : index
    %swap3A_283 = arith.constant 0 : index
    %swap3A_284 = vector.load %arg16[%swap3A_282, %swap3A_283] : memref<7520x128xf32, #tpu.memory_space<vmem>>, vector<750x128xf32>
    tpu.vector_store %arg16[%swap3A_282, %swap3A_283], %slice3A_281 {strides = array<i32>} : memref<7520x128xf32, #tpu.memory_space<vmem>>, vector<750x128xf32>,
    %slice3A_285 = vector.extract_strided_slice %dot_general3A_260 {offsets = [0, 768], sizes = [750, 128], strides = [1, 1]} : vector<750x1200xf32> to vector<750x128xf32>
    %swap3A_286 = arith.constant 4512 : index
    %swap3A_287 = arith.constant 0 : index
    %swap3A_288 = vector.load %arg16[%swap3A_286, %swap3A_287] : memref<7520x128xf32, #tpu.memory_space<vmem>>, vector<750x128xf32>
    tpu.vector_store %arg16[%swap3A_286, %swap3A_287], %slice3A_285 {strides = array<i32>} : memref<7520x128xf32, #tpu.memory_space<vmem>>, vector<750x128xf32>,
    %slice3A_289 = vector.extract_strided_slice %dot_general3A_260 {offsets = [0, 896], sizes = [750, 128], strides = [1, 1]} : vector<750x1200xf32> to vector<750x128xf32>
    %swap3A_290 = arith.constant 5264 : index
    %swap3A_291 = arith.constant 0 : index
    %swap3A_292 = vector.load %arg16[%swap3A_290, %swap3A_291] : memref<7520x128xf32, #tpu.memory_space<vmem>>, vector<750x128xf32>
    tpu.vector_store %arg16[%swap3A_290, %swap3A_291], %slice3A_289 {strides = array<i32>} : memref<7520x128xf32, #tpu.memory_space<vmem>>, vector<750x128xf32>,
    %slice3A_293 = vector.extract_strided_slice %dot_general3A_260 {offsets = [0, 1024], sizes = [750, 128], strides = [1, 1]} : vector<750x1200xf32> to vector<750x128xf32>
    %swap3A_294 = arith.constant 6016 : index
    %swap3A_295 = arith.constant 0 : index
    %swap3A_296 = vector.load %arg16[%swap3A_294, %swap3A_295] : memref<7520x128xf32, #tpu.memory_space<vmem>>, vector<750x128xf32>
    tpu.vector_store %arg16[%swap3A_294, %swap3A_295], %slice3A_293 {strides = array<i32>} : memref<7520x128xf32, #tpu.memory_space<vmem>>, vector<750x128xf32>,
    %slice3A_297 = vector.extract_strided_slice %dot_general3A_260 {offsets = [0, 1152], sizes = [750, 48], strides = [1, 1]} : vector<750x1200xf32> to vector<750x48xf32>
    %swap3A_298 = arith.constant 6768 : index
    %swap3A_299 = arith.constant 0 : index
    %swap3A_300 = vector.load %arg16[%swap3A_298, %swap3A_299] : memref<7520x128xf32, #tpu.memory_space<vmem>>, vector<750x48xf32>
    tpu.vector_store %arg16[%swap3A_298, %swap3A_299], %slice3A_297 {strides = array<i32>} : memref<7520x128xf32, #tpu.memory_space<vmem>>, vector<750x48xf32>,
    %get3A_301 = arith.constant 0 : index
    %get3A_302 = arith.constant 0 : index
    %get3A_303 = vector.load %arg5[%get3A_301, %get3A_302] : memref<1x64xf32, #tpu.memory_space<vmem>>, vector<1x64xf32>
    %transpose3A = tpu.transpose %get3A_303, [1, 0] : vector<1x64xf32> -> vector<64x1xf32>
    %mul3A = arith.mulf %get3A_1, %get3A_1 : vector<25x64xf32>
    %reduce_sum3A = arith.constant dense<0.000000e+00> : vector<25xf32>
    %reduce_sum3A_304 = vector.multi_reduction <add>, %mul3A, %reduce_sum3A [1] : vector<25x64xf32> to vector<25xf32>
    %swap3A_305 = arith.constant 0 : index
    %swap3A_306 = vector.load %arg17[%swap3A_305] : memref<5760xf32, #tpu.memory_space<vmem>>, vector<25xf32>
    tpu.vector_store %arg17[%swap3A_305], %reduce_sum3A_304 {strides = array<i32>} : memref<5760xf32, #tpu.memory_space<vmem>>, vector<25xf32>,
    %mul3A_307 = vector.broadcast %get3A_303 : vector<1x64xf32> to vector<25x64xf32>
    %mul3A_308 = arith.mulf %get3A_1, %mul3A_307 : vector<25x64xf32>
    %reduce_sum3A_309 = arith.constant dense<0.000000e+00> : vector<25xf32>
    %reduce_sum3A_310 = vector.multi_reduction <add>, %mul3A_308, %reduce_sum3A_309 [1] : vector<25x64xf32> to vector<25xf32>
    %swap3A_311 = arith.constant 2816 : index
    %swap3A_312 = vector.load %arg17[%swap3A_311] : memref<5760xf32, #tpu.memory_space<vmem>>, vector<25xf32>
    tpu.vector_store %arg17[%swap3A_311], %reduce_sum3A_310 {strides = array<i32>} : memref<5760xf32, #tpu.memory_space<vmem>>, vector<25xf32>,
    %mul3A_313 = arith.mulf %get3A_4, %get3A_4 : vector<64x100xf32>
    %reduce_sum3A_314 = arith.constant dense<0.000000e+00> : vector<100xf32>
    %reduce_sum3A_315 = vector.multi_reduction <add>, %mul3A_313, %reduce_sum3A_314 [0] : vector<64x100xf32> to vector<100xf32>
    %swap3A_316 = arith.constant 128 : index
    %swap3A_317 = vector.load %arg17[%swap3A_316] : memref<5760xf32, #tpu.memory_space<vmem>>, vector<100xf32>
    tpu.vector_store %arg17[%swap3A_316], %reduce_sum3A_315 {strides = array<i32>} : memref<5760xf32, #tpu.memory_space<vmem>>, vector<100xf32>,
    %mul3A_318 = vector.broadcast %transpose3A : vector<64x1xf32> to vector<64x100xf32>
    %mul3A_319 = arith.mulf %get3A_4, %mul3A_318 : vector<64x100xf32>
    %reduce_sum3A_320 = arith.constant dense<0.000000e+00> : vector<100xf32>
    %reduce_sum3A_321 = vector.multi_reduction <add>, %mul3A_319, %reduce_sum3A_320 [0] : vector<64x100xf32> to vector<100xf32>
    %swap3A_322 = arith.constant 2944 : index
    %swap3A_323 = vector.load %arg17[%swap3A_322] : memref<5760xf32, #tpu.memory_space<vmem>>, vector<100xf32>
    tpu.vector_store %arg17[%swap3A_322], %reduce_sum3A_321 {strides = array<i32>} : memref<5760xf32, #tpu.memory_space<vmem>>, vector<100xf32>,
    %mul3A_324 = arith.mulf %get3A_7, %get3A_7 : vector<64x400xf32>
    %reduce_sum3A_325 = arith.constant dense<0.000000e+00> : vector<400xf32>
    %reduce_sum3A_326 = vector.multi_reduction <add>, %mul3A_324, %reduce_sum3A_325 [0] : vector<64x400xf32> to vector<400xf32>
    %swap3A_327 = arith.constant 256 : index
    %swap3A_328 = vector.load %arg17[%swap3A_327] : memref<5760xf32, #tpu.memory_space<vmem>>, vector<400xf32>
    tpu.vector_store %arg17[%swap3A_327], %reduce_sum3A_326 {strides = array<i32>} : memref<5760xf32, #tpu.memory_space<vmem>>, vector<400xf32>,
    %mul3A_329 = vector.broadcast %transpose3A : vector<64x1xf32> to vector<64x400xf32>
    %mul3A_330 = arith.mulf %get3A_7, %mul3A_329 : vector<64x400xf32>
    %reduce_sum3A_331 = arith.constant dense<0.000000e+00> : vector<400xf32>
    %reduce_sum3A_332 = vector.multi_reduction <add>, %mul3A_330, %reduce_sum3A_331 [0] : vector<64x400xf32> to vector<400xf32>
    %swap3A_333 = arith.constant 3072 : index
    %swap3A_334 = vector.load %arg17[%swap3A_333] : memref<5760xf32, #tpu.memory_space<vmem>>, vector<400xf32>
    tpu.vector_store %arg17[%swap3A_333], %reduce_sum3A_332 {strides = array<i32>} : memref<5760xf32, #tpu.memory_space<vmem>>, vector<400xf32>,
    %mul3A_335 = arith.mulf %get3A_10, %get3A_10 : vector<64x750xf32>
    %reduce_sum3A_336 = arith.constant dense<0.000000e+00> : vector<750xf32>
    %reduce_sum3A_337 = vector.multi_reduction <add>, %mul3A_335, %reduce_sum3A_336 [0] : vector<64x750xf32> to vector<750xf32>
    %swap3A_338 = arith.constant 768 : index
    %swap3A_339 = vector.load %arg17[%swap3A_338] : memref<5760xf32, #tpu.memory_space<vmem>>, vector<750xf32>
    tpu.vector_store %arg17[%swap3A_338], %reduce_sum3A_337 {strides = array<i32>} : memref<5760xf32, #tpu.memory_space<vmem>>, vector<750xf32>,
    %mul3A_340 = vector.broadcast %transpose3A : vector<64x1xf32> to vector<64x750xf32>
    %mul3A_341 = arith.mulf %get3A_10, %mul3A_340 : vector<64x750xf32>
    %reduce_sum3A_342 = arith.constant dense<0.000000e+00> : vector<750xf32>
    %reduce_sum3A_343 = vector.multi_reduction <add>, %mul3A_341, %reduce_sum3A_342 [0] : vector<64x750xf32> to vector<750xf32>
    %swap3A_344 = arith.constant 3584 : index
    %swap3A_345 = vector.load %arg17[%swap3A_344] : memref<5760xf32, #tpu.memory_space<vmem>>, vector<750xf32>
    tpu.vector_store %arg17[%swap3A_344], %reduce_sum3A_343 {strides = array<i32>} : memref<5760xf32, #tpu.memory_space<vmem>>, vector<750xf32>,
    %mul3A_346 = arith.mulf %get3A_13, %get3A_13 : vector<64x1200xf32>
    %reduce_sum3A_347 = arith.constant dense<0.000000e+00> : vector<1200xf32>
    %reduce_sum3A_348 = vector.multi_reduction <add>, %mul3A_346, %reduce_sum3A_347 [0] : vector<64x1200xf32> to vector<1200xf32>
    %swap3A_349 = arith.constant 1536 : index
    %swap3A_350 = vector.load %arg17[%swap3A_349] : memref<5760xf32, #tpu.memory_space<vmem>>, vector<1200xf32>
    tpu.vector_store %arg17[%swap3A_349], %reduce_sum3A_348 {strides = array<i32>} : memref<5760xf32, #tpu.memory_space<vmem>>, vector<1200xf32>,
    %mul3A_351 = vector.broadcast %transpose3A : vector<64x1xf32> to vector<64x1200xf32>
    %mul3A_352 = arith.mulf %get3A_13, %mul3A_351 : vector<64x1200xf32>
    %reduce_sum3A_353 = arith.constant dense<0.000000e+00> : vector<1200xf32>
    %reduce_sum3A_354 = vector.multi_reduction <add>, %mul3A_352, %reduce_sum3A_353 [0] : vector<64x1200xf32> to vector<1200xf32>
    %swap3A_355 = arith.constant 4352 : index
    %swap3A_356 = vector.load %arg17[%swap3A_355] : memref<5760xf32, #tpu.memory_space<vmem>>, vector<1200xf32>
    tpu.vector_store %arg17[%swap3A_355], %reduce_sum3A_354 {strides = array<i32>} : memref<5760xf32, #tpu.memory_space<vmem>>, vector<1200xf32>,
    %get3A_357 = arith.constant 0 : index
    %get3A_358 = vector.load %arg6[%get3A_357] : memref<1xf32, #tpu.memory_space<vmem>>, vector<1xf32>
    %broadcast_in_dim3A_359 = vector.shape_cast %get3A_358 : vector<1xf32> to vector<1xf32>
    %broadcast_in_dim3A_360 = vector.broadcast %broadcast_in_dim3A_359 : vector<1xf32> to vector<16xf32>
    %swap3A_361 = arith.constant 5632 : index
    %swap3A_362 = vector.load %arg17[%swap3A_361] : memref<5760xf32, #tpu.memory_space<vmem>>, vector<16xf32>
    tpu.vector_store %arg17[%swap3A_361], %broadcast_in_dim3A_360 {strides = array<i32>} : memref<5760xf32, #tpu.memory_space<vmem>>, vector<16xf32>,
    return
  }
}

</mosaic_0001>

<sc_bundles>
// kernel: kernel.4.cloned.1.call-start
scs
__scs_entry_jumppad:
0x0: {  	(pc) =	sbr.rel $0x88, $3  }
0x1: {  	(tag) =	ssettag $0x0;
	lr =	simm.s32 $0x1  }
0x2: {  	[smem:$0x3F95] =	sst lr;
	_ =	strace $0xD0000000  }
0x3: {  	_ = 	snop  }
0x4: {  	_ = 	snop  }
0x5: {  	_ = 	snop  }
0x6: {  	_ = 	snop  }
0x7: {  	_ = 	snop  }
__scs_overlays_trampoline_lowered:
0x8: {  	[smem:$0x3FA4] =	sst s0  }
0x9: {  	[smem:$0x3FA5] =	sst s1  }
0xa: {  	[smem:$0x3FA6] =	sst s2  }
0xb: {  	[smem:$0x3FA7] =	sst s3  }
0xc: {  	[smem:$0x3FA8] =	sst s4  }
0xd: {  	[smem:$0x3FA9] =	sst s5  }
0xe: {  	[smem:$0x3FAA] =	sst s6  }
0xf: {  	[smem:$0x3FAB] =	sst s7  }
0x10: {  	[smem:$0x3FAC] =	sst s8  }
0x11: {  	[smem:$0x3FAD] =	sst s9;
	s0 =	simm.s32 @!p0 $0x0  }
0x12: {  	s1 =	sld [smem:$0x3F93];
	s0 =	simm.s32 @p0 $0x1  }
0x13: {  	[smem:$0x3FAE] =	sst s0;
	s0 =	simm.s32 @!p1 $0x0  }
0x14: {  	s2 =	sld [smem:$0x3F92];
	s0 =	simm.s32 @p1 $0x1  }
0x15: {  	[smem:$0x3FAF] =	sst s0;
	s0 =	simm.s32 @!p2 $0x0  }
0x16: {  	s3 =	sld [smem:$0x3FDB];
	s0 =	simm.s32 @p2 $0x1  }
0x17: {  	s4 =	simm.s32 $0x1BF5;
	[smem:$0x3FB1] =	sst s0  }
0x18: {  	s0 =	sld [smem:$0x3F94];
	_ =	swait.ge [sflag:s4], $0x0  }
0x19: {  	s7 =	sld [smem:$0x3F95]  }
0x1a: {  	s8 =	sadd.s32 $0xFFFFE003, lr  }
0x1b: {  	s9 =	sadd.s32 $0xFFFFFEF7, lr;
	s5 =	simm.s32 $0xFFFFFFFF;
	p2 =	slt.u32 s8, $0xFFFFF086  }
0x1c: {  	p1 =	slt.u32 s9, $0xF7A;
	s5 =	simm.s32 @!p2 $0x0  }
0x1d: {  	s5 =	simm.s32 @p1 $0x1;
	p0 =	seq.s32 s7, s2  }
0x1e: {  	s7 =	smul.u32 @!p0 $0xF7A, s2;
	p2 =	seq.s32 @!p0 s5, $0x0  }
0x1f: {  	s9 =	smul.u32 $0xF7A, s1;
	s8 =	simm.s32 @!p0 $0x1BF5;
	p2 =	por !p2, p0  }
0x20: {  	[sflag:s8] =	ssyncset.s32 @!p0 $0xFFFFF086;
	s6 =	sadd.s32 @!p0 s3, s7;
	s7 =	simm.s32 @!p0 $0x108  }
0x21: {  	s3 =	sadd.s32 s3, s9;
	s6 =	sadd.s32 @!p0 $0x88, s6;
	s7 =	simm.s32 @p2 $0x1082  }
0x22: {  	[simem:s7], [sflag:s8] =	dma.local @!p0 [hbm:s6], $0xF7A  }
0x23: {  	s9 =	sor.u32 $0xD0000000, s2;
	s6 =	simm.s32 $0x108;
	_ =	swait.ge @!p0 [sflag:s8], $0x0  }
0x24: {  	s3 =	sadd.s32 $0x88, s3;
	s6 =	simm.s32 @!p1 $0x1082;
	[sflag:s4] =	ssyncset.s32 $0xFFFFF086  }
0x25: {  	[simem:s6], [sflag:s4] =	dma.local [hbm:s3], $0xF7A  }
0x26: {  	[smem:$0x3F95] =	sst s1;
	(tag) =	ssettag s2;
	_ =	strace s9  }
0x27: {  	s1 =	sld [smem:$0x3FA5]  }
0x28: {  	s2 =	sld [smem:$0x3FA6]  }
0x29: {  	s4 =	sld [smem:$0x3FA8]  }
0x2a: {  	p0 =	seq.s32 s5, $0x0;
	s5 =	sld [smem:$0x3FA9]  }
0x2b: {  	s6 =	sld [smem:$0x3FAA]  }
0x2c: {  	s7 =	sld [smem:$0x3FAB]  }
0x2d: {  	s3 =	simm.s32 $0x108;
	s8 =	sld [smem:$0x3FAC]  }
0x2e: {  	s3 =	simm.s32 @!p0 $0x1082;
	s9 =	sld [smem:$0x3FAD]  }
0x2f: {  	lr =	sadd.s32 s0, s3;
	s0 =	sld [smem:$0x3FA4]  }
0x30: {  	s3 =	sld [smem:$0x3FA7]  }
0x31: {  	[smem:$0x3FB0] =	sst s10  }
0x32: {  	s10 =	sld [smem:$0x3FAE];
	_ =	sdelay $0x3  }
0x33: {  	p0 =	seq.s32 s10, $0x1;
	s10 =	sld [smem:$0x3FB0];
	_ =	sdelay $0x3  }
0x34: {  	[smem:$0x3FB0] =	sst s10  }
0x35: {  	s10 =	sld [smem:$0x3FAF];
	_ =	sdelay $0x3  }
0x36: {  	p1 =	seq.s32 s10, $0x1;
	s10 =	sld [smem:$0x3FB0];
	_ =	sdelay $0x3  }
0x37: {  	[smem:$0x3FB0] =	sst s10  }
0x38: {  	s10 =	sld [smem:$0x3FB1]  }
0x39: {  	_ = 	snop;
	(pc) =	sbr.ind lr, $3  }
0x3a: {  	_ = 	snop  }
0x3b: {  	_ = 	snop  }
0x3c: {  	p2 =	seq.s32 s10, $0x1;
	s10 =	sld [smem:$0x3FB0]  }
0x3d: {  	_ =	shalt  }
0x3e: {  	_ =	shalt  }
0x3f: {  	_ =	shalt  }
0x40: {  	_ =	shalt  }
0x41: {  	_ =	shalt  }
0x42: {  	_ =	shalt  }
0x43: {  	_ =	shalt  }
0x44: {  	_ =	shalt  }
0x45: {  	_ =	shalt  }
0x46: {  	_ =	shalt  }
0x47: {  	_ =	shalt  }
0x48: {  	_ =	shalt  }
0x49: {  	_ =	shalt  }
0x4a: {  	_ =	shalt  }
0x4b: {  	_ =	shalt  }
0x4c: {  	_ =	shalt  }
0x4d: {  	_ =	shalt  }
0x4e: {  	_ =	shalt  }
0x4f: {  	_ =	shalt  }
0x50: {  	_ =	shalt  }
0x51: {  	_ =	shalt  }
0x52: {  	_ =	shalt  }
0x53: {  	_ =	shalt  }
0x54: {  	_ =	shalt  }
0x55: {  	_ =	shalt  }
0x56: {  	_ =	shalt  }
0x57: {  	_ =	shalt  }
0x58: {  	_ =	shalt  }
0x59: {  	_ =	shalt  }
0x5a: {  	_ =	shalt  }
0x5b: {  	_ =	shalt  }
0x5c: {  	_ =	shalt  }
0x5d: {  	_ =	shalt  }
0x5e: {  	_ =	shalt  }
0x5f: {  	_ =	shalt  }
0x60: {  	_ =	shalt  }
0x61: {  	_ =	shalt  }
0x62: {  	_ =	shalt  }
0x63: {  	_ =	shalt  }
0x64: {  	_ =	shalt  }
0x65: {  	_ =	shalt  }
0x66: {  	_ =	shalt  }
0x67: {  	_ =	shalt  }
0x68: {  	_ =	shalt  }
0x69: {  	_ =	shalt  }
0x6a: {  	_ =	shalt  }
0x6b: {  	_ =	shalt  }
0x6c: {  	_ =	shalt  }
0x6d: {  	_ =	shalt  }
0x6e: {  	_ =	shalt  }
0x6f: {  	_ =	shalt  }
0x70: {  	_ =	shalt  }
0x71: {  	_ =	shalt  }
0x72: {  	_ =	shalt  }
0x73: {  	_ =	shalt  }
0x74: {  	_ =	shalt  }
0x75: {  	_ =	shalt  }
0x76: {  	_ =	shalt  }
0x77: {  	_ =	shalt  }
0x78: {  	_ =	shalt  }
0x79: {  	_ =	shalt  }
0x7a: {  	_ =	shalt  }
0x7b: {  	_ =	shalt  }
0x7c: {  	_ =	shalt  }
0x7d: {  	_ =	shalt  }
0x7e: {  	_ =	shalt  }
0x7f: {  	_ =	shalt  }
0x80: {  	_ =	shalt  }
0x81: {  	_ =	shalt  }
0x82: {  	_ =	shalt  }
0x83: {  	_ =	shalt  }
0x84: {  	_ =	shalt  }
0x85: {  	_ =	shalt  }
0x86: {  	_ =	shalt  }
0x87: {  	_ =	shalt  }
.Lfunc_end0:
.L_simem_size_0:
called_computation_lowered:
.L_overlay_start_0:
0x88: {  	s2 =	sld [smem:$0x3FD9]  }
0x89: {  	s3 =	sld [smem:$0x3FFE];
	_ =	sdelay $0x1  }
0x8a: {  	s1 =	srdreg.scid  }
0x8b: {  	s0 =	sand.u32 $0x1, s1  }
0x8c: {  	s17 =	sshll.u32 s0, $0xA;
	s2 =	sadd.s32 s3, s2  }
0x8d: {  	s2 =	sadd.s32 s2, s17  }
0x8e: {  	[smem:$0x3FBC] =	sst s2  }
0x8f: {  	_ = 	snop  }
0x90: {  	s2 =	sld [smem:$0x3FC9]  }
0x91: {  	s18 =	sld [smem:$0x3FC8]  }
0x92: {  	s4 =	sld [smem:$0x3FC7]  }
0x93: {  	s5 =	sld [smem:$0x3FC6]  }
0x94: {  	s6 =	sld [smem:$0x3FC5]  }
0x95: {  	s7 =	sld [smem:$0x3FD0];
	(tm) =	ssettm $0x1  }
0x96: {  	s8 =	sld [smem:$0x3FFB];
	_ =	sdelay $0x3  }
0x97: {  	_ =	strace s8  }
0x98: {  	s8 =	sld [smem:$0x3FFC];
	_ =	sdelay $0x3  }
0x99: {  	_ =	strace s8  }
0x9a: {  	s8 =	sld [smem:$0x3FFD];
	_ =	sdelay $0x3  }
0x9b: {  	_ =	strace s8  }
0x9c: {  	_ =	strace $0x8FFFFFFF  }
0x9d: {  	s19 =	sld [smem:$0x3FDB];
	_ =	sdelay $0x1  }
0x9e: {  	s9 =	simm.s32 $_scs_section_size  }
0x9f: {  	s10 =	simm.s32 $_size__tile_overlayer_lowered;
	s11 =	simm.s32 $_tile_overlayer_lowered  }
0xa0: {  	s22 =	simm.s32 $0x1BFF;
	s21 =	sshll.u32 s11, $0x1;
	s8 =	sadd.s32 s9, s19  }
0xa1: {  	s12 =	simm.s32 $0x0;
	s20 =	sshll.u32 s10, $0x1;
	s10 =	sadd.s32 s21, s8  }
0xa2: {  	[timem:s12], [sflag:s22] =	dma.local [hbm:s10], s20  }
0xa3: {  	_ =	swait.ge [sflag:s22], s20  }
0xa4: {  	s9 =	ssub.s32 $0x0, s20;
	[sflag:s22] =	ssyncset.done $0x0  }
0xa5: {  	[sflag:s22] =	ssyncadd.s32 s9;
	_ =	sdelay $0x1  }
0xa6: {  	s23 =	simm.s32 $0x1B8B  }
0xa7: {  	_ =	swait.ge [sflag:s23], $0x1  }
0xa8: {  	[sflag:s23] =	ssyncset.done $0x0  }
0xa9: {  	s25 =	simm.s32 $0x1B8E;
	s24 =	sld [smem:$0x3FFE];
	[sflag:s23] =	ssyncadd.s32 $0xFFFFFFFF  }
0xaa: {  	s26 =	simm.s32 $execute0_lowered;
	[smem:$0x3FD2] =	sst s25  }
0xab: {  	s10 =	sshll.u32 s26, $0x1;
	_ =	strace $0x80000046;
	[dreg:$0x1] =	wrdreg $0xFFFFFFFF  }
0xac: {  	s28 =	simm.s32 $_size_execute0_lowered;
	s8 =	sadd.s32 s8, s10;
	[dreg:$0x0] =	wrdreg $0x0  }
0xad: {  	s10 =	sshll.u32 s28, $0x1;
	[dreg:$0x2] =	wrdreg s8  }
0xae: {  	[dreg:$0x3] =	wrdreg s10  }
0xaf: {  	[dreg:$0x4] =	wrdreg $0xC0  }
0xb0: {  	_ =	task [dreg:s12], $0x5FFFF  }
0xb1: {  	[dreg:$0x1] =	wrdreg $0xFFFFFFFF  }
0xb2: {  	[dreg:$0x0] =	wrdreg $0x60  }
0xb3: {  	[dreg:$0x2] =	wrdreg s2  }
0xb4: {  	[dreg:$0x3] =	wrdreg s18  }
0xb5: {  	[dreg:$0x4] =	wrdreg s4  }
0xb6: {  	[dreg:$0x5] =	wrdreg s5  }
0xb7: {  	[dreg:$0x6] =	wrdreg s6  }
0xb8: {  	[dreg:$0x7] =	wrdreg s24  }
0xb9: {  	[dreg:$0x8] =	wrdreg s7  }
0xba: {  	[dreg:$0x9] =	wrdreg $0x9  }
0xbb: {  	_ =	task.clear_ibuf [dreg:s12], $0xAFFFF;
	_ =	strace $0x90000046  }
0xbc: {  	s29 =	simm.s32 $0x9;
	_ =	strace $0x80000048  }
0xbd: {  	_ =	swait.ge [sflag:s29], $0x1  }
0xbe: {  	[sflag:s29] =	ssyncadd.s32 $0xFFFFFFFF  }
0xbf: {  	_ =	strace $0x90000048  }
0xc0: {  	_ =	sfence  }
0xc1: {  	s30 =	sld [smem:$0x0];
	_ =	sdelay $0x2  }
0xc2: {  	s31 =	sshll.u32 s1, $0xD;
	s1 =	sshrl.u32 s1, $0x2  }
0xc3: {  	s3 =	sand.u32 $0x4000, s31;
	s1 =	sadd.s32 s1, s30  }
0xc4: {  	s0 =	sor.u32 s3, s0;
	s1 =	sshll.u32 s1, $0x11  }
0xc5: {  	s0 =	sor.u32 s1, s0  }
0xc6: {  	s0 =	sadd.s32 $0x8F2B, s0  }
0xc7: {  	[sflag:s0] =	ssyncadd.remote.s32 $0x1  }
0xc8: {  	_ =	sfence.sel $0xFFFF  }
0xc9: {  	[dreg:$0x0] =	wrdreg $0xFFFFFFFF;
	(pc) =	sbr.abs _section_cstart, $3  }
0xca: {  	[dreg:$0x1] =	wrdreg $0xFFFFFFFF  }
0xcb: {  	_ =	task.clear_ibuf [dreg:s12], $0x2FFFF;
	_ =	strace $0x9FFFFFFF  }
0xcc: {  	(tm) =	ssettm $0x7FFFFFFF  }
0xcd: {  	_ =	shalt  }
tec
execute0_lowered:
.L_overlay_start_1:
0x0: {  	(tag) =	ssettag $0x1  }
0x1: {  	s0 =	rddreg [dreg:$0x0]  }
0x2: {  	s2 =	rddreg [dreg:$0x1]  }
0x3: {  	s3 =	rddreg [dreg:$0x2]  }
0x4: {  	s8 =	rddreg [dreg:$0x3]  }
0x5: {  	s18 =	rddreg [dreg:$0x4]  }
0x6: {  	s13 =	rddreg [dreg:$0x5]  }
0x7: {  	s19 =	rddreg [dreg:$0x6];
	s1 =	simm.s32 $0x0  }
0x8: {  	s12 =	srdreg.scid;
	s15 =	stileid.u32;
	s25 =	simm.s32 $0x4080  }
0x9: {  	s28 =	simm.s32 $0xA00;
	s29 =	simm.s32 $0x1;
	s30 =	simm.s32 $0x100  }
0xa: {  	s22 =	simm.s32 $0x2;
	s23 =	simm.s32 $0x3;
	s24 =	simm.s32 $0x4  }
0xb: {  	s31 =	simm.s32 $0x5;
	[smem:$0x7FF] =	sst s1;
	s4 =	sadd.s32 $0x43A00, s13  }
0xc: {  	s26 =	sadd.s32 $0x43200, s13;
	s5 =	sadd.s32 $0x41200, s13;
	s6 =	sadd.s32 $0x3F800, s13  }
0xd: {  	s7 =	sadd.s32 $0x3D000, s13;
	s9 =	sadd.s32 $0x38E00, s13;
	s10 =	sadd.s32 $0x2F800, s13  }
0xe: {  	s11 =	sadd.s32 $0x1FE00, s13;
	_ =	strace $0x80000047;
	[dreg:$0x8] =	wrdreg s4  }
0xf: {  	s12 =	sand.u32 $0x1, s12;
	s15 =	sshll.u32 s15, $0x7;
	[dreg:$0x9] =	wrdreg s26  }
0x10: {  	s4 =	sadd.s32 $0x42600, s13;
	s14 =	ssub.s32 $0x2, s12;
	s16 =	sshll.u32 s12, $0x6  }
0x11: {  	s12 =	sadd.s32 $0x2800, s13;
	s13 =	sadd.s32 $0x43C00, s13;
	s17 =	sshrl.u32 s14, $0x1  }
0x12: {  	s26 =	simm.s32 $0x5080;
	s20 =	sor.u32 s16, s15;
	s21 =	ssub.s32 s14, s17  }
0x13: {  	s14 =	sadd.s32 s0, s20;
	s15 =	sadd.s32 s2, s20;
	s16 =	sadd.s32 s3, s20  }
0x14: {  	s17 =	sadd.s32 s8, s20;
	s18 =	sadd.s32 s18, s20;
	s19 =	sadd.s32 s19, s20  }
0x15: {  	s8 =	simm.s32 $0x6;
	s20 =	smax.u32 s21, $0x1;
	s21 =	simm.s32 $0x0  }
.LBB2_1:
0x16: {  	[tilespmem:s1], [sflag:$0x1] =	stream.linear.gather [hbm4b:s14+s1], $0x200, $0x38;
	[tilespmem:$0x9280] =	vst v63  }
0x17: {  	s0 =	simm.s32 $0x200  }
0x18: {  	[tilespmem:s0], [sflag:$0x1] =	stream.linear.gather [hbm4b:s15+s1], $0x200, $0x38;
	[tilespmem:$0x9280] =	vst v63  }
0x19: {  	s3 =	simm.s32 $0x400  }
0x1a: {  	[tilespmem:s3], [sflag:$0x1] =	stream.linear.gather [hbm4b:s16+s1], $0x200, $0x38;
	[tilespmem:$0x9280] =	vst v63  }
0x1b: {  	s2 =	simm.s32 $0x600  }
0x1c: {  	[tilespmem:s2], [sflag:$0x1] =	stream.linear.gather [hbm4b:s17+s1], $0x200, $0x38;
	[tilespmem:$0x9280] =	vst v63  }
0x1d: {  	s3 =	simm.s32 $0x800  }
0x1e: {  	[tilespmem:s3], [sflag:$0x1] =	stream.linear.gather [hbm4b:s18+s1], $0x200, $0x38;
	[tilespmem:$0x9280] =	vst v63  }
0x1f: {  	s2 =	rddreg [dreg:$0x8]  }
0x20: {  	[tilespmem:s25], [sflag:$0x3] =	stream.linear.gather [hbm4b:s2+s1], $0x1000, $0x38;
	[tilespmem:$0x9280] =	vst v63  }
0x21: {  	s3 =	rddreg [dreg:$0x9]  }
0x22: {  	[tilespmem:s26], [sflag:$0x3] =	stream.linear.gather [hbm4b:s3+s1], $0x4000, $0x38;
	[tilespmem:$0x9280] =	vst v63  }
0x23: {  	_ = 	snop  }
0x24: {  	[tilespmem:s28], [sflag:$0x2] =	stream.linear.gather [hbm4b:s13+s1], $0x1680, $0x38;
	[tilespmem:$0x9280] =	vst v63  }
0x25: {  	_ =	swait.ge [sflag:s29], $0x200  }
0x26: {  	[sflag:s29] =	ssyncset.done $0x0  }
0x27: {  	[sflag:s29] =	ssyncadd.s32 $0xFFFFFE00  }
0x28: {  	_ =	swait.ge [sflag:s29], $0x200  }
0x29: {  	[sflag:s29] =	ssyncset.done $0x0  }
0x2a: {  	[sflag:s29] =	ssyncadd.s32 $0xFFFFFE00  }
0x2b: {  	_ =	swait.ge [sflag:s29], $0x200  }
0x2c: {  	[sflag:s29] =	ssyncset.done $0x0  }
0x2d: {  	[sflag:s29] =	ssyncadd.s32 $0xFFFFFE00  }
0x2e: {  	_ =	swait.ge [sflag:s29], $0x200  }
0x2f: {  	[sflag:s29] =	ssyncset.done $0x0  }
0x30: {  	[sflag:s29] =	ssyncadd.s32 $0xFFFFFE00  }
0x31: {  	_ =	swait.ge [sflag:s29], $0x200  }
0x32: {  	[sflag:s29] =	ssyncset.done $0x0  }
0x33: {  	s0 =	simm.s32 $0x0;
	[sflag:s29] =	ssyncadd.s32 $0xFFFFFE00  }
0x34: {  	v2 =	vld [tilespmem:s0+$0x800]  }
0x35: {  	v1 =	vld [tilespmem:s0+$0x400]  }
0x36: {  	v4 =	vld [tilespmem:s0+$0x0]  }
0x37: {  	v0 =	vld [tilespmem:s0+$0x600];
	_ =	sdelay $0x3  }
0x38: {  	v5 =	vld [tilespmem:s0+$0x200];
	v6 =	vshra.s32 v2, $0x7  }
0x39: {  	v7 =	vshrl.u32 v1, $0x7;
	v10 =	vshra.s32 v0, $0x7;
	v4 =	vshll.u32 v4, $0x7  }
0x3a: {  	v2 =	vand.u32 $0x7F, v2;
	v9 =	vmul.u32 $0x68, v6;
	v8 =	vmul.u32 $0x2F0, v6  }
0x3b: {  	v3 =	vshll.u32 v6, $0xC;
	v7 =	vmul.u32 $0x68, v7;
	v6 =	vmul.u32 $0x190, v6  }
0x3c: {  	v11 =	vmul.u32 $0x68, v10;
	v13 =	vmul.u32 $0x190, v10;
	v8 =	vadd.s32 v0, v8  }
0x3d: {  	v12 =	vadd.s32 v5, v7;
	v7 =	vadd.s32 v5, v9;
	v8 =	vshll.u32 v8, $0x7  }
0x3e: {  	v9 =	vshll.u32 v10, $0xC;
	v10 =	vadd.s32 v1, v13;
	v14 =	vor.u32 v2, v8  }
0x3f: {  	s2 =	simm.s32 $0x10;
	s3 =	simm.s32 $0x80;
	v8 =	vadd.s32 v5, v11;
	v5 =	vadd.s32 v1, v6;
	v6 =	vshll.u32 v12, $0x7;
	[tilespmem:s0+$0x2E80] =	vst v14  }
.LBB2_2:
0x40: {  	p0 =	sne.s32 s3, $0x7C0;
	v11 =	vld [tilespmem:s2+$0x800];
	v8 =	vshll.u32 v8, $0x7;
	v7 =	vshll.u32 v7, $0x7;
	v10 =	vshll.u32 v10, $0x7  }
0x41: {  	v9 =	vadd.s32 v4, v9;
	v3 =	vadd.s32 v4, v3;
	v4 =	vshll.u32 v5, $0x7;
	v12 =	vld [tilespmem:s2+$0x400]  }
0x42: {  	v13 =	vand.u32 $0x7F, v0;
	v1 =	vand.u32 $0x7F, v1;
	v7 =	vor.u32 v2, v7;
	v5 =	vld [tilespmem:s2+$0x0]  }
0x43: {  	v1 =	vor.u32 v1, v6;
	v6 =	vor.u32 v13, v8;
	v0 =	vld [tilespmem:s2+$0x600];
	[tilespmem:s0+$0x2880] =	vst v7;
	v7 =	vor.u32 v13, v10  }
0x44: {  	v8 =	vor.u32 v13, v9;
	v9 =	vor.u32 v2, v3;
	v2 =	vor.u32 v2, v4;
	v10 =	vld [tilespmem:s2+$0x200];
	[tilespmem:s0+$0x2480] =	vst v1  }
0x45: {  	v4 =	vshra.s32 v11, $0x7;
	[tilespmem:s0+$0x2680] =	vst v6  }
0x46: {  	v6 =	vshrl.u32 v12, $0x7;
	v13 =	vmul.u32 $0x68, v4;
	v14 =	vmul.u32 $0x2F0, v4;
	[tilespmem:s0+$0x2A80] =	vst v7;
	v1 =	vmovc v12  }
0x47: {  	v3 =	vshll.u32 v4, $0xC;
	v12 =	vmul.u32 $0x190, v4;
	v6 =	vmul.u32 $0x68, v6;
	[tilespmem:s0+$0x2C80] =	vst v2  }
.Ltmp0:
0x48: {  	v4 =	vshll.u32 v5, $0x7;
	v15 =	vshra.s32 v0, $0x7;
	v5 =	vadd.s32 v0, v14;
	[tilespmem:s0+$0x2080] =	vst v8;
	(pc) =	sbr.rel @p0 .LBB2_2-.Ltmp0, $4  }
0x49: {  	v2 =	vand.u32 $0x7F, v11;
	v7 =	vmul.u32 $0x68, v15;
	v5 =	vshll.u32 v5, $0x7;
	[tilespmem:s0+$0x2280] =	vst v9;
	s0 =	smov.u32 s2  }
0x4a: {  	v6 =	vadd.s32 v10, v6;
	v11 =	vmul.u32 $0x190, v15;
	v9 =	vor.u32 v2, v5  }
0x4b: {  	v5 =	vadd.s32 v1, v12;
	v8 =	vadd.s32 v10, v7;
	v7 =	vadd.s32 v10, v13;
	[tilespmem:s0+$0x2E80] =	vst v9  }
0x4c: {  	s2 =	sshra.s32 s3, $0x2;
	s3 =	sadd.s32 $0x40, s3;
	v6 =	vshll.u32 v6, $0x7;
	v9 =	vshll.u32 v15, $0xC;
	v10 =	vadd.s32 v1, v11  }
0x4d: {  	v11 =	vld [tilespmem:s2+$0x800]  }
0x4e: {  	v12 =	vld [tilespmem:s2+$0x400]  }
0x4f: {  	v8 =	vshll.u32 v8, $0x7;
	v13 =	vld [tilespmem:s2+$0x0]  }
0x50: {  	v7 =	vshll.u32 v7, $0x7;
	v10 =	vshll.u32 v10, $0x7;
	v9 =	vadd.s32 v4, v9;
	v61 =	vld [tilespmem:s2+$0x600]  }
0x51: {  	v3 =	vadd.s32 v4, v3;
	v1 =	vand.u32 $0x7F, v1;
	v5 =	vshll.u32 v5, $0x7  }
0x52: {  	v0 =	vand.u32 $0x7F, v0;
	v60 =	vor.u32 v2, v7;
	v1 =	vor.u32 v1, v6  }
0x53: {  	v62 =	vor.u32 v0, v8;
	v63 =	vor.u32 v0, v10;
	v0 =	vor.u32 v0, v9;
	[tilespmem:s0+$0x2880] =	vst v60  }
0x54: {  	v3 =	vor.u32 v2, v3;
	v2 =	vor.u32 v2, v5;
	v16 =	vld [tilespmem:s2+$0x200];
	v17 =	vshra.s32 v11, $0x7  }
0x55: {  	[tilespmem:s0+$0x2480] =	vst v1;
	v1 =	vshrl.u32 v12, $0x7;
	v14 =	vshra.s32 v61, $0x7;
	v21 =	vshll.u32 v13, $0x7  }
0x56: {  	[tilespmem:s0+$0x2680] =	vst v62;
	v11 =	vand.u32 $0x7F, v11;
	v22 =	vand.u32 $0x7F, v12;
	v19 =	vmul.u32 $0x2F0, v17  }
0x57: {  	[tilespmem:s0+$0x2A80] =	vst v63;
	v7 =	vand.u32 $0x7F, v61;
	v18 =	vmul.u32 $0x68, v17;
	v1 =	vmul.u32 $0x68, v1  }
0x58: {  	[tilespmem:s0+$0x2C80] =	vst v2;
	v20 =	vmul.u32 $0x190, v17;
	v2 =	vmul.u32 $0x68, v14;
	v10 =	vadd.s32 v61, v19  }
0x59: {  	[tilespmem:s0+$0x2080] =	vst v0;
	v0 =	vmul.u32 $0x190, v14;
	v9 =	vadd.s32 v16, v18;
	v10 =	vshll.u32 v10, $0x7  }
0x5a: {  	[tilespmem:s0+$0x2280] =	vst v3;
	v1 =	vadd.s32 v16, v1;
	v3 =	vshll.u32 v9, $0x7;
	v10 =	vor.u32 v11, v10  }
0x5b: {  	v2 =	vadd.s32 v16, v2;
	v1 =	vshll.u32 v1, $0x7;
	v3 =	vor.u32 v11, v3;
	[tilespmem:s2+$0x2E80] =	vst v10  }
0x5c: {  	v0 =	vadd.s32 v12, v0;
	v2 =	vshll.u32 v2, $0x7;
	v1 =	vor.u32 v22, v1;
	[tilespmem:s2+$0x2880] =	vst v3  }
0x5d: {  	v0 =	vshll.u32 v0, $0x7;
	v2 =	vor.u32 v7, v2;
	v3 =	vadd.s32 v12, v20;
	[tilespmem:s2+$0x2480] =	vst v1  }
0x5e: {  	v0 =	vor.u32 v7, v0;
	v1 =	vshll.u32 v14, $0xC;
	[tilespmem:s2+$0x2680] =	vst v2;
	v3 =	vshll.u32 v3, $0x7  }
0x5f: {  	v2 =	vshll.u32 v17, $0xC;
	[tilespmem:s2+$0x2A80] =	vst v0;
	v1 =	vadd.s32 v21, v1;
	v3 =	vor.u32 v11, v3  }
0x60: {  	v0 =	vadd.s32 v21, v2;
	v1 =	vor.u32 v7, v1;
	[tilespmem:s2+$0x2C80] =	vst v3  }
0x61: {  	v0 =	vor.u32 v11, v0;
	[tilespmem:s2+$0x2080] =	vst v1  }
0x62: {  	s3 =	simm.s32 $0x3080;
	[tilespmem:s2+$0x2280] =	vst v0;
	s2 =	simm.s32 $0x2080  }
0x63: {  	[tilespmem:s3], [sflag:$0x4] =	stream.indirect.gather [hbm4b:s4+s30], $0x1, s2, s30, $0xb8;
	[tilespmem:$0x9280] =	vst v63  }
0x64: {  	s2 =	simm.s32 $0x2280;
	s3 =	simm.s32 $0x3280  }
0x65: {  	[tilespmem:s3], [sflag:$0x4] =	stream.indirect.gather [hbm4b:s5+s30], $0x1, s2, s30, $0xb8;
	[tilespmem:$0x9280] =	vst v63  }
0x66: {  	s2 =	simm.s32 $0x2480;
	s3 =	simm.s32 $0x3480  }
0x67: {  	[tilespmem:s3], [sflag:$0x4] =	stream.indirect.gather [hbm4b:s6+s30], $0x1, s2, s30, $0xb8;
	[tilespmem:$0x9280] =	vst v63  }
0x68: {  	s2 =	simm.s32 $0x2680;
	s3 =	simm.s32 $0x3680  }
0x69: {  	[tilespmem:s3], [sflag:$0x4] =	stream.indirect.gather [hbm4b:s7+s30], $0x1, s2, s30, $0xb8;
	[tilespmem:$0x9280] =	vst v63  }
0x6a: {  	s2 =	simm.s32 $0x2880;
	s3 =	simm.s32 $0x3880  }
0x6b: {  	[tilespmem:s3], [sflag:$0x4] =	stream.indirect.gather [hbm4b:s9+s30], $0x1, s2, s30, $0xb8;
	[tilespmem:$0x9280] =	vst v63  }
0x6c: {  	s2 =	simm.s32 $0x2A80;
	s3 =	simm.s32 $0x3A80  }
0x6d: {  	[tilespmem:s3], [sflag:$0x4] =	stream.indirect.gather [hbm4b:s10+s30], $0x1, s2, s30, $0xb8;
	[tilespmem:$0x9280] =	vst v63  }
0x6e: {  	s2 =	simm.s32 $0x2C80;
	s3 =	simm.s32 $0x3C80  }
0x6f: {  	[tilespmem:s3], [sflag:$0x4] =	stream.indirect.gather [hbm4b:s11+s30], $0x1, s2, s30, $0xb8;
	[tilespmem:$0x9280] =	vst v63  }
0x70: {  	s2 =	simm.s32 $0x2E80;
	s3 =	simm.s32 $0x3E80  }
0x71: {  	[tilespmem:s3], [sflag:$0x4] =	stream.indirect.gather [hbm4b:s12+s30], $0x1, s2, s30, $0xb8;
	[tilespmem:$0x9280] =	vst v63  }
0x72: {  	s2 =	simm.s32 $0x2180;
	s3 =	simm.s32 $0x3180  }
0x73: {  	[tilespmem:s3], [sflag:$0x5] =	stream.indirect.gather [hbm4b:s4+s30], $0x1, s2, s30, $0xb8;
	[tilespmem:$0x9280] =	vst v63  }
0x74: {  	s2 =	simm.s32 $0x2380;
	s3 =	simm.s32 $0x3380  }
0x75: {  	[tilespmem:s3], [sflag:$0x5] =	stream.indirect.gather [hbm4b:s5+s30], $0x1, s2, s30, $0xb8;
	[tilespmem:$0x9280] =	vst v63  }
0x76: {  	s2 =	simm.s32 $0x2580;
	s3 =	simm.s32 $0x3580  }
0x77: {  	[tilespmem:s3], [sflag:$0x5] =	stream.indirect.gather [hbm4b:s6+s30], $0x1, s2, s30, $0xb8;
	[tilespmem:$0x9280] =	vst v63  }
0x78: {  	s2 =	simm.s32 $0x2780;
	s3 =	simm.s32 $0x3780  }
0x79: {  	[tilespmem:s3], [sflag:$0x5] =	stream.indirect.gather [hbm4b:s7+s30], $0x1, s2, s30, $0xb8;
	[tilespmem:$0x9280] =	vst v63  }
0x7a: {  	s2 =	simm.s32 $0x2980;
	s3 =	simm.s32 $0x3980  }
0x7b: {  	[tilespmem:s3], [sflag:$0x5] =	stream.indirect.gather [hbm4b:s9+s30], $0x1, s2, s30, $0xb8;
	[tilespmem:$0x9280] =	vst v63  }
0x7c: {  	s2 =	simm.s32 $0x2B80;
	s3 =	simm.s32 $0x3B80  }
0x7d: {  	[tilespmem:s3], [sflag:$0x5] =	stream.indirect.gather [hbm4b:s10+s30], $0x1, s2, s30, $0xb8;
	[tilespmem:$0x9280] =	vst v63  }
0x7e: {  	s2 =	simm.s32 $0x2D80;
	s3 =	simm.s32 $0x3D80  }
0x7f: {  	[tilespmem:s3], [sflag:$0x5] =	stream.indirect.gather [hbm4b:s11+s30], $0x1, s2, s30, $0xb8;
	[tilespmem:$0x9280] =	vst v63  }
0x80: {  	s2 =	simm.s32 $0x2F80;
	s3 =	simm.s32 $0x3F80  }
0x81: {  	[tilespmem:s3], [sflag:$0x5] =	stream.indirect.gather [hbm4b:s12+s30], $0x1, s2, s30, $0xb8;
	[tilespmem:$0x9280] =	vst v63  }
0x82: {  	_ =	swait.ge [sflag:s22], $0x1680  }
0x83: {  	[sflag:s22] =	ssyncset.done $0x0  }
0x84: {  	[sflag:s22] =	ssyncadd.s32 $0xFFFFE980  }
0x85: {  	_ =	swait.ge [sflag:s23], $0x1000  }
0x86: {  	[sflag:s23] =	ssyncset.done $0x0  }
0x87: {  	[sflag:s23] =	ssyncadd.s32 $0xFFFFF000  }
0x88: {  	_ =	swait.ge [sflag:s23], $0x4000  }
0x89: {  	[sflag:s23] =	ssyncset.done $0x0  }
0x8a: {  	[sflag:s23] =	ssyncadd.s32 $0xFFFFC000  }
0x8b: {  	v0 =	vld [tilespmem:$0x2000];
	_ =	swait.ge [sflag:s24], $0x100  }
0x8c: {  	[sflag:s24] =	ssyncset.done $0x0  }
0x8d: {  	[sflag:s24] =	ssyncadd.s32 $0xFFFFFF00  }
0x8e: {  	_ =	swait.ge [sflag:s24], $0x100  }
0x8f: {  	[sflag:s24] =	ssyncset.done $0x0  }
0x90: {  	[sflag:s24] =	ssyncadd.s32 $0xFFFFFF00  }
0x91: {  	_ =	swait.ge [sflag:s24], $0x100  }
0x92: {  	[sflag:s24] =	ssyncset.done $0x0  }
0x93: {  	[sflag:s24] =	ssyncadd.s32 $0xFFFFFF00  }
0x94: {  	_ =	swait.ge [sflag:s24], $0x100  }
0x95: {  	[sflag:s24] =	ssyncset.done $0x0  }
0x96: {  	[sflag:s24] =	ssyncadd.s32 $0xFFFFFF00  }
0x97: {  	_ =	swait.ge [sflag:s24], $0x100  }
0x98: {  	[sflag:s24] =	ssyncset.done $0x0  }
0x99: {  	[sflag:s24] =	ssyncadd.s32 $0xFFFFFF00  }
0x9a: {  	_ =	swait.ge [sflag:s24], $0x100  }
0x9b: {  	[sflag:s24] =	ssyncset.done $0x0  }
0x9c: {  	[sflag:s24] =	ssyncadd.s32 $0xFFFFFF00  }
0x9d: {  	_ =	swait.ge [sflag:s24], $0x100  }
0x9e: {  	[sflag:s24] =	ssyncset.done $0x0  }
0x9f: {  	[sflag:s24] =	ssyncadd.s32 $0xFFFFFF00  }
0xa0: {  	_ =	swait.ge [sflag:s24], $0x100  }
0xa1: {  	[sflag:s24] =	ssyncset.done $0x0  }
0xa2: {  	s0 =	simm.s32 $0x0;
	[sflag:s24] =	ssyncadd.s32 $0xFFFFFF00  }
0xa3: {  	v1 =	vld [tilespmem:s0+$0x0];
	_ =	sdelay $0x7  }
0xa4: {  	v2 =	vld.idx.msk [tilespmem:v1+s28+$0x0], $0xffff;
	_ =	sdelay $0x4  }
0xa5: {  	v3 =	vmax.f32 v2, $1.000000020e-24  }
0xa6: {  	v23 =	vshra.s32 v3, $0x1;
	v3 =	vmul.f32 $5.000000000e-01, v3  }
0xa7: {  	v4 =	vsub.s32 $0x5F3759DF, v23  }
0xa8: {  	v24 =	vmul.f32 v4, v3  }
0xa9: {  	v25 =	vld [tilespmem:s0+$0x200]  }
0xaa: {  	v5 =	vmul.f32 v4, v24;
	_ =	sdelay $0x1  }
0xab: {  	v5 =	vsub.f32 $1.500000000e+00, v5  }
0xac: {  	v26 =	vshll.u32 v1, $0x7  }
0xad: {  	v7 =	vadd.s32 v26, v25;
	v4 =	vmul.f32 v4, v5;
	_ =	sdelay $0x1  }
0xae: {  	v3 =	vmul.f32 v4, v3;
	_ =	sdelay $0x1  }
0xaf: {  	v3 =	vmul.f32 v3, v4  }
0xb0: {  	v27 =	vld.idx.msk [tilespmem:v7+s25+$0x0], $0xffff  }
0xb1: {  	v28 =	vadd.s32 $0x80, v25;
	v3 =	vsub.f32 $1.500000000e+00, v3;
	_ =	sdelay $0x1  }
0xb2: {  	v3 =	vmul.f32 v3, v4;
	_ =	sdelay $0x1  }
0xb3: {  	v2 =	vmul.f32 v3, v2;
	v4 =	vmul.f32 v3, v27  }
0xb4: {  	v29 =	vld.idx.msk [tilespmem:v28+s28+$0x0], $0xffff  }
0xb5: {  	v2 =	vmul.f32 v2, v3;
	v4 =	vadd.f32 v4, v4;
	_ =	sdelay $0x1  }
0xb6: {  	v30 =	vld [tilespmem:s0+$0x400];
	v2 =	vadd.f32 v4, v2;
	_ =	sdelay $0x1  }
0xb7: {  	v2 =	vadd.f32 v2, v29;
	_ =	sdelay $0x1  }
0xb8: {  	v31 =	vmax.f32 v2, $1.000000020e-24  }
0xb9: {  	v32 =	vshrl.u32 v30, $0x2;
	v33 =	vshra.s32 v31, $0x1;
	v4 =	vmul.f32 $5.000000000e-01, v31  }
0xba: {  	v5 =	vand.u32 $0x1FFFFE0, v32;
	v8 =	vsub.s32 $0x5F3759DF, v33  }
0xbb: {  	v5 =	vadd.s32 v1, v5;
	v34 =	vmul.f32 v8, v4  }
0xbc: {  	v35 =	vand.u32 $0x7F, v30;
	v5 =	vshll.u32 v5, $0x7  }
0xbd: {  	v5 =	vor.u32 v35, v5;
	v9 =	vmul.f32 v8, v34;
	_ =	sdelay $0x1  }
0xbe: {  	v9 =	vsub.f32 $1.500000000e+00, v9;
	_ =	sdelay $0x1  }
0xbf: {  	v8 =	vmul.f32 v8, v9  }
0xc0: {  	v5 =	vld.idx.msk [tilespmem:v5+s26+$0x0], $0xffff  }
0xc1: {  	v4 =	vmul.f32 v8, v4  }
0xc2: {  	v36 =	vld [tilespmem:s0+$0x3480]  }
0xc3: {  	v4 =	vmul.f32 v4, v8;
	_ =	sdelay $0x1  }
0xc4: {  	v37 =	vadd.s32 $0x100, v30;
	v5 =	vmul.f32 v3, v5;
	v4 =	vsub.f32 $1.500000000e+00, v4;
	_ =	sdelay $0x1  }
0xc5: {  	v5 =	vadd.f32 v36, v5;
	v4 =	vmul.f32 v4, v8;
	_ =	sdelay $0x1  }
0xc6: {  	v2 =	vmul.f32 v4, v2;
	v5 =	vmul.f32 v4, v5  }
0xc7: {  	v38 =	vld.idx.msk [tilespmem:v37+s28+$0x0], $0xffff  }
0xc8: {  	v2 =	vmul.f32 v2, v4;
	v5 =	vadd.f32 v5, v5;
	_ =	sdelay $0x1  }
0xc9: {  	v2 =	vadd.f32 v5, v2;
	_ =	sdelay $0x1  }
0xca: {  	v2 =	vadd.f32 v2, v38;
	_ =	sdelay $0x1  }
0xcb: {  	v39 =	vmax.f32 v2, $1.000000020e-24  }
0xcc: {  	v40 =	vshra.s32 v39, $0x1;
	v5 =	vmul.f32 $5.000000000e-01, v39  }
0xcd: {  	v8 =	vsub.s32 $0x5F3759DF, v40  }
0xce: {  	v41 =	vmul.f32 v8, v5;
	_ =	sdelay $0x1  }
0xcf: {  	v9 =	vmul.f32 v8, v41  }
0xd0: {  	v42 =	vld [tilespmem:s0+$0x3080]  }
0xd1: {  	v9 =	vsub.f32 $1.500000000e+00, v9  }
0xd2: {  	v43 =	vld [tilespmem:s0+$0x3680]  }
0xd3: {  	v8 =	vmul.f32 v8, v9  }
0xd4: {  	v44 =	vld [tilespmem:s0+$0x600]  }
0xd5: {  	v10 =	vmul.f32 v3, v42;
	v5 =	vmul.f32 v8, v5  }
0xd6: {  	v45 =	vld [tilespmem:s0+$0x3A80]  }
0xd7: {  	v10 =	vadd.f32 v43, v10;
	v5 =	vmul.f32 v5, v8;
	_ =	sdelay $0x1  }
0xd8: {  	v46 =	vadd.s32 $0x300, v44;
	v10 =	vmul.f32 v4, v10;
	v5 =	vsub.f32 $1.500000000e+00, v5;
	_ =	sdelay $0x1  }
0xd9: {  	v47 =	vadd.f32 v10, v45;
	v5 =	vmul.f32 v5, v8;
	_ =	sdelay $0x1  }
0xda: {  	v2 =	vmul.f32 v5, v2;
	v8 =	vmul.f32 v5, v47  }
0xdb: {  	v48 =	vld.idx.msk [tilespmem:v46+s28+$0x0], $0xffff  }
0xdc: {  	v2 =	vmul.f32 v2, v5;
	v8 =	vadd.f32 v8, v8;
	_ =	sdelay $0x1  }
0xdd: {  	v2 =	vadd.f32 v8, v2;
	_ =	sdelay $0x1  }
0xde: {  	v2 =	vadd.f32 v2, v48;
	_ =	sdelay $0x1  }
0xdf: {  	v49 =	vmax.f32 v2, $1.000000020e-24  }
0xe0: {  	v50 =	vshra.s32 v49, $0x1;
	v8 =	vmul.f32 $5.000000000e-01, v49  }
0xe1: {  	v51 =	vld [tilespmem:s0+$0x3280];
	v10 =	vsub.s32 $0x5F3759DF, v50  }
0xe2: {  	v52 =	vmul.f32 v10, v8  }
0xe3: {  	v53 =	vld [tilespmem:s0+$0x3880]  }
0xe4: {  	v12 =	vmul.f32 v10, v52;
	_ =	sdelay $0x1  }
0xe5: {  	v11 =	vmul.f32 v3, v51;
	v12 =	vsub.f32 $1.500000000e+00, v12  }
0xe6: {  	v54 =	vld [tilespmem:s0+$0x3C80]  }
0xe7: {  	v11 =	vadd.f32 v53, v11;
	v10 =	vmul.f32 v10, v12  }
0xe8: {  	v55 =	vld [tilespmem:s0+$0x800]  }
0xe9: {  	v11 =	vmul.f32 v4, v11;
	v8 =	vmul.f32 v10, v8  }
0xea: {  	v56 =	vld [tilespmem:s0+$0x3E80]  }
0xeb: {  	v11 =	vadd.f32 v11, v54;
	v8 =	vmul.f32 v8, v10;
	_ =	sdelay $0x1  }
0xec: {  	v57 =	vadd.s32 $0x600, v55;
	v11 =	vmul.f32 v5, v11;
	v8 =	vsub.f32 $1.500000000e+00, v8;
	_ =	sdelay $0x1  }
0xed: {  	v58 =	vadd.f32 v11, v56;
	v8 =	vmul.f32 v8, v10;
	_ =	sdelay $0x1  }
0xee: {  	v2 =	vmul.f32 v8, v2;
	v10 =	vmul.f32 v8, v58  }
0xef: {  	v59 =	vld.idx.msk [tilespmem:v57+s28+$0x0], $0xffff;
	v1 =	vadd.s32 $0xB00, v1  }
0xf0: {  	v2 =	vmul.f32 v2, v8;
	v10 =	vadd.f32 v10, v10  }
0xf1: {  	v6 =	vadd.s32 $0xB80, v25  }
0xf2: {  	v2 =	vadd.f32 v10, v2;
	_ =	sdelay $0x1  }
0xf3: {  	v1 =	vld.idx.msk [tilespmem:v1+s28+$0x0], $0xffff;
	v2 =	vadd.f32 v2, v59  }
0xf4: {  	v7 =	vadd.s32 $0xC00, v30  }
0xf5: {  	v6 =	vld.idx.msk [tilespmem:v6+s28+$0x0], $0xffff;
	v2 =	vmax.f32 v2, $1.000000020e-24  }
0xf6: {  	v60 =	vshra.s32 v2, $0x1;
	v2 =	vmul.f32 $5.000000000e-01, v2  }
0xf7: {  	v10 =	vsub.s32 $0x5F3759DF, v60  }
0xf8: {  	v1 =	vmul.f32 v3, v1;
	v3 =	vadd.s32 $0xE00, v44;
	v61 =	vmul.f32 v10, v2  }
0xf9: {  	v7 =	vld.idx.msk [tilespmem:v7+s28+$0x0], $0xffff  }
0xfa: {  	v1 =	vadd.f32 v1, v6;
	v62 =	vmul.f32 v10, v61;
	_ =	sdelay $0x1  }
0xfb: {  	v63 =	vadd.s32 $0x1100, v55;
	v1 =	vmul.f32 v4, v1;
	v6 =	vsub.f32 $1.500000000e+00, v62  }
0xfc: {  	v3 =	vld.idx.msk [tilespmem:v3+s28+$0x0], $0xffff  }
0xfd: {  	v1 =	vadd.f32 v1, v7;
	v6 =	vmul.f32 v10, v6;
	_ =	sdelay $0x1  }
0xfe: {  	v1 =	vmul.f32 v5, v1;
	v2 =	vmul.f32 v6, v2  }
0xff: {  	v4 =	vld.idx.msk [tilespmem:v63+s28+$0x0], $0xffff  }
0x100: {  	v1 =	vadd.f32 v1, v3;
	v2 =	vmul.f32 v2, v6;
	_ =	sdelay $0x1  }
0x101: {  	v1 =	vmul.f32 v8, v1;
	v2 =	vsub.f32 $1.500000000e+00, v2;
	_ =	sdelay $0x1  }
0x102: {  	v1 =	vadd.f32 v1, v4;
	v2 =	vmul.f32 v2, v6;
	_ =	sdelay $0x1  }
0x103: {  	v1 =	vmul.f32 v2, v1;
	_ =	sdelay $0x1  }
0x104: {  	v1 =	vadd.f32 v1, v0;
	_ =	sdelay $0x1  }
0x105: {  	v1 =	vsub.f32 $0.0e+00, v1;
	_ =	sdelay $0x1  }
0x106: {  	v1 =	vmul.f32 $1.442695020e+00, v1;
	_ =	sdelay $0x1  }
0x107: {  	(erf) = vpow2.f32 v1;
	_ =	sdelay $0x8  }
0x108: {  	v1 =	vpop (erf)  }
0x109: {  	v1 =	vadd.f32 $1.000000000e+00, v1;
	_ =	sdelay $0x1  }
0x10a: {  	(erf) = vrcp.f32 v1;
	_ =	sdelay $0x1  }
0x10b: {  	s3 =	simm.s32 $0x10;
	s2 =	simm.s32 $0x80  }
.LBB2_4:
0x10c: {  	p0 =	sne.s32 s2, $0x3C0;
	v2 =	vld [tilespmem:s3+$0x0];
	_ =	sdelay $0x5  }
0x10d: {  	v1 =	vpop (erf)  }
0x10e: {  	[tilespmem:s0+$0x9080] =	vst v1;
	s0 =	smov.u32 s3  }
0x10f: {  	v3 =	vld.idx.msk [tilespmem:v2+s28+$0x0], $0xffff;
	_ =	sdelay $0x5  }
0x110: {  	v1 =	vmax.f32 v3, $1.000000020e-24  }
0x111: {  	v4 =	vshra.s32 v1, $0x1;
	v1 =	vmul.f32 $5.000000000e-01, v1  }
0x112: {  	v4 =	vsub.s32 $0x5F3759DF, v4  }
0x113: {  	v6 =	vmul.f32 v4, v1;
	v5 =	vld [tilespmem:s0+$0x200];
	_ =	sdelay $0x1  }
0x114: {  	v6 =	vmul.f32 v4, v6;
	_ =	sdelay $0x1  }
0x115: {  	v7 =	vshll.u32 v2, $0x7;
	v6 =	vsub.f32 $1.500000000e+00, v6  }
0x116: {  	v7 =	vadd.s32 v7, v5  }
0x117: {  	v8 =	vadd.s32 $0xB00, v2;
	v4 =	vmul.f32 v4, v6;
	_ =	sdelay $0x1  }
0x118: {  	v1 =	vmul.f32 v4, v1;
	_ =	sdelay $0x1  }
0x119: {  	v1 =	vmul.f32 v1, v4;
	v6 =	vld.idx.msk [tilespmem:v7+s25+$0x0], $0xffff  }
0x11a: {  	v7 =	vadd.s32 $0x80, v5;
	v8 =	vld.idx.msk [tilespmem:v8+s28+$0x0], $0xffff  }
0x11b: {  	v1 =	vsub.f32 $1.500000000e+00, v1;
	_ =	sdelay $0x1  }
0x11c: {  	v1 =	vmul.f32 v1, v4;
	_ =	sdelay $0x1  }
0x11d: {  	v3 =	vmul.f32 v1, v3;
	v6 =	vmul.f32 v1, v6;
	v4 =	vld.idx.msk [tilespmem:v7+s28+$0x0], $0xffff  }
0x11e: {  	v7 =	vmul.f32 v1, v8  }
0x11f: {  	v3 =	vmul.f32 v3, v1;
	v6 =	vadd.f32 v6, v6  }
0x120: {  	v8 =	vld [tilespmem:s0+$0x400]  }
0x121: {  	v3 =	vadd.f32 v6, v3;
	_ =	sdelay $0x1  }
0x122: {  	v3 =	vadd.f32 v3, v4;
	_ =	sdelay $0x1  }
0x123: {  	v6 =	vmax.f32 v3, $1.000000020e-24;
	v4 =	vshrl.u32 v8, $0x2  }
0x124: {  	v9 =	vshra.s32 v6, $0x1;
	v6 =	vmul.f32 $5.000000000e-01, v6;
	v4 =	vand.u32 $0x1FFFFE0, v4  }
0x125: {  	v2 =	vadd.s32 v2, v4;
	v4 =	vsub.s32 $0x5F3759DF, v9  }
0x126: {  	v9 =	vand.u32 $0x7F, v8;
	v2 =	vshll.u32 v2, $0x7;
	v10 =	vmul.f32 v4, v6  }
0x127: {  	v2 =	vor.u32 v9, v2  }
0x128: {  	v9 =	vmul.f32 v4, v10;
	_ =	sdelay $0x1  }
0x129: {  	v5 =	vadd.s32 $0xB80, v5;
	v9 =	vsub.f32 $1.500000000e+00, v9;
	_ =	sdelay $0x1  }
0x12a: {  	v2 =	vld.idx.msk [tilespmem:v2+s26+$0x0], $0xffff;
	v4 =	vmul.f32 v4, v9;
	_ =	sdelay $0x1  }
0x12b: {  	v9 =	vld [tilespmem:s0+$0x3480];
	v6 =	vmul.f32 v4, v6  }
0x12c: {  	v5 =	vld.idx.msk [tilespmem:v5+s28+$0x0], $0xffff  }
0x12d: {  	v6 =	vmul.f32 v6, v4  }
0x12e: {  	v10 =	vadd.s32 $0x100, v8  }
0x12f: {  	v2 =	vmul.f32 v1, v2;
	v6 =	vsub.f32 $1.500000000e+00, v6;
	_ =	sdelay $0x1  }
0x130: {  	v2 =	vadd.f32 v9, v2;
	v4 =	vmul.f32 v6, v4  }
0x131: {  	v5 =	vadd.f32 v7, v5  }
0x132: {  	v6 =	vld.idx.msk [tilespmem:v10+s28+$0x0], $0xffff;
	v3 =	vmul.f32 v4, v3;
	v2 =	vmul.f32 v4, v2  }
0x133: {  	v5 =	vmul.f32 v4, v5  }
0x134: {  	v3 =	vmul.f32 v3, v4;
	v2 =	vadd.f32 v2, v2;
	_ =	sdelay $0x1  }
0x135: {  	v2 =	vadd.f32 v2, v3;
	_ =	sdelay $0x1  }
0x136: {  	v2 =	vadd.f32 v2, v6;
	_ =	sdelay $0x1  }
0x137: {  	v3 =	vmax.f32 v2, $1.000000020e-24  }
0x138: {  	v6 =	vshra.s32 v3, $0x1;
	v3 =	vmul.f32 $5.000000000e-01, v3  }
0x139: {  	v6 =	vsub.s32 $0x5F3759DF, v6  }
0x13a: {  	v7 =	vmul.f32 v6, v3;
	_ =	sdelay $0x1  }
0x13b: {  	v7 =	vmul.f32 v6, v7  }
0x13c: {  	v9 =	vld [tilespmem:s0+$0x3080]  }
0x13d: {  	v8 =	vadd.s32 $0xC00, v8;
	v7 =	vsub.f32 $1.500000000e+00, v7  }
0x13e: {  	v10 =	vld [tilespmem:s0+$0x3680]  }
0x13f: {  	v11 =	vld [tilespmem:s0+$0x600];
	v6 =	vmul.f32 v6, v7;
	_ =	sdelay $0x1  }
0x140: {  	v7 =	vld [tilespmem:s0+$0x3A80];
	v9 =	vmul.f32 v1, v9;
	v3 =	vmul.f32 v6, v3  }
0x141: {  	v8 =	vld.idx.msk [tilespmem:v8+s28+$0x0], $0xffff  }
0x142: {  	v9 =	vadd.f32 v10, v9;
	v3 =	vmul.f32 v3, v6  }
0x143: {  	v10 =	vadd.s32 $0x300, v11  }
0x144: {  	v3 =	vsub.f32 $1.500000000e+00, v3;
	v9 =	vmul.f32 v4, v9;
	_ =	sdelay $0x1  }
0x145: {  	v3 =	vmul.f32 v3, v6;
	v6 =	vadd.f32 v9, v7  }
0x146: {  	v5 =	vadd.f32 v5, v8  }
0x147: {  	v7 =	vld.idx.msk [tilespmem:v10+s28+$0x0], $0xffff;
	v2 =	vmul.f32 v3, v2;
	v6 =	vmul.f32 v3, v6  }
0x148: {  	v5 =	vmul.f32 v3, v5  }
0x149: {  	v2 =	vmul.f32 v2, v3;
	v6 =	vadd.f32 v6, v6;
	_ =	sdelay $0x1  }
0x14a: {  	v2 =	vadd.f32 v6, v2;
	_ =	sdelay $0x1  }
0x14b: {  	v2 =	vadd.f32 v2, v7;
	_ =	sdelay $0x1  }
0x14c: {  	v6 =	vmax.f32 v2, $1.000000020e-24  }
0x14d: {  	v7 =	vshra.s32 v6, $0x1;
	v6 =	vmul.f32 $5.000000000e-01, v6  }
0x14e: {  	v8 =	vld [tilespmem:s0+$0x3280];
	v7 =	vsub.s32 $0x5F3759DF, v7  }
0x14f: {  	v9 =	vmul.f32 v7, v6  }
0x150: {  	v10 =	vld [tilespmem:s0+$0x3880]  }
0x151: {  	v9 =	vmul.f32 v7, v9;
	_ =	sdelay $0x1  }
0x152: {  	v11 =	vadd.s32 $0xE00, v11;
	v1 =	vmul.f32 v1, v8;
	v8 =	vsub.f32 $1.500000000e+00, v9  }
0x153: {  	v9 =	vld [tilespmem:s0+$0x3C80]  }
0x154: {  	v12 =	vld [tilespmem:s0+$0x800];
	v1 =	vadd.f32 v10, v1;
	v7 =	vmul.f32 v7, v8;
	_ =	sdelay $0x1  }
0x155: {  	v8 =	vld [tilespmem:s0+$0x3E80];
	v6 =	vmul.f32 v7, v6;
	v1 =	vmul.f32 v4, v1  }
0x156: {  	v4 =	vld.idx.msk [tilespmem:v11+s28+$0x0], $0xffff  }
0x157: {  	v6 =	vmul.f32 v6, v7;
	v1 =	vadd.f32 v1, v9  }
0x158: {  	v9 =	vadd.s32 $0x600, v12  }
0x159: {  	v6 =	vsub.f32 $1.500000000e+00, v6;
	v1 =	vmul.f32 v3, v1;
	_ =	sdelay $0x1  }
0x15a: {  	v3 =	vmul.f32 v6, v7;
	v1 =	vadd.f32 v1, v8  }
0x15b: {  	v4 =	vadd.f32 v5, v4  }
0x15c: {  	v5 =	vld.idx.msk [tilespmem:v9+s28+$0x0], $0xffff;
	v2 =	vmul.f32 v3, v2;
	v1 =	vmul.f32 v3, v1  }
0x15d: {  	v4 =	vmul.f32 v3, v4  }
0x15e: {  	v2 =	vmul.f32 v2, v3;
	v1 =	vadd.f32 v1, v1;
	_ =	sdelay $0x1  }
0x15f: {  	v1 =	vadd.f32 v1, v2;
	_ =	sdelay $0x1  }
0x160: {  	v1 =	vadd.f32 v1, v5;
	_ =	sdelay $0x1  }
0x161: {  	v1 =	vmax.f32 v1, $1.000000020e-24  }
0x162: {  	v2 =	vshra.s32 v1, $0x1;
	v1 =	vmul.f32 $5.000000000e-01, v1  }
0x163: {  	v2 =	vsub.s32 $0x5F3759DF, v2  }
0x164: {  	v3 =	vmul.f32 v2, v1;
	_ =	sdelay $0x1  }
0x165: {  	v3 =	vmul.f32 v2, v3  }
0x166: {  	v5 =	vadd.s32 $0x1100, v12  }
0x167: {  	v3 =	vsub.f32 $1.500000000e+00, v3;
	_ =	sdelay $0x1  }
0x168: {  	v2 =	vmul.f32 v2, v3;
	_ =	sdelay $0x1  }
0x169: {  	v3 =	vld.idx.msk [tilespmem:v5+s28+$0x0], $0xffff;
	v1 =	vmul.f32 v2, v1;
	_ =	sdelay $0x1  }
0x16a: {  	v1 =	vmul.f32 v1, v2;
	_ =	sdelay $0x1  }
0x16b: {  	v1 =	vsub.f32 $1.500000000e+00, v1;
	_ =	sdelay $0x1  }
0x16c: {  	v1 =	vmul.f32 v1, v2;
	v2 =	vadd.f32 v4, v3;
	_ =	sdelay $0x1  }
0x16d: {  	v1 =	vmul.f32 v1, v2;
	_ =	sdelay $0x1  }
0x16e: {  	v1 =	vadd.f32 v1, v0;
	_ =	sdelay $0x1  }
0x16f: {  	v1 =	vsub.f32 $0.0e+00, v1;
	_ =	sdelay $0x1  }
0x170: {  	v1 =	vmul.f32 $1.442695020e+00, v1;
	_ =	sdelay $0x1  }
0x171: {  	(erf) = vpow2.f32 v1;
	_ =	sdelay $0x8  }
0x172: {  	v1 =	vpop (erf)  }
.Ltmp1:
0x173: {  	v1 =	vadd.f32 $1.000000000e+00, v1;
	(pc) =	sbr.rel @p0 .LBB2_4-.Ltmp1, $3  }
0x174: {  	_ = 	snop  }
0x175: {  	(erf) = vrcp.f32 v1;
	_ =	sdelay $0x1  }
0x176: {  	s3 =	sshra.s32 s2, $0x2;
	s2 =	sadd.s32 $0x40, s2  }
0x177: {  	v1 =	vld [tilespmem:s3+$0x0];
	_ =	sdelay $0x5  }
0x178: {  	v2 =	vpop (erf)  }
0x179: {  	[tilespmem:s0+$0x9080] =	vst v2  }
0x17a: {  	v2 =	vld.idx.msk [tilespmem:v1+s28+$0x0], $0xffff;
	_ =	sdelay $0x4  }
0x17b: {  	v3 =	vmax.f32 v2, $1.000000020e-24  }
0x17c: {  	v4 =	vshra.s32 v3, $0x1;
	v3 =	vmul.f32 $5.000000000e-01, v3  }
0x17d: {  	v4 =	vsub.s32 $0x5F3759DF, v4  }
0x17e: {  	v5 =	vmul.f32 v4, v3  }
0x17f: {  	v6 =	vld [tilespmem:s3+$0x200]  }
0x180: {  	v5 =	vmul.f32 v4, v5;
	_ =	sdelay $0x1  }
0x181: {  	v5 =	vsub.f32 $1.500000000e+00, v5  }
0x182: {  	v7 =	vshll.u32 v1, $0x7  }
0x183: {  	v7 =	vadd.s32 v7, v6;
	v4 =	vmul.f32 v4, v5;
	_ =	sdelay $0x1  }
0x184: {  	v3 =	vmul.f32 v4, v3;
	_ =	sdelay $0x1  }
0x185: {  	v3 =	vmul.f32 v3, v4  }
0x186: {  	v41 =	vld.idx.msk [tilespmem:v7+s25+$0x0], $0xffff  }
0x187: {  	v42 =	vadd.s32 $0x80, v6;
	v3 =	vsub.f32 $1.500000000e+00, v3;
	_ =	sdelay $0x1  }
0x188: {  	v3 =	vmul.f32 v3, v4;
	_ =	sdelay $0x1  }
0x189: {  	v2 =	vmul.f32 v3, v2;
	v4 =	vmul.f32 v3, v41  }
0x18a: {  	v43 =	vld.idx.msk [tilespmem:v42+s28+$0x0], $0xffff  }
0x18b: {  	v2 =	vmul.f32 v2, v3;
	v4 =	vadd.f32 v4, v4;
	_ =	sdelay $0x1  }
0x18c: {  	v44 =	vld [tilespmem:s3+$0x400];
	v2 =	vadd.f32 v4, v2;
	_ =	sdelay $0x1  }
0x18d: {  	v2 =	vadd.f32 v2, v43;
	_ =	sdelay $0x1  }
0x18e: {  	v45 =	vmax.f32 v2, $1.000000020e-24  }
0x18f: {  	v46 =	vshrl.u32 v44, $0x2;
	v8 =	vshra.s32 v45, $0x1;
	v4 =	vmul.f32 $5.000000000e-01, v45  }
0x190: {  	v5 =	vand.u32 $0x1FFFFE0, v46;
	v8 =	vsub.s32 $0x5F3759DF, v8  }
0x191: {  	v5 =	vadd.s32 v1, v5;
	v9 =	vmul.f32 v8, v4  }
0x192: {  	v10 =	vand.u32 $0x7F, v44;
	v5 =	vshll.u32 v5, $0x7  }
0x193: {  	v5 =	vor.u32 v10, v5;
	v9 =	vmul.f32 v8, v9;
	_ =	sdelay $0x1  }
0x194: {  	v9 =	vsub.f32 $1.500000000e+00, v9;
	_ =	sdelay $0x1  }
0x195: {  	v8 =	vmul.f32 v8, v9  }
0x196: {  	v5 =	vld.idx.msk [tilespmem:v5+s26+$0x0], $0xffff  }
0x197: {  	v4 =	vmul.f32 v8, v4  }
0x198: {  	v47 =	vld [tilespmem:s3+$0x3480]  }
0x199: {  	v4 =	vmul.f32 v4, v8;
	_ =	sdelay $0x1  }
0x19a: {  	v48 =	vadd.s32 $0x100, v44;
	v5 =	vmul.f32 v3, v5;
	v4 =	vsub.f32 $1.500000000e+00, v4;
	_ =	sdelay $0x1  }
0x19b: {  	v5 =	vadd.f32 v47, v5;
	v4 =	vmul.f32 v4, v8;
	_ =	sdelay $0x1  }
0x19c: {  	v2 =	vmul.f32 v4, v2;
	v5 =	vmul.f32 v4, v5  }
0x19d: {  	v49 =	vld.idx.msk [tilespmem:v48+s28+$0x0], $0xffff  }
0x19e: {  	v2 =	vmul.f32 v2, v4;
	v5 =	vadd.f32 v5, v5;
	_ =	sdelay $0x1  }
0x19f: {  	v2 =	vadd.f32 v5, v2;
	_ =	sdelay $0x1  }
0x1a0: {  	v2 =	vadd.f32 v2, v49;
	_ =	sdelay $0x1  }
0x1a1: {  	v50 =	vmax.f32 v2, $1.000000020e-24  }
0x1a2: {  	v51 =	vshra.s32 v50, $0x1;
	v5 =	vmul.f32 $5.000000000e-01, v50  }
0x1a3: {  	v8 =	vsub.s32 $0x5F3759DF, v51  }
0x1a4: {  	v52 =	vmul.f32 v8, v5;
	_ =	sdelay $0x1  }
0x1a5: {  	v9 =	vmul.f32 v8, v52  }
0x1a6: {  	v53 =	vld [tilespmem:s3+$0x3080]  }
0x1a7: {  	v9 =	vsub.f32 $1.500000000e+00, v9  }
0x1a8: {  	v11 =	vld [tilespmem:s3+$0x3680]  }
0x1a9: {  	v8 =	vmul.f32 v8, v9  }
0x1aa: {  	v54 =	vld [tilespmem:s3+$0x600]  }
0x1ab: {  	v10 =	vmul.f32 v3, v53;
	v5 =	vmul.f32 v8, v5  }
0x1ac: {  	v12 =	vld [tilespmem:s3+$0x3A80]  }
0x1ad: {  	v10 =	vadd.f32 v11, v10;
	v5 =	vmul.f32 v5, v8;
	_ =	sdelay $0x1  }
0x1ae: {  	v55 =	vadd.s32 $0x300, v54;
	v10 =	vmul.f32 v4, v10;
	v5 =	vsub.f32 $1.500000000e+00, v5;
	_ =	sdelay $0x1  }
0x1af: {  	v56 =	vadd.f32 v10, v12;
	v5 =	vmul.f32 v5, v8;
	_ =	sdelay $0x1  }
0x1b0: {  	v2 =	vmul.f32 v5, v2;
	v8 =	vmul.f32 v5, v56  }
0x1b1: {  	v57 =	vld.idx.msk [tilespmem:v55+s28+$0x0], $0xffff  }
0x1b2: {  	v2 =	vmul.f32 v2, v5;
	v8 =	vadd.f32 v8, v8;
	_ =	sdelay $0x1  }
0x1b3: {  	v2 =	vadd.f32 v8, v2;
	_ =	sdelay $0x1  }
0x1b4: {  	v2 =	vadd.f32 v2, v57;
	_ =	sdelay $0x1  }
0x1b5: {  	v58 =	vmax.f32 v2, $1.000000020e-24  }
0x1b6: {  	v59 =	vshra.s32 v58, $0x1;
	v8 =	vmul.f32 $5.000000000e-01, v58  }
0x1b7: {  	v60 =	vld [tilespmem:s3+$0x3280];
	v10 =	vsub.s32 $0x5F3759DF, v59  }
0x1b8: {  	v61 =	vmul.f32 v10, v8  }
0x1b9: {  	v13 =	vld [tilespmem:s3+$0x3880]  }
0x1ba: {  	v12 =	vmul.f32 v10, v61;
	_ =	sdelay $0x1  }
0x1bb: {  	v11 =	vmul.f32 v3, v60;
	v12 =	vsub.f32 $1.500000000e+00, v12  }
0x1bc: {  	v14 =	vld [tilespmem:s3+$0x3C80]  }
0x1bd: {  	v11 =	vadd.f32 v13, v11;
	v10 =	vmul.f32 v10, v12  }
0x1be: {  	v62 =	vld [tilespmem:s3+$0x800]  }
0x1bf: {  	v11 =	vmul.f32 v4, v11;
	v8 =	vmul.f32 v10, v8  }
0x1c0: {  	v63 =	vld [tilespmem:s3+$0x3E80]  }
0x1c1: {  	v11 =	vadd.f32 v11, v14;
	v8 =	vmul.f32 v8, v10;
	_ =	sdelay $0x1  }
0x1c2: {  	v16 =	vadd.s32 $0x600, v62;
	v11 =	vmul.f32 v5, v11;
	v8 =	vsub.f32 $1.500000000e+00, v8;
	_ =	sdelay $0x1  }
0x1c3: {  	v17 =	vadd.f32 v11, v63;
	v8 =	vmul.f32 v8, v10;
	_ =	sdelay $0x1  }
0x1c4: {  	v2 =	vmul.f32 v8, v2;
	v10 =	vmul.f32 v8, v17  }
0x1c5: {  	v18 =	vld.idx.msk [tilespmem:v16+s28+$0x0], $0xffff;
	v1 =	vadd.s32 $0xB00, v1  }
0x1c6: {  	v2 =	vmul.f32 v2, v8;
	v10 =	vadd.f32 v10, v10  }
0x1c7: {  	v6 =	vadd.s32 $0xB80, v6  }
0x1c8: {  	v2 =	vadd.f32 v10, v2;
	_ =	sdelay $0x1  }
0x1c9: {  	v1 =	vld.idx.msk [tilespmem:v1+s28+$0x0], $0xffff;
	v2 =	vadd.f32 v2, v18  }
0x1ca: {  	v7 =	vadd.s32 $0xC00, v44  }
0x1cb: {  	v6 =	vld.idx.msk [tilespmem:v6+s28+$0x0], $0xffff;
	v2 =	vmax.f32 v2, $1.000000020e-24  }
0x1cc: {  	v19 =	vshra.s32 v2, $0x1;
	v2 =	vmul.f32 $5.000000000e-01, v2  }
0x1cd: {  	v10 =	vsub.s32 $0x5F3759DF, v19  }
0x1ce: {  	v1 =	vmul.f32 v3, v1;
	v3 =	vadd.s32 $0xE00, v54;
	v20 =	vmul.f32 v10, v2  }
0x1cf: {  	v7 =	vld.idx.msk [tilespmem:v7+s28+$0x0], $0xffff  }
0x1d0: {  	v1 =	vadd.f32 v1, v6;
	v21 =	vmul.f32 v10, v20;
	_ =	sdelay $0x1  }
0x1d1: {  	v22 =	vadd.s32 $0x1100, v62;
	v1 =	vmul.f32 v4, v1;
	v6 =	vsub.f32 $1.500000000e+00, v21  }
0x1d2: {  	v3 =	vld.idx.msk [tilespmem:v3+s28+$0x0], $0xffff  }
0x1d3: {  	v1 =	vadd.f32 v1, v7;
	v6 =	vmul.f32 v10, v6;
	_ =	sdelay $0x1  }
0x1d4: {  	v1 =	vmul.f32 v5, v1;
	v2 =	vmul.f32 v6, v2  }
0x1d5: {  	v4 =	vld.idx.msk [tilespmem:v22+s28+$0x0], $0xffff  }
0x1d6: {  	v1 =	vadd.f32 v1, v3;
	v2 =	vmul.f32 v2, v6;
	_ =	sdelay $0x1  }
0x1d7: {  	v1 =	vmul.f32 v8, v1;
	v2 =	vsub.f32 $1.500000000e+00, v2;
	_ =	sdelay $0x1  }
0x1d8: {  	v1 =	vadd.f32 v1, v4;
	v2 =	vmul.f32 v2, v6;
	_ =	sdelay $0x1  }
0x1d9: {  	v1 =	vmul.f32 v2, v1;
	_ =	sdelay $0x1  }
0x1da: {  	v1 =	vadd.f32 v1, v0;
	_ =	sdelay $0x1  }
0x1db: {  	v1 =	vsub.f32 $0.0e+00, v1;
	_ =	sdelay $0x1  }
0x1dc: {  	v1 =	vmul.f32 $1.442695020e+00, v1;
	_ =	sdelay $0x1  }
0x1dd: {  	(erf) = vpow2.f32 v1;
	_ =	sdelay $0x8  }
0x1de: {  	v1 =	vpop (erf)  }
0x1df: {  	v1 =	vadd.f32 $1.000000000e+00, v1;
	_ =	sdelay $0x1  }
0x1e0: {  	(erf) = vrcp.f32 v1;
	_ =	sdelay $0x8  }
0x1e1: {  	v1 =	vpop (erf)  }
0x1e2: {  	[tilespmem:s3+$0x9080] =	vst v1  }
0x1e3: {  	_ =	swait.ge [sflag:s31], $0x100  }
0x1e4: {  	[sflag:s31] =	ssyncset.done $0x0  }
0x1e5: {  	[sflag:s31] =	ssyncadd.s32 $0xFFFFFF00  }
0x1e6: {  	_ =	swait.ge [sflag:s31], $0x100  }
0x1e7: {  	[sflag:s31] =	ssyncset.done $0x0  }
0x1e8: {  	[sflag:s31] =	ssyncadd.s32 $0xFFFFFF00  }
0x1e9: {  	_ =	swait.ge [sflag:s31], $0x100  }
0x1ea: {  	[sflag:s31] =	ssyncset.done $0x0  }
0x1eb: {  	[sflag:s31] =	ssyncadd.s32 $0xFFFFFF00  }
0x1ec: {  	_ =	swait.ge [sflag:s31], $0x100  }
0x1ed: {  	[sflag:s31] =	ssyncset.done $0x0  }
0x1ee: {  	[sflag:s31] =	ssyncadd.s32 $0xFFFFFF00  }
0x1ef: {  	_ =	swait.ge [sflag:s31], $0x100  }
0x1f0: {  	[sflag:s31] =	ssyncset.done $0x0  }
0x1f1: {  	[sflag:s31] =	ssyncadd.s32 $0xFFFFFF00  }
0x1f2: {  	_ =	swait.ge [sflag:s31], $0x100  }
0x1f3: {  	[sflag:s31] =	ssyncset.done $0x0  }
0x1f4: {  	[sflag:s31] =	ssyncadd.s32 $0xFFFFFF00  }
0x1f5: {  	_ =	swait.ge [sflag:s31], $0x100  }
0x1f6: {  	[sflag:s31] =	ssyncset.done $0x0  }
0x1f7: {  	[sflag:s31] =	ssyncadd.s32 $0xFFFFFF00  }
0x1f8: {  	_ =	swait.ge [sflag:s31], $0x100  }
0x1f9: {  	[sflag:s31] =	ssyncset.done $0x0  }
0x1fa: {  	s0 =	simm.s32 $0x100;
	[sflag:s31] =	ssyncadd.s32 $0xFFFFFF00  }
0x1fb: {  	v1 =	vld [tilespmem:s0+$0x0];
	_ =	sdelay $0x7  }
0x1fc: {  	v2 =	vld.idx.msk [tilespmem:v1+s28+$0x0], $0xffff;
	_ =	sdelay $0x4  }
0x1fd: {  	v3 =	vmax.f32 v2, $1.000000020e-24  }
0x1fe: {  	v23 =	vshra.s32 v3, $0x1;
	v3 =	vmul.f32 $5.000000000e-01, v3  }
0x1ff: {  	v4 =	vsub.s32 $0x5F3759DF, v23  }
0x200: {  	v24 =	vmul.f32 v4, v3  }
0x201: {  	v25 =	vld [tilespmem:s0+$0x200]  }
0x202: {  	v5 =	vmul.f32 v4, v24;
	_ =	sdelay $0x1  }
0x203: {  	v5 =	vsub.f32 $1.500000000e+00, v5  }
0x204: {  	v26 =	vshll.u32 v1, $0x7  }
0x205: {  	v7 =	vadd.s32 v26, v25;
	v4 =	vmul.f32 v4, v5;
	_ =	sdelay $0x1  }
0x206: {  	v3 =	vmul.f32 v4, v3;
	_ =	sdelay $0x1  }
0x207: {  	v3 =	vmul.f32 v3, v4  }
0x208: {  	v27 =	vld.idx.msk [tilespmem:v7+s25+$0x0], $0xffff  }
0x209: {  	v28 =	vadd.s32 $0x80, v25;
	v3 =	vsub.f32 $1.500000000e+00, v3;
	_ =	sdelay $0x1  }
0x20a: {  	v3 =	vmul.f32 v3, v4;
	_ =	sdelay $0x1  }
0x20b: {  	v2 =	vmul.f32 v3, v2;
	v4 =	vmul.f32 v3, v27  }
0x20c: {  	v29 =	vld.idx.msk [tilespmem:v28+s28+$0x0], $0xffff  }
0x20d: {  	v2 =	vmul.f32 v2, v3;
	v4 =	vadd.f32 v4, v4;
	_ =	sdelay $0x1  }
0x20e: {  	v30 =	vld [tilespmem:s0+$0x400];
	v2 =	vadd.f32 v4, v2;
	_ =	sdelay $0x1  }
0x20f: {  	v2 =	vadd.f32 v2, v29;
	_ =	sdelay $0x1  }
0x210: {  	v31 =	vmax.f32 v2, $1.000000020e-24  }
0x211: {  	v32 =	vshrl.u32 v30, $0x2;
	v33 =	vshra.s32 v31, $0x1;
	v4 =	vmul.f32 $5.000000000e-01, v31  }
0x212: {  	v5 =	vand.u32 $0x1FFFFE0, v32;
	v8 =	vsub.s32 $0x5F3759DF, v33  }
0x213: {  	v5 =	vadd.s32 v1, v5;
	v34 =	vmul.f32 v8, v4  }
0x214: {  	v35 =	vand.u32 $0x7F, v30;
	v5 =	vshll.u32 v5, $0x7  }
0x215: {  	v5 =	vor.u32 v35, v5;
	v9 =	vmul.f32 v8, v34;
	_ =	sdelay $0x1  }
0x216: {  	v9 =	vsub.f32 $1.500000000e+00, v9;
	_ =	sdelay $0x1  }
0x217: {  	v8 =	vmul.f32 v8, v9  }
0x218: {  	v5 =	vld.idx.msk [tilespmem:v5+s26+$0x0], $0xffff  }
0x219: {  	v4 =	vmul.f32 v8, v4  }
0x21a: {  	v36 =	vld [tilespmem:s0+$0x3480]  }
0x21b: {  	v4 =	vmul.f32 v4, v8;
	_ =	sdelay $0x1  }
0x21c: {  	v37 =	vadd.s32 $0x100, v30;
	v5 =	vmul.f32 v3, v5;
	v4 =	vsub.f32 $1.500000000e+00, v4;
	_ =	sdelay $0x1  }
0x21d: {  	v5 =	vadd.f32 v36, v5;
	v4 =	vmul.f32 v4, v8;
	_ =	sdelay $0x1  }
0x21e: {  	v2 =	vmul.f32 v4, v2;
	v5 =	vmul.f32 v4, v5  }
0x21f: {  	v38 =	vld.idx.msk [tilespmem:v37+s28+$0x0], $0xffff  }
0x220: {  	v2 =	vmul.f32 v2, v4;
	v5 =	vadd.f32 v5, v5;
	_ =	sdelay $0x1  }
0x221: {  	v2 =	vadd.f32 v5, v2;
	_ =	sdelay $0x1  }
0x222: {  	v2 =	vadd.f32 v2, v38;
	_ =	sdelay $0x1  }
0x223: {  	v39 =	vmax.f32 v2, $1.000000020e-24  }
0x224: {  	v40 =	vshra.s32 v39, $0x1;
	v5 =	vmul.f32 $5.000000000e-01, v39  }
0x225: {  	v8 =	vsub.s32 $0x5F3759DF, v40  }
0x226: {  	v41 =	vmul.f32 v8, v5;
	_ =	sdelay $0x1  }
0x227: {  	v9 =	vmul.f32 v8, v41  }
0x228: {  	v42 =	vld [tilespmem:s0+$0x3080]  }
0x229: {  	v9 =	vsub.f32 $1.500000000e+00, v9  }
0x22a: {  	v43 =	vld [tilespmem:s0+$0x3680]  }
0x22b: {  	v8 =	vmul.f32 v8, v9  }
0x22c: {  	v44 =	vld [tilespmem:s0+$0x600]  }
0x22d: {  	v10 =	vmul.f32 v3, v42;
	v5 =	vmul.f32 v8, v5  }
0x22e: {  	v45 =	vld [tilespmem:s0+$0x3A80]  }
0x22f: {  	v10 =	vadd.f32 v43, v10;
	v5 =	vmul.f32 v5, v8;
	_ =	sdelay $0x1  }
0x230: {  	v46 =	vadd.s32 $0x300, v44;
	v10 =	vmul.f32 v4, v10;
	v5 =	vsub.f32 $1.500000000e+00, v5;
	_ =	sdelay $0x1  }
0x231: {  	v47 =	vadd.f32 v10, v45;
	v5 =	vmul.f32 v5, v8;
	_ =	sdelay $0x1  }
0x232: {  	v2 =	vmul.f32 v5, v2;
	v8 =	vmul.f32 v5, v47  }
0x233: {  	v48 =	vld.idx.msk [tilespmem:v46+s28+$0x0], $0xffff  }
0x234: {  	v2 =	vmul.f32 v2, v5;
	v8 =	vadd.f32 v8, v8;
	_ =	sdelay $0x1  }
0x235: {  	v2 =	vadd.f32 v8, v2;
	_ =	sdelay $0x1  }
0x236: {  	v2 =	vadd.f32 v2, v48;
	_ =	sdelay $0x1  }
0x237: {  	v49 =	vmax.f32 v2, $1.000000020e-24  }
0x238: {  	v50 =	vshra.s32 v49, $0x1;
	v8 =	vmul.f32 $5.000000000e-01, v49  }
0x239: {  	v51 =	vld [tilespmem:s0+$0x3280];
	v10 =	vsub.s32 $0x5F3759DF, v50  }
0x23a: {  	v52 =	vmul.f32 v10, v8  }
0x23b: {  	v53 =	vld [tilespmem:s0+$0x3880]  }
0x23c: {  	v12 =	vmul.f32 v10, v52;
	_ =	sdelay $0x1  }
0x23d: {  	v11 =	vmul.f32 v3, v51;
	v12 =	vsub.f32 $1.500000000e+00, v12  }
0x23e: {  	v54 =	vld [tilespmem:s0+$0x3C80]  }
0x23f: {  	v11 =	vadd.f32 v53, v11;
	v10 =	vmul.f32 v10, v12  }
0x240: {  	v55 =	vld [tilespmem:s0+$0x800]  }
0x241: {  	v11 =	vmul.f32 v4, v11;
	v8 =	vmul.f32 v10, v8  }
0x242: {  	v56 =	vld [tilespmem:s0+$0x3E80]  }
0x243: {  	v11 =	vadd.f32 v11, v54;
	v8 =	vmul.f32 v8, v10;
	_ =	sdelay $0x1  }
0x244: {  	v57 =	vadd.s32 $0x600, v55;
	v11 =	vmul.f32 v5, v11;
	v8 =	vsub.f32 $1.500000000e+00, v8;
	_ =	sdelay $0x1  }
0x245: {  	v58 =	vadd.f32 v11, v56;
	v8 =	vmul.f32 v8, v10;
	_ =	sdelay $0x1  }
0x246: {  	v2 =	vmul.f32 v8, v2;
	v10 =	vmul.f32 v8, v58  }
0x247: {  	v59 =	vld.idx.msk [tilespmem:v57+s28+$0x0], $0xffff;
	v1 =	vadd.s32 $0xB00, v1  }
0x248: {  	v2 =	vmul.f32 v2, v8;
	v10 =	vadd.f32 v10, v10  }
0x249: {  	v6 =	vadd.s32 $0xB80, v25  }
0x24a: {  	v2 =	vadd.f32 v10, v2;
	_ =	sdelay $0x1  }
0x24b: {  	v1 =	vld.idx.msk [tilespmem:v1+s28+$0x0], $0xffff;
	v2 =	vadd.f32 v2, v59  }
0x24c: {  	v7 =	vadd.s32 $0xC00, v30  }
0x24d: {  	v6 =	vld.idx.msk [tilespmem:v6+s28+$0x0], $0xffff;
	v2 =	vmax.f32 v2, $1.000000020e-24  }
0x24e: {  	v60 =	vshra.s32 v2, $0x1;
	v2 =	vmul.f32 $5.000000000e-01, v2  }
0x24f: {  	v10 =	vsub.s32 $0x5F3759DF, v60  }
0x250: {  	v1 =	vmul.f32 v3, v1;
	v3 =	vadd.s32 $0xE00, v44;
	v61 =	vmul.f32 v10, v2  }
0x251: {  	v7 =	vld.idx.msk [tilespmem:v7+s28+$0x0], $0xffff  }
0x252: {  	v1 =	vadd.f32 v1, v6;
	v62 =	vmul.f32 v10, v61;
	_ =	sdelay $0x1  }
0x253: {  	v63 =	vadd.s32 $0x1100, v55;
	v1 =	vmul.f32 v4, v1;
	v6 =	vsub.f32 $1.500000000e+00, v62  }
0x254: {  	v3 =	vld.idx.msk [tilespmem:v3+s28+$0x0], $0xffff  }
0x255: {  	v1 =	vadd.f32 v1, v7;
	v6 =	vmul.f32 v10, v6;
	_ =	sdelay $0x1  }
0x256: {  	v1 =	vmul.f32 v5, v1;
	v2 =	vmul.f32 v6, v2  }
0x257: {  	v4 =	vld.idx.msk [tilespmem:v63+s28+$0x0], $0xffff  }
0x258: {  	v1 =	vadd.f32 v1, v3;
	v2 =	vmul.f32 v2, v6;
	_ =	sdelay $0x1  }
0x259: {  	v1 =	vmul.f32 v8, v1;
	v2 =	vsub.f32 $1.500000000e+00, v2;
	_ =	sdelay $0x1  }
0x25a: {  	v1 =	vadd.f32 v1, v4;
	v2 =	vmul.f32 v2, v6;
	_ =	sdelay $0x1  }
0x25b: {  	v1 =	vmul.f32 v2, v1;
	_ =	sdelay $0x1  }
0x25c: {  	v1 =	vadd.f32 v1, v0;
	_ =	sdelay $0x1  }
0x25d: {  	v1 =	vsub.f32 $0.0e+00, v1;
	_ =	sdelay $0x1  }
0x25e: {  	v1 =	vmul.f32 $1.442695020e+00, v1;
	_ =	sdelay $0x1  }
0x25f: {  	(erf) = vpow2.f32 v1;
	_ =	sdelay $0x8  }
0x260: {  	v1 =	vpop (erf)  }
0x261: {  	v1 =	vadd.f32 $1.000000000e+00, v1;
	_ =	sdelay $0x1  }
0x262: {  	(erf) = vrcp.f32 v1;
	_ =	sdelay $0x1  }
0x263: {  	s2 =	simm.s32 $0x480;
	s3 =	simm.s32 $0x110  }
.LBB2_6:
0x264: {  	p0 =	sne.s32 s2, $0x7C0;
	v2 =	vld [tilespmem:s3+$0x0];
	_ =	sdelay $0x5  }
0x265: {  	v1 =	vpop (erf)  }
0x266: {  	[tilespmem:s0+$0x9080] =	vst v1;
	s0 =	smov.u32 s3  }
0x267: {  	v3 =	vld.idx.msk [tilespmem:v2+s28+$0x0], $0xffff;
	_ =	sdelay $0x5  }
0x268: {  	v1 =	vmax.f32 v3, $1.000000020e-24  }
0x269: {  	v4 =	vshra.s32 v1, $0x1;
	v1 =	vmul.f32 $5.000000000e-01, v1  }
0x26a: {  	v4 =	vsub.s32 $0x5F3759DF, v4  }
0x26b: {  	v6 =	vmul.f32 v4, v1;
	v5 =	vld [tilespmem:s0+$0x200];
	_ =	sdelay $0x1  }
0x26c: {  	v6 =	vmul.f32 v4, v6;
	_ =	sdelay $0x1  }
0x26d: {  	v7 =	vshll.u32 v2, $0x7;
	v6 =	vsub.f32 $1.500000000e+00, v6  }
0x26e: {  	v7 =	vadd.s32 v7, v5  }
0x26f: {  	v8 =	vadd.s32 $0xB00, v2;
	v4 =	vmul.f32 v4, v6;
	_ =	sdelay $0x1  }
0x270: {  	v1 =	vmul.f32 v4, v1;
	_ =	sdelay $0x1  }
0x271: {  	v1 =	vmul.f32 v1, v4;
	v6 =	vld.idx.msk [tilespmem:v7+s25+$0x0], $0xffff  }
0x272: {  	v7 =	vadd.s32 $0x80, v5;
	v8 =	vld.idx.msk [tilespmem:v8+s28+$0x0], $0xffff  }
0x273: {  	v1 =	vsub.f32 $1.500000000e+00, v1;
	_ =	sdelay $0x1  }
0x274: {  	v1 =	vmul.f32 v1, v4;
	_ =	sdelay $0x1  }
0x275: {  	v3 =	vmul.f32 v1, v3;
	v6 =	vmul.f32 v1, v6;
	v4 =	vld.idx.msk [tilespmem:v7+s28+$0x0], $0xffff  }
0x276: {  	v7 =	vmul.f32 v1, v8  }
0x277: {  	v3 =	vmul.f32 v3, v1;
	v6 =	vadd.f32 v6, v6  }
0x278: {  	v8 =	vld [tilespmem:s0+$0x400]  }
0x279: {  	v3 =	vadd.f32 v6, v3;
	_ =	sdelay $0x1  }
0x27a: {  	v3 =	vadd.f32 v3, v4;
	_ =	sdelay $0x1  }
0x27b: {  	v6 =	vmax.f32 v3, $1.000000020e-24;
	v4 =	vshrl.u32 v8, $0x2  }
0x27c: {  	v9 =	vshra.s32 v6, $0x1;
	v6 =	vmul.f32 $5.000000000e-01, v6;
	v4 =	vand.u32 $0x1FFFFE0, v4  }
0x27d: {  	v2 =	vadd.s32 v2, v4;
	v4 =	vsub.s32 $0x5F3759DF, v9  }
0x27e: {  	v9 =	vand.u32 $0x7F, v8;
	v2 =	vshll.u32 v2, $0x7;
	v10 =	vmul.f32 v4, v6  }
0x27f: {  	v2 =	vor.u32 v9, v2  }
0x280: {  	v9 =	vmul.f32 v4, v10;
	_ =	sdelay $0x1  }
0x281: {  	v5 =	vadd.s32 $0xB80, v5;
	v9 =	vsub.f32 $1.500000000e+00, v9;
	_ =	sdelay $0x1  }
0x282: {  	v2 =	vld.idx.msk [tilespmem:v2+s26+$0x0], $0xffff;
	v4 =	vmul.f32 v4, v9;
	_ =	sdelay $0x1  }
0x283: {  	v9 =	vld [tilespmem:s0+$0x3480];
	v6 =	vmul.f32 v4, v6  }
0x284: {  	v5 =	vld.idx.msk [tilespmem:v5+s28+$0x0], $0xffff  }
0x285: {  	v6 =	vmul.f32 v6, v4  }
0x286: {  	v10 =	vadd.s32 $0x100, v8  }
0x287: {  	v2 =	vmul.f32 v1, v2;
	v6 =	vsub.f32 $1.500000000e+00, v6;
	_ =	sdelay $0x1  }
0x288: {  	v2 =	vadd.f32 v9, v2;
	v4 =	vmul.f32 v6, v4  }
0x289: {  	v5 =	vadd.f32 v7, v5  }
0x28a: {  	v6 =	vld.idx.msk [tilespmem:v10+s28+$0x0], $0xffff;
	v3 =	vmul.f32 v4, v3;
	v2 =	vmul.f32 v4, v2  }
0x28b: {  	v5 =	vmul.f32 v4, v5  }
0x28c: {  	v3 =	vmul.f32 v3, v4;
	v2 =	vadd.f32 v2, v2;
	_ =	sdelay $0x1  }
0x28d: {  	v2 =	vadd.f32 v2, v3;
	_ =	sdelay $0x1  }
0x28e: {  	v2 =	vadd.f32 v2, v6;
	_ =	sdelay $0x1  }
0x28f: {  	v3 =	vmax.f32 v2, $1.000000020e-24  }
0x290: {  	v6 =	vshra.s32 v3, $0x1;
	v3 =	vmul.f32 $5.000000000e-01, v3  }
0x291: {  	v6 =	vsub.s32 $0x5F3759DF, v6  }
0x292: {  	v7 =	vmul.f32 v6, v3;
	_ =	sdelay $0x1  }
0x293: {  	v7 =	vmul.f32 v6, v7  }
0x294: {  	v9 =	vld [tilespmem:s0+$0x3080]  }
0x295: {  	v8 =	vadd.s32 $0xC00, v8;
	v7 =	vsub.f32 $1.500000000e+00, v7  }
0x296: {  	v10 =	vld [tilespmem:s0+$0x3680]  }
0x297: {  	v11 =	vld [tilespmem:s0+$0x600];
	v6 =	vmul.f32 v6, v7;
	_ =	sdelay $0x1  }
0x298: {  	v7 =	vld [tilespmem:s0+$0x3A80];
	v9 =	vmul.f32 v1, v9;
	v3 =	vmul.f32 v6, v3  }
0x299: {  	v8 =	vld.idx.msk [tilespmem:v8+s28+$0x0], $0xffff  }
0x29a: {  	v9 =	vadd.f32 v10, v9;
	v3 =	vmul.f32 v3, v6  }
0x29b: {  	v10 =	vadd.s32 $0x300, v11  }
0x29c: {  	v3 =	vsub.f32 $1.500000000e+00, v3;
	v9 =	vmul.f32 v4, v9;
	_ =	sdelay $0x1  }
0x29d: {  	v3 =	vmul.f32 v3, v6;
	v6 =	vadd.f32 v9, v7  }
0x29e: {  	v5 =	vadd.f32 v5, v8  }
0x29f: {  	v7 =	vld.idx.msk [tilespmem:v10+s28+$0x0], $0xffff;
	v2 =	vmul.f32 v3, v2;
	v6 =	vmul.f32 v3, v6  }
0x2a0: {  	v5 =	vmul.f32 v3, v5  }
0x2a1: {  	v2 =	vmul.f32 v2, v3;
	v6 =	vadd.f32 v6, v6;
	_ =	sdelay $0x1  }
0x2a2: {  	v2 =	vadd.f32 v6, v2;
	_ =	sdelay $0x1  }
0x2a3: {  	v2 =	vadd.f32 v2, v7;
	_ =	sdelay $0x1  }
0x2a4: {  	v6 =	vmax.f32 v2, $1.000000020e-24  }
0x2a5: {  	v7 =	vshra.s32 v6, $0x1;
	v6 =	vmul.f32 $5.000000000e-01, v6  }
0x2a6: {  	v8 =	vld [tilespmem:s0+$0x3280];
	v7 =	vsub.s32 $0x5F3759DF, v7  }
0x2a7: {  	v9 =	vmul.f32 v7, v6  }
0x2a8: {  	v10 =	vld [tilespmem:s0+$0x3880]  }
0x2a9: {  	v9 =	vmul.f32 v7, v9;
	_ =	sdelay $0x1  }
0x2aa: {  	v11 =	vadd.s32 $0xE00, v11;
	v1 =	vmul.f32 v1, v8;
	v8 =	vsub.f32 $1.500000000e+00, v9  }
0x2ab: {  	v9 =	vld [tilespmem:s0+$0x3C80]  }
0x2ac: {  	v12 =	vld [tilespmem:s0+$0x800];
	v1 =	vadd.f32 v10, v1;
	v7 =	vmul.f32 v7, v8;
	_ =	sdelay $0x1  }
0x2ad: {  	v8 =	vld [tilespmem:s0+$0x3E80];
	v6 =	vmul.f32 v7, v6;
	v1 =	vmul.f32 v4, v1  }
0x2ae: {  	v4 =	vld.idx.msk [tilespmem:v11+s28+$0x0], $0xffff  }
0x2af: {  	v6 =	vmul.f32 v6, v7;
	v1 =	vadd.f32 v1, v9  }
0x2b0: {  	v9 =	vadd.s32 $0x600, v12  }
0x2b1: {  	v6 =	vsub.f32 $1.500000000e+00, v6;
	v1 =	vmul.f32 v3, v1;
	_ =	sdelay $0x1  }
0x2b2: {  	v3 =	vmul.f32 v6, v7;
	v1 =	vadd.f32 v1, v8  }
0x2b3: {  	v4 =	vadd.f32 v5, v4  }
0x2b4: {  	v5 =	vld.idx.msk [tilespmem:v9+s28+$0x0], $0xffff;
	v2 =	vmul.f32 v3, v2;
	v1 =	vmul.f32 v3, v1  }
0x2b5: {  	v4 =	vmul.f32 v3, v4  }
0x2b6: {  	v2 =	vmul.f32 v2, v3;
	v1 =	vadd.f32 v1, v1;
	_ =	sdelay $0x1  }
0x2b7: {  	v1 =	vadd.f32 v1, v2;
	_ =	sdelay $0x1  }
0x2b8: {  	v1 =	vadd.f32 v1, v5;
	_ =	sdelay $0x1  }
0x2b9: {  	v1 =	vmax.f32 v1, $1.000000020e-24  }
0x2ba: {  	v2 =	vshra.s32 v1, $0x1;
	v1 =	vmul.f32 $5.000000000e-01, v1  }
0x2bb: {  	v2 =	vsub.s32 $0x5F3759DF, v2  }
0x2bc: {  	v3 =	vmul.f32 v2, v1;
	_ =	sdelay $0x1  }
0x2bd: {  	v3 =	vmul.f32 v2, v3  }
0x2be: {  	v5 =	vadd.s32 $0x1100, v12  }
0x2bf: {  	v3 =	vsub.f32 $1.500000000e+00, v3;
	_ =	sdelay $0x1  }
0x2c0: {  	v2 =	vmul.f32 v2, v3;
	_ =	sdelay $0x1  }
0x2c1: {  	v3 =	vld.idx.msk [tilespmem:v5+s28+$0x0], $0xffff;
	v1 =	vmul.f32 v2, v1;
	_ =	sdelay $0x1  }
0x2c2: {  	v1 =	vmul.f32 v1, v2;
	_ =	sdelay $0x1  }
0x2c3: {  	v1 =	vsub.f32 $1.500000000e+00, v1;
	_ =	sdelay $0x1  }
0x2c4: {  	v1 =	vmul.f32 v1, v2;
	v2 =	vadd.f32 v4, v3;
	_ =	sdelay $0x1  }
0x2c5: {  	v1 =	vmul.f32 v1, v2;
	_ =	sdelay $0x1  }
0x2c6: {  	v1 =	vadd.f32 v1, v0;
	_ =	sdelay $0x1  }
0x2c7: {  	v1 =	vsub.f32 $0.0e+00, v1;
	_ =	sdelay $0x1  }
0x2c8: {  	v1 =	vmul.f32 $1.442695020e+00, v1;
	_ =	sdelay $0x1  }
0x2c9: {  	(erf) = vpow2.f32 v1;
	_ =	sdelay $0x8  }
0x2ca: {  	v1 =	vpop (erf)  }
.Ltmp2:
0x2cb: {  	v1 =	vadd.f32 $1.000000000e+00, v1;
	(pc) =	sbr.rel @p0 .LBB2_6-.Ltmp2, $3  }
0x2cc: {  	_ = 	snop  }
0x2cd: {  	(erf) = vrcp.f32 v1;
	_ =	sdelay $0x1  }
0x2ce: {  	s3 =	sshra.s32 s2, $0x2;
	s2 =	sadd.s32 $0x40, s2  }
0x2cf: {  	v1 =	vld [tilespmem:s3+$0x0];
	_ =	sdelay $0x5  }
0x2d0: {  	v2 =	vpop (erf)  }
0x2d1: {  	[tilespmem:s0+$0x9080] =	vst v2  }
0x2d2: {  	v2 =	vld.idx.msk [tilespmem:v1+s28+$0x0], $0xffff;
	_ =	sdelay $0x4  }
0x2d3: {  	v3 =	vmax.f32 v2, $1.000000020e-24  }
0x2d4: {  	v4 =	vshra.s32 v3, $0x1;
	v3 =	vmul.f32 $5.000000000e-01, v3  }
0x2d5: {  	v4 =	vsub.s32 $0x5F3759DF, v4  }
0x2d6: {  	v5 =	vmul.f32 v4, v3  }
0x2d7: {  	v6 =	vld [tilespmem:s3+$0x200]  }
0x2d8: {  	v5 =	vmul.f32 v4, v5;
	_ =	sdelay $0x1  }
0x2d9: {  	v5 =	vsub.f32 $1.500000000e+00, v5  }
0x2da: {  	v7 =	vshll.u32 v1, $0x7  }
0x2db: {  	v7 =	vadd.s32 v7, v6;
	v4 =	vmul.f32 v4, v5;
	_ =	sdelay $0x1  }
0x2dc: {  	v3 =	vmul.f32 v4, v3;
	_ =	sdelay $0x1  }
0x2dd: {  	v3 =	vmul.f32 v3, v4  }
0x2de: {  	v33 =	vld.idx.msk [tilespmem:v7+s25+$0x0], $0xffff  }
0x2df: {  	v34 =	vadd.s32 $0x80, v6;
	v3 =	vsub.f32 $1.500000000e+00, v3;
	_ =	sdelay $0x1  }
0x2e0: {  	v3 =	vmul.f32 v3, v4;
	_ =	sdelay $0x1  }
0x2e1: {  	v2 =	vmul.f32 v3, v2;
	v4 =	vmul.f32 v3, v33  }
0x2e2: {  	v35 =	vld.idx.msk [tilespmem:v34+s28+$0x0], $0xffff  }
0x2e3: {  	v2 =	vmul.f32 v2, v3;
	v4 =	vadd.f32 v4, v4;
	_ =	sdelay $0x1  }
0x2e4: {  	v36 =	vld [tilespmem:s3+$0x400];
	v2 =	vadd.f32 v4, v2;
	_ =	sdelay $0x1  }
0x2e5: {  	v2 =	vadd.f32 v2, v35;
	_ =	sdelay $0x1  }
0x2e6: {  	v37 =	vmax.f32 v2, $1.000000020e-24  }
0x2e7: {  	v38 =	vshrl.u32 v36, $0x2;
	v8 =	vshra.s32 v37, $0x1;
	v4 =	vmul.f32 $5.000000000e-01, v37  }
0x2e8: {  	v5 =	vand.u32 $0x1FFFFE0, v38;
	v8 =	vsub.s32 $0x5F3759DF, v8  }
0x2e9: {  	v5 =	vadd.s32 v1, v5;
	v9 =	vmul.f32 v8, v4  }
0x2ea: {  	v10 =	vand.u32 $0x7F, v36;
	v5 =	vshll.u32 v5, $0x7  }
0x2eb: {  	v5 =	vor.u32 v10, v5;
	v9 =	vmul.f32 v8, v9;
	_ =	sdelay $0x1  }
0x2ec: {  	v9 =	vsub.f32 $1.500000000e+00, v9;
	_ =	sdelay $0x1  }
0x2ed: {  	v8 =	vmul.f32 v8, v9  }
0x2ee: {  	v5 =	vld.idx.msk [tilespmem:v5+s26+$0x0], $0xffff  }
0x2ef: {  	v4 =	vmul.f32 v8, v4  }
0x2f0: {  	v39 =	vld [tilespmem:s3+$0x3480]  }
0x2f1: {  	v4 =	vmul.f32 v4, v8;
	_ =	sdelay $0x1  }
0x2f2: {  	v40 =	vadd.s32 $0x100, v36;
	v5 =	vmul.f32 v3, v5;
	v4 =	vsub.f32 $1.500000000e+00, v4;
	_ =	sdelay $0x1  }
0x2f3: {  	v5 =	vadd.f32 v39, v5;
	v4 =	vmul.f32 v4, v8;
	_ =	sdelay $0x1  }
0x2f4: {  	v2 =	vmul.f32 v4, v2;
	v5 =	vmul.f32 v4, v5  }
0x2f5: {  	v41 =	vld.idx.msk [tilespmem:v40+s28+$0x0], $0xffff  }
0x2f6: {  	v2 =	vmul.f32 v2, v4;
	v5 =	vadd.f32 v5, v5;
	_ =	sdelay $0x1  }
0x2f7: {  	v2 =	vadd.f32 v5, v2;
	_ =	sdelay $0x1  }
0x2f8: {  	v2 =	vadd.f32 v2, v41;
	_ =	sdelay $0x1  }
0x2f9: {  	v42 =	vmax.f32 v2, $1.000000020e-24  }
0x2fa: {  	v43 =	vshra.s32 v42, $0x1;
	v5 =	vmul.f32 $5.000000000e-01, v42  }
0x2fb: {  	v8 =	vsub.s32 $0x5F3759DF, v43  }
0x2fc: {  	v44 =	vmul.f32 v8, v5;
	_ =	sdelay $0x1  }
0x2fd: {  	v9 =	vmul.f32 v8, v44  }
0x2fe: {  	v45 =	vld [tilespmem:s3+$0x3080]  }
0x2ff: {  	v9 =	vsub.f32 $1.500000000e+00, v9  }
0x300: {  	v11 =	vld [tilespmem:s3+$0x3680]  }
0x301: {  	v8 =	vmul.f32 v8, v9  }
0x302: {  	v46 =	vld [tilespmem:s3+$0x600]  }
0x303: {  	v10 =	vmul.f32 v3, v45;
	v5 =	vmul.f32 v8, v5  }
0x304: {  	v12 =	vld [tilespmem:s3+$0x3A80]  }
0x305: {  	v10 =	vadd.f32 v11, v10;
	v5 =	vmul.f32 v5, v8;
	_ =	sdelay $0x1  }
0x306: {  	v47 =	vadd.s32 $0x300, v46;
	v10 =	vmul.f32 v4, v10;
	v5 =	vsub.f32 $1.500000000e+00, v5;
	_ =	sdelay $0x1  }
0x307: {  	v48 =	vadd.f32 v10, v12;
	v5 =	vmul.f32 v5, v8;
	_ =	sdelay $0x1  }
0x308: {  	v2 =	vmul.f32 v5, v2;
	v8 =	vmul.f32 v5, v48  }
0x309: {  	v49 =	vld.idx.msk [tilespmem:v47+s28+$0x0], $0xffff  }
0x30a: {  	v2 =	vmul.f32 v2, v5;
	v8 =	vadd.f32 v8, v8;
	_ =	sdelay $0x1  }
0x30b: {  	v2 =	vadd.f32 v8, v2;
	_ =	sdelay $0x1  }
0x30c: {  	v2 =	vadd.f32 v2, v49;
	_ =	sdelay $0x1  }
0x30d: {  	v50 =	vmax.f32 v2, $1.000000020e-24  }
0x30e: {  	v51 =	vshra.s32 v50, $0x1;
	v8 =	vmul.f32 $5.000000000e-01, v50  }
0x30f: {  	v52 =	vld [tilespmem:s3+$0x3280];
	v10 =	vsub.s32 $0x5F3759DF, v51  }
0x310: {  	v53 =	vmul.f32 v10, v8  }
0x311: {  	v13 =	vld [tilespmem:s3+$0x3880]  }
0x312: {  	v12 =	vmul.f32 v10, v53;
	_ =	sdelay $0x1  }
0x313: {  	v11 =	vmul.f32 v3, v52;
	v12 =	vsub.f32 $1.500000000e+00, v12  }
0x314: {  	v14 =	vld [tilespmem:s3+$0x3C80]  }
0x315: {  	v11 =	vadd.f32 v13, v11;
	v10 =	vmul.f32 v10, v12  }
0x316: {  	v54 =	vld [tilespmem:s3+$0x800]  }
0x317: {  	v11 =	vmul.f32 v4, v11;
	v8 =	vmul.f32 v10, v8  }
0x318: {  	v55 =	vld [tilespmem:s3+$0x3E80]  }
0x319: {  	v11 =	vadd.f32 v11, v14;
	v8 =	vmul.f32 v8, v10;
	_ =	sdelay $0x1  }
0x31a: {  	v56 =	vadd.s32 $0x600, v54;
	v11 =	vmul.f32 v5, v11;
	v8 =	vsub.f32 $1.500000000e+00, v8;
	_ =	sdelay $0x1  }
0x31b: {  	v57 =	vadd.f32 v11, v55;
	v8 =	vmul.f32 v8, v10;
	_ =	sdelay $0x1  }
0x31c: {  	v2 =	vmul.f32 v8, v2;
	v10 =	vmul.f32 v8, v57  }
0x31d: {  	v58 =	vld.idx.msk [tilespmem:v56+s28+$0x0], $0xffff;
	v1 =	vadd.s32 $0xB00, v1  }
0x31e: {  	v2 =	vmul.f32 v2, v8;
	v10 =	vadd.f32 v10, v10  }
0x31f: {  	v6 =	vadd.s32 $0xB80, v6  }
0x320: {  	v2 =	vadd.f32 v10, v2;
	_ =	sdelay $0x1  }
0x321: {  	v1 =	vld.idx.msk [tilespmem:v1+s28+$0x0], $0xffff;
	v2 =	vadd.f32 v2, v58  }
0x322: {  	v7 =	vadd.s32 $0xC00, v36  }
0x323: {  	v6 =	vld.idx.msk [tilespmem:v6+s28+$0x0], $0xffff;
	v2 =	vmax.f32 v2, $1.000000020e-24  }
0x324: {  	v59 =	vshra.s32 v2, $0x1;
	v2 =	vmul.f32 $5.000000000e-01, v2  }
0x325: {  	v10 =	vsub.s32 $0x5F3759DF, v59  }
0x326: {  	v60 =	vadd.s32 $0xE00, v46;
	v1 =	vmul.f32 v3, v1;
	v61 =	vmul.f32 v10, v2  }
0x327: {  	v7 =	vld.idx.msk [tilespmem:v7+s28+$0x0], $0xffff  }
0x328: {  	v1 =	vadd.f32 v1, v6;
	v62 =	vmul.f32 v10, v61;
	_ =	sdelay $0x1  }
0x329: {  	v63 =	vadd.s32 $0x1100, v54;
	v1 =	vmul.f32 v4, v1;
	v6 =	vsub.f32 $1.500000000e+00, v62  }
0x32a: {  	v3 =	vld.idx.msk [tilespmem:v60+s28+$0x0], $0xffff  }
0x32b: {  	v1 =	vadd.f32 v1, v7;
	v6 =	vmul.f32 v10, v6;
	_ =	sdelay $0x1  }
0x32c: {  	v1 =	vmul.f32 v5, v1;
	v2 =	vmul.f32 v6, v2  }
0x32d: {  	v4 =	vld.idx.msk [tilespmem:v63+s28+$0x0], $0xffff  }
0x32e: {  	v1 =	vadd.f32 v1, v3;
	v2 =	vmul.f32 v2, v6;
	_ =	sdelay $0x1  }
0x32f: {  	v1 =	vmul.f32 v8, v1;
	v2 =	vsub.f32 $1.500000000e+00, v2;
	_ =	sdelay $0x1  }
0x330: {  	v1 =	vadd.f32 v1, v4;
	v2 =	vmul.f32 v2, v6;
	_ =	sdelay $0x1  }
0x331: {  	v1 =	vmul.f32 v2, v1;
	_ =	sdelay $0x1  }
0x332: {  	v0 =	vadd.f32 v1, v0;
	_ =	sdelay $0x1  }
0x333: {  	v0 =	vsub.f32 $0.0e+00, v0;
	_ =	sdelay $0x1  }
0x334: {  	v0 =	vmul.f32 $1.442695020e+00, v0;
	_ =	sdelay $0x1  }
0x335: {  	(erf) = vpow2.f32 v0;
	_ =	sdelay $0x8  }
0x336: {  	v0 =	vpop (erf)  }
0x337: {  	v0 =	vadd.f32 $1.000000000e+00, v0;
	_ =	sdelay $0x1  }
0x338: {  	(erf) = vrcp.f32 v0;
	_ =	sdelay $0x7  }
0x339: {  	s21 =	sadd.s32 $0x1, s21  }
0x33a: {  	p0 =	sne.s32 s21, s20;
	v0 =	vpop (erf)  }
.Ltmp3:
0x33b: {  	[tilespmem:s3+$0x9080] =	vst v0;
	s3 =	simm.s32 $0x9080;
	(pc) =	sbr.rel @p0 .LBB2_1-.Ltmp3, $4  }
0x33c: {  	[hbm4b:s19+s1] =	stream.linear.scatter [tilespmem:s3], [sflag:$0x6], $0x200, $0x38;
	[tilespmem:$0x9280] =	vst v63  }
0x33d: {  	_ =	swait.ge [sflag:s8], $0x200  }
0x33e: {  	[sflag:s8] =	ssyncset.done $0x0  }
0x33f: {  	[sflag:s8] =	ssyncadd.s32 $0xFFFFFE00  }
0x340: {  	_ =	sfence.sel $0x180000  }
0x341: {  	[bflag:$0x0] =	sbarrier.arrive $0xFFFF  }
0x342: {  	_ =	strace $0x90000047  }
0x343: {  	s0 =	stileid.u32;
	[bflag:$0x2] =	sbarrier.arrive $0xFFFF  }
0x344: {  	p0 =	sne.s32 s0, $0x0;
	s0 =	rddreg [dreg:$0x7]  }
0x345: {  	s0 =	sadd.s32 @!p0 $0x100000, s0  }
0x346: {  	[sflag:s0] =	ssyncadd.tile.s32 @!p0 $0x1;
	_ =	shalt  }
.Lfunc_end2:
_tile_overlayer_lowered:
.L_overlay_start_2:
0x347: {  	(tag) =	ssettag $0x2  }
0x348: {  	s0 =	rddreg [dreg:$0x0];
	s2 =	stileid.u32  }
0x349: {  	s1 =	rddreg [dreg:$0x1];
	p0 =	sne.s32 s2, $0x0  }
0x34a: {  	s3 =	rddreg [dreg:$0x2];
	[bflag:$0x3] =	sbarrier.arrive $0xFFFF;
	s2 =	simm.s32 @!p0 $0x1C06  }
0x34b: {  	[timem:s3], [sflag:s2] =	dma.local @!p0 [hbm:s0], s1  }
0x34c: {  	s0 =	simm.s32 @!p0 $0x6  }
0x34d: {  	_ =	swait.ge @!p0 [sflag:s0], s1  }
0x34e: {  	s1 =	ssub.s32 @!p0 $0x0, s1;
	[sflag:s0] =	ssyncset.done @!p0 $0x0  }
0x34f: {  	[sflag:s0] =	ssyncadd.s32 @!p0 s1  }
0x350: {  	[bflag:$0x3] =	sbarrier.arrive $0xFFFF  }
0x351: {  	_ =	shalt  }

</sc_bundles>
